<compile_context>
chip_gen: v7x
topology: tpu7x:2x2x1
jax: 0.10.2.dev20260603
libtpu: 0.0.44.dev20260713+nightly
codegen_flags: <defaults>
</compile_context>

<pallas_src>
import functools

import jax
import jax.numpy as jnp
from jax import lax
from jax.experimental import pallas as pl
from jax.experimental.pallas import tpu as pltpu
from jax.experimental.pallas import tpu_sc as plsc

_NUM_CLASSES = 8
_NEG_POS_RATIO = 3

_B, _H, _W, _C = 4, 512, 512, _NUM_CLASSES
_N = _H * _W * _C
_NCORE = 2
_NSUB = 16
_BPC = _B // _NCORE
_NSL = _N // _NSUB
_CH = 8192
_NCHUNK = _NSL // _CH
_VPC = _CH // 16
_UNROLL = 4
_POS_ROW = 128
_MSE_ROW = 129


def _sc_body(y_hbm, o_hbm, w_hbm, ts_hbm, out_hbm, neg_hbm,
             ybuf, obuf, wbuf, negbuf, ybuf2, obuf2, wbuf2, negbuf2,
             cnt_h, sum_h, gcnt, gsum, tsbuf, outbuf, idx_lo, idx_hi,
             sem_a, sem_b, sem_na, sem_nb, sh_cnt, sh_sum):
    core = lax.axis_index("c")
    sid = lax.axis_index("s")
    lanes = lax.iota(jnp.int32, 16)
    onesf = jnp.full((16,), 1.0, jnp.float32)
    zerof = jnp.zeros((16,), jnp.float32)

    def init_idx(i, _):
        v = lanes + i * 16
        idx_lo[pl.ds(i * 16, 16)] = v
        idx_hi[pl.ds(i * 16, 16)] = v + 128
        return 0

    lax.fori_loop(0, 8, init_idx, 0)
    pltpu.sync_copy(ts_hbm, tsbuf)

    def reset_hists():
        plsc.subcore_barrier()

        @plsc.parallel_loop(0, _UNROLL * 256, unroll=8)
        def _(i):
            cnt_h[i] = zerof
            sum_h[i] = zerof

        @pl.when(sid == 0)
        def _():
            pltpu.sync_copy(cnt_h.at[pl.ds(0, 256)], sh_cnt)
            pltpu.sync_copy(sum_h.at[pl.ds(0, 256)], sh_sum)

        plsc.subcore_barrier()

    def combine_hists():
        @plsc.parallel_loop(0, 256, unroll=8)
        def _(i):
            cnt_h[i] = ((cnt_h[i] + cnt_h[i + 256])
                        + (cnt_h[i + 512] + cnt_h[i + 768]))
            sum_h[i] = ((sum_h[i] + sum_h[i + 256])
                        + (sum_h[i + 512] + sum_h[i + 768]))

        pltpu.sync_copy(cnt_h.at[pl.ds(0, 128)], sh_cnt.at[idx_lo], add=True)
        pltpu.sync_copy(cnt_h.at[pl.ds(128, 128)], sh_cnt.at[idx_hi],
                        add=True)
        pltpu.sync_copy(sum_h.at[pl.ds(0, 128)], sh_sum.at[idx_lo], add=True)
        pltpu.sync_copy(sum_h.at[pl.ds(128, 128)], sh_sum.at[idx_hi],
                        add=True)
        plsc.subcore_barrier()
        pltpu.sync_copy(sh_cnt, gcnt)
        pltpu.sync_copy(sh_sum, gsum)

    def search(kk, top_bucket):
        def body(j, carry):
            cum, above, t, r, cnt_t, sum_t, found = carry
            b = top_bucket - 1 - j
            cj = jnp.sum(gcnt[b])
            sj = jnp.sum(gsum[b])
            here = jnp.logical_and(jnp.logical_not(found), cum + cj >= kk)
            t = jnp.where(here, b, t)
            r = jnp.where(here, kk - cum, r)
            cnt_t = jnp.where(here, cj, cnt_t)
            sum_t = jnp.where(here, sj, sum_t)
            above = jnp.where(jnp.logical_or(found, here), above, above + sj)
            return (cum + cj, above, t, r, cnt_t, sum_t,
                    jnp.logical_or(found, here))

        init = (jnp.float32(0), jnp.float32(0), jnp.int32(-1), jnp.float32(0),
                jnp.float32(0), jnp.float32(0), False)
        _, above, t, r, cnt_t, sum_t, _ = lax.fori_loop(
            0, top_bucket, body, init)
        return above, t, r, cnt_t, sum_t

    def start_loads(off, yb, ob, wb, sem):
        pltpu.async_copy(y_hbm.at[pl.ds(off, _CH)], yb, sem)
        pltpu.async_copy(o_hbm.at[pl.ds(off, _CH)], ob, sem)
        pltpu.async_copy(w_hbm.at[pl.ds(off, _CH)], wb, sem)

    def wait_loads(yb, ob, wb, sem):
        pltpu.make_async_copy(y_hbm.at[pl.ds(0, _CH)], yb, sem).wait()
        pltpu.make_async_copy(o_hbm.at[pl.ds(0, _CH)], ob, sem).wait()
        pltpu.make_async_copy(w_hbm.at[pl.ds(0, _CH)], wb, sem).wait()

    def start_neg_load(off, nb, sem):
        pltpu.async_copy(neg_hbm.at[pl.ds(off, _CH)], nb, sem)

    def wait_neg_load(nb, sem):
        pltpu.make_async_copy(neg_hbm.at[pl.ds(0, _CH)], nb, sem).wait()

    def start_neg_store(nb, off, sem):
        pltpu.async_copy(nb, neg_hbm.at[pl.ds(off, _CH)], sem)

    def wait_neg_store(nb, sem):
        pltpu.make_async_copy(nb, neg_hbm.at[pl.ds(0, _CH)], sem).wait()

    def compute_chunk(yb, ob, wb, nb, carry):
        @plsc.parallel_loop(0, _VPC, unroll=2 * _UNROLL, carry=carry)
        def vbody(vi, c2):
            pa, ma = c2
            sec = (vi & (_UNROLL - 1)) << 8
            sl = pl.ds(vi * 16, 16)
            yv = yb[sl]
            ov = ob[sl]
            wv = wb[sl]
            d = ov - yv
            m = d * d
            ma = ma + m
            posm = wv > 0
            pa = pa + jnp.where(posm, wv * m, 0.0)
            negm = jnp.logical_and(ov > 0, jnp.logical_not(posm))
            nv = jnp.where(negm, m, 0.0)
            nb[sl] = nv
            bits = plsc.bitcast(nv, jnp.int32)
            b1 = (bits >> 24) + sec
            plsc.addupdate_scatter(cnt_h, [b1, lanes], onesf)
            plsc.addupdate_scatter(sum_h, [b1, lanes], nv)
            return (pa, ma)

        return vbody

    def sweep1(base):
        start_loads(base, ybuf, obuf, wbuf, sem_a)

        def pair(i, carry):
            off_a = base + (2 * i) * _CH
            wait_loads(ybuf, obuf, wbuf, sem_a)
            start_loads(off_a + _CH, ybuf2, obuf2, wbuf2, sem_b)

            @pl.when(i > 0)
            def _():
                wait_neg_store(negbuf, sem_na)

            carry = compute_chunk(ybuf, obuf, wbuf, negbuf, carry)
            start_neg_store(negbuf, off_a, sem_na)

            wait_loads(ybuf2, obuf2, wbuf2, sem_b)

            @pl.when(i < _NCHUNK // 2 - 1)
            def _():
                start_loads(off_a + 2 * _CH, ybuf, obuf, wbuf, sem_a)

            @pl.when(i > 0)
            def _():
                wait_neg_store(negbuf2, sem_nb)

            carry = compute_chunk(ybuf2, obuf2, wbuf2, negbuf2, carry)
            start_neg_store(negbuf2, off_a + _CH, sem_nb)
            return carry

        pos_a, mse_a = lax.fori_loop(0, _NCHUNK // 2, pair, (zerof, zerof))
        wait_neg_store(negbuf, sem_na)
        wait_neg_store(negbuf2, sem_nb)
        cnt_h[_POS_ROW] = pos_a
        cnt_h[_MSE_ROW] = mse_a

    def hist_chunk(nb, shift, prev_shift, prefix):
        @plsc.parallel_loop(0, _VPC, unroll=2 * _UNROLL)
        def vbody(vi):
            sec = (vi & (_UNROLL - 1)) << 8
            sl = pl.ds(vi * 16, 16)
            nv = nb[sl]
            bits = plsc.bitcast(nv, jnp.int32)
            sel = (bits >> prev_shift) == prefix
            bb = ((bits >> shift) & 0xFF) + sec
            plsc.addupdate_scatter(cnt_h, [bb, lanes], onesf, mask=sel)
            plsc.addupdate_scatter(sum_h, [bb, lanes], nv, mask=sel)

    def sweep_refine(base, shift, prev_shift, prefix):
        def pair(i, _):
            off_a = base + (2 * i) * _CH
            wait_neg_load(ybuf, sem_a)
            start_neg_load(off_a + _CH, ybuf2, sem_b)
            hist_chunk(ybuf, shift, prev_shift, prefix)
            wait_neg_load(ybuf2, sem_b)

            @pl.when(i < _NCHUNK // 2 - 1)
            def _():
                start_neg_load(off_a + 2 * _CH, ybuf, sem_a)

            hist_chunk(ybuf2, shift, prev_shift, prefix)
            return 0

        lax.fori_loop(0, _NCHUNK // 2, pair, 0)

    kvec = jnp.minimum(tsbuf[...].astype(jnp.int32) * _NEG_POS_RATIO,
                       _N).astype(jnp.float32)

    def batch_body(bi, acc):
        loss_acc, mse_acc = acc
        b = core * _BPC + bi
        base = b * _N + sid * _NSL
        bsel = lanes == b
        kk = jnp.sum(jnp.where(bsel, kvec, 0.0))
        tsb = jnp.sum(jnp.where(bsel, tsbuf[...], 0.0))

        with jax.named_scope("reset1"):
            reset_hists()
        with jax.named_scope("sweep1"):
            sweep1(base)
        start_neg_load(base, ybuf, sem_a)
        with jax.named_scope("combine1"):
            combine_hists()
        with jax.named_scope("search1"):
            above1, t1, r1, _, _ = search(kk, 128)
        pos_b = jnp.sum(gcnt[_POS_ROW])
        mse_b = jnp.sum(gcnt[_MSE_ROW])

        with jax.named_scope("reset2"):
            reset_hists()
        with jax.named_scope("sweep2"):
            sweep_refine(base, 16, 24, t1)
        start_neg_load(base, ybuf, sem_a)
        with jax.named_scope("combine2"):
            combine_hists()
        with jax.named_scope("search2"):
            above2, t2, r2, _, _ = search(r1, 256)

        with jax.named_scope("reset3"):
            reset_hists()
        with jax.named_scope("sweep3"):
            sweep_refine(base, 8, 16, (t1 << 8) | t2)
        with jax.named_scope("combine3"):
            combine_hists()
        with jax.named_scope("search3"):
            above3, _, r3, cnt3, sum3 = search(r2, 256)

        mean3_v = jnp.full((16,), sum3) / jnp.maximum(jnp.full((16,), cnt3),
                                                      1.0)
        num_v = jnp.full((16,), pos_b + above1 + above2 + above3) \
            + r3 * mean3_v
        ts_v = jnp.full((16,), tsb)
        safe_ts = jnp.where(ts_v > 0, ts_v, 1.0)
        loss_acc = loss_acc + jnp.where(ts_v > 0, num_v / safe_ts, 0.0)
        mse_acc = mse_acc + mse_b
        return (loss_acc, mse_acc)

    loss_acc, mse_acc = lax.fori_loop(0, _BPC, batch_body, (zerof, zerof))

    plsc.subcore_barrier()

    @pl.when(sid == 0)
    def _():
        outv = jnp.where(lanes == 0, loss_acc,
                         jnp.where(lanes == 1, mse_acc, 0.0))
        outbuf[...] = outv
        pltpu.sync_copy(outbuf, out_hbm.at[core])


@functools.partial(jax.jit, static_argnames=())
def kernel(y, out, w, total_size):
    assert y.shape == (_B, _H, _W, _C)

    def _flat_physical(a):
        return a.reshape(_B, _H, _W // 128, 128, _C).transpose(
            0, 1, 2, 4, 3).reshape(-1)

    y2 = _flat_physical(y)
    o2 = _flat_physical(out)
    w2 = _flat_physical(w)
    ts_pad = jnp.zeros((16,), jnp.float32).at[:_B].set(
        total_size.reshape(-1).astype(jnp.float32))

    mesh = plsc.VectorSubcoreMesh(core_axis_name="c", subcore_axis_name="s",
                                  num_cores=_NCORE, num_subcores=_NSUB)
    fn = pl.kernel(
        _sc_body,
        out_type=(
            jax.ShapeDtypeStruct((_NCORE, 16), jnp.float32),
            jax.ShapeDtypeStruct((_B * _N,), jnp.float32),
        ),
        mesh=mesh,
        compiler_params=pltpu.CompilerParams(needs_layout_passes=False,
                                             use_tc_tiling_on_sc=False),
        scratch_types=[
            pltpu.VMEM((_CH,), jnp.float32),
            pltpu.VMEM((_CH,), jnp.float32),
            pltpu.VMEM((_CH,), jnp.float32),
            pltpu.VMEM((_CH,), jnp.float32),
            pltpu.VMEM((_CH,), jnp.float32),
            pltpu.VMEM((_CH,), jnp.float32),
            pltpu.VMEM((_CH,), jnp.float32),
            pltpu.VMEM((_CH,), jnp.float32),
            pltpu.VMEM((_UNROLL * 256, 16), jnp.float32),
            pltpu.VMEM((_UNROLL * 256, 16), jnp.float32),
            pltpu.VMEM((256, 16), jnp.float32),
            pltpu.VMEM((256, 16), jnp.float32),
            pltpu.VMEM((16,), jnp.float32),
            pltpu.VMEM((16,), jnp.float32),
            pltpu.VMEM((128,), jnp.int32),
            pltpu.VMEM((128,), jnp.int32),
            pltpu.SemaphoreType.DMA,
            pltpu.SemaphoreType.DMA,
            pltpu.SemaphoreType.DMA,
            pltpu.SemaphoreType.DMA,
            pltpu.VMEM_SHARED((256, 16), jnp.float32),
            pltpu.VMEM_SHARED((256, 16), jnp.float32),
        ],
    )
    partials, _neg = fn(y2, o2, w2, ts_pad)
    train_loss = (partials[0, 0] + partials[1, 0]) / _B
    mse_mean = (partials[0, 1] + partials[1, 1]) / (_B * _N)
    return ((train_loss + mse_mean) * 10).reshape(())

# --- scband reference (transcript-rebuilt; emitter-appended) ---
"""Pipeline reference for scband-swm-fprm-loss-28063316313019 (READ-ONLY COPY).

The authoritative reference and input builder live on the scoring server;
editing this copy changes nothing except your own understanding.
"""

import jax, jax.numpy as jnp
import numpy as np

NUM_CLASSES = 8
ALPHA = 1.0
NEG_POS_RATIO = 3


def setup_inputs(seed: int = 0) -> dict:
    key = jax.random.key(seed)
    k1, k2, k3, k4 = jax.random.split(key, 4)
    B, H, W, C = 4, 512, 512, NUM_CLASSES
    y = jax.random.normal(k1, (B, H, W, C), dtype=jnp.float32)
    out = jax.random.normal(k2, (B, H, W, C), dtype=jnp.float32)
    w = jax.random.normal(k3, (B, H, W, C), dtype=jnp.float32)
    total_size = jax.random.randint(k4, (B, 1), 0, 500).astype(jnp.float32)
    return {"y": y, "out": out, "w": w, "total_size": total_size}


def reference(y, out, w, total_size):
    B, H, W, C = y.shape
    N = H * W * C
    y2 = y.reshape(B, -1)
    out2 = out.reshape(B, -1)
    w2 = w.reshape(B, -1)
    ts = total_size.squeeze(1)
    # Positive samples
    pos_idx = (w2 > 0).astype(jnp.float32)
    # False-positive samples: (out > 0) > (w > 0) i.e. out>0 AND NOT w>0
    neg_idx = ((out2 > 0) & jnp.logical_not(w2 > 0)).astype(jnp.float32)
    mse_loss = (out2 - y2) ** 2
    pos_loss = w2 * mse_loss * pos_idx
    neg_loss = mse_loss * neg_idx
    # Negative sampling: per-batch dynamic top-k via full descending sort + rank mask
    sampling = jnp.minimum(
        jax.lax.stop_gradient(ts).astype(jnp.int32) * NEG_POS_RATIO, N
    )
    sorted_neg = -jnp.sort(-neg_loss, axis=1)  # descending
    ranks = jnp.arange(N)
    topk_mask = (ranks[None, :] < sampling[:, None]).astype(jnp.float32)
    neg_sum = (sorted_neg * topk_mask).sum(axis=1)
    pos_sum = pos_loss.sum(axis=1)
    safe_ts = jnp.where(ts > 0, ts, 1.0)
    per_b = jnp.where(ts > 0, (ALPHA * pos_sum + neg_sum) / safe_ts, 0.0)
    train_loss = per_b.sum() / B
    mse_mean = mse_loss.mean()
    return (train_loss + mse_mean) * 10

if __name__ == "__main__":
    import jax
    _d = setup_inputs()
    print(jax.jit(kernel)(*tuple(_d.values())))

</pallas_src>

<mosaic_0001>
#map = affine_map<(d0, d1) -> (0)>
#map1 = affine_map<(d0, d1) -> (0, 0)>
module attributes {stable_mosaic.version = 14 : i64} {
  func.func @_sc_body(%arg0: i32, %arg1: i32, %arg2: memref<8388608xf32, #tpu.memory_space<hbm>>, %arg3: memref<8388608xf32, #tpu.memory_space<hbm>>, %arg4: memref<8388608xf32, #tpu.memory_space<hbm>>, %arg5: memref<16xf32, #tpu.memory_space<hbm>>, %arg6: memref<2x16xf32, #tpu.memory_space<hbm>>, %arg7: memref<8388608xf32, #tpu.memory_space<hbm>>, %arg8: memref<8192xf32, #tpu.memory_space<vmem>>, %arg9: memref<8192xf32, #tpu.memory_space<vmem>>, %arg10: memref<8192xf32, #tpu.memory_space<vmem>>, %arg11: memref<8192xf32, #tpu.memory_space<vmem>>, %arg12: memref<8192xf32, #tpu.memory_space<vmem>>, %arg13: memref<8192xf32, #tpu.memory_space<vmem>>, %arg14: memref<8192xf32, #tpu.memory_space<vmem>>, %arg15: memref<8192xf32, #tpu.memory_space<vmem>>, %arg16: memref<1024x16xf32, #tpu.memory_space<vmem>>, %arg17: memref<1024x16xf32, #tpu.memory_space<vmem>>, %arg18: memref<256x16xf32, #tpu.memory_space<vmem>>, %arg19: memref<256x16xf32, #tpu.memory_space<vmem>>, %arg20: memref<16xf32, #tpu.memory_space<vmem>>, %arg21: memref<16xf32, #tpu.memory_space<vmem>>, %arg22: memref<128xi32, #tpu.memory_space<vmem>>, %arg23: memref<128xi32, #tpu.memory_space<vmem>>, %arg24: memref<!tpu.dma_semaphore, #tpu.memory_space<semaphore_mem>>, %arg25: memref<!tpu.dma_semaphore, #tpu.memory_space<semaphore_mem>>, %arg26: memref<!tpu.dma_semaphore, #tpu.memory_space<semaphore_mem>>, %arg27: memref<!tpu.dma_semaphore, #tpu.memory_space<semaphore_mem>>, %arg28: memref<256x16xf32, #tpu.memory_space<vmem_shared>>, %arg29: memref<256x16xf32, #tpu.memory_space<vmem_shared>>) attributes {dimension_semantics = [#tpu.dimension_semantics<core_parallel>, #tpu.dimension_semantics<subcore_parallel>], iteration_bounds = array<i64: 2, 16>, scalar_prefetch = 0 : i64, scratch_operands = 22 : i64, tpu.core_type = #tpu.core_type<sc_vector_subcore>, window_params = [{transform_indices = #map}, {transform_indices = #map}, {transform_indices = #map}, {transform_indices = #map}, {transform_indices = #map1}, {transform_indices = #map}]} {
    %iota3A = tpu.iota {dimensions = array<i32: 0>} : vector<16xi32>
    %broadcast_in_dim3A = arith.constant 1.000000e+00 : f32
    %broadcast_in_dim3A_0 = vector.broadcast %broadcast_in_dim3A : f32 to vector<16xf32>
    %broadcast_in_dim3A_1 = arith.constant 0.000000e+00 : f32
    %broadcast_in_dim3A_2 = vector.broadcast %broadcast_in_dim3A_1 : f32 to vector<16xf32>
    %scan3A = arith.constant 0 : i32
    %scan3A_3 = arith.constant 0 : i32
    %scan3A_4 = arith.constant 8 : i32
    %scan3A_5 = arith.addi %scan3A_3, %scan3A_4 : i32
    %scan3A_6 = arith.constant 1 : i32
    %scan3A_7 = scf.for %scan3A_24 = %scan3A_3 to %scan3A_5 step %scan3A_6 iter_args(%scan3A_25 = %scan3A) -> (i32)  : i32 {
      %mul3A_26 = arith.constant 16 : i32
      %mul3A_27 = arith.muli %scan3A_24, %mul3A_26 : i32
      %add3A = vector.broadcast %mul3A_27 : i32 to vector<16xi32>
      %add3A_28 = arith.addi %iota3A, %add3A : vector<16xi32>
      %mul3A_29 = arith.constant 16 : i32
      %mul3A_30 = arith.muli %scan3A_24, %mul3A_29 : i32
      %swap3A = arith.index_cast %mul3A_30 : i32 to index
      %swap3A_31 = tpu.vector_load %arg22[%swap3A] {strides = array<i32>} : memref<128xi32, #tpu.memory_space<vmem>>, vector<16xi32>,
      tpu.vector_store %arg22[%swap3A], %add3A_28 {strides = array<i32>} : memref<128xi32, #tpu.memory_space<vmem>>, vector<16xi32>,
      %add3A_32 = arith.constant 128 : i32
      %add3A_33 = vector.broadcast %add3A_32 : i32 to vector<16xi32>
      %add3A_34 = arith.addi %add3A_28, %add3A_33 : vector<16xi32>
      %mul3A_35 = arith.constant 16 : i32
      %mul3A_36 = arith.muli %scan3A_24, %mul3A_35 : i32
      %swap3A_37 = arith.index_cast %mul3A_36 : i32 to index
      %swap3A_38 = tpu.vector_load %arg23[%swap3A_37] {strides = array<i32>} : memref<128xi32, #tpu.memory_space<vmem>>, vector<16xi32>,
      tpu.vector_store %arg23[%swap3A_37], %add3A_34 {strides = array<i32>} : memref<128xi32, #tpu.memory_space<vmem>>, vector<16xi32>,
      %scan3A_39 = arith.constant 0 : i32
      scf.yield %scan3A_39 : i32
    }
    %scan3A_8 = arith.constant 8 : i32
    "tpu.region"() ({
      %run_scoped3A = tpu.sem_alloc : memref<!tpu.dma_semaphore, #tpu.memory_space<semaphore_mem>>
      tpu.enqueue_dma source(%arg5 : memref<16xf32, #tpu.memory_space<hbm>>) target(%arg20 : memref<16xf32, #tpu.memory_space<vmem>>) target_semaphore(%run_scoped3A : memref<!tpu.dma_semaphore, #tpu.memory_space<semaphore_mem>>)
      tpu.wait_dma2 semaphore(%run_scoped3A : memref<!tpu.dma_semaphore, #tpu.memory_space<semaphore_mem>>) src(%arg5 : memref<16xf32, #tpu.memory_space<hbm>>) dst(%arg20 : memref<16xf32, #tpu.memory_space<vmem>>)
      tpu.yield
    }) : () -> ()
    %get3A = arith.constant 0 : index
    %get3A_9 = tpu.vector_load %arg20[%get3A] {strides = array<i32>} : memref<16xf32, #tpu.memory_space<vmem>>, vector<16xf32>,
    %convert_element_type3A = arith.fptosi %get3A_9 : vector<16xf32> to vector<16xi32>
    %mul3A = arith.constant 3 : i32
    %mul3A_10 = vector.broadcast %mul3A : i32 to vector<16xi32>
    %mul3A_11 = arith.muli %convert_element_type3A, %mul3A_10 : vector<16xi32>
    %min3A = arith.constant 2097152 : i32
    %min3A_12 = vector.broadcast %min3A : i32 to vector<16xi32>
    %min3A_13 = arith.minsi %mul3A_11, %min3A_12 : vector<16xi32>
    %convert_element_type3A_14 = arith.sitofp %min3A_13 : vector<16xi32> to vector<16xf32>
    %scan3A_15 = arith.constant 0 : i32
    %scan3A_16 = arith.constant 2 : i32
    %scan3A_17 = arith.addi %scan3A_15, %scan3A_16 : i32
    %scan3A_18 = arith.constant 1 : i32
    %scan3A_19:2 = scf.for %scan3A_24 = %scan3A_15 to %scan3A_17 step %scan3A_18 iter_args(%scan3A_25 = %broadcast_in_dim3A_2, %scan3A_26 = %broadcast_in_dim3A_2) -> (vector<16xf32>, vector<16xf32>)  : i32 {
      %mul3A_27 = arith.constant 2 : i32
      %mul3A_28 = arith.muli %arg0, %mul3A_27 : i32
      %add3A = arith.addi %mul3A_28, %scan3A_24 : i32
      %mul3A_29 = arith.constant 2097152 : i32
      %mul3A_30 = arith.muli %add3A, %mul3A_29 : i32
      %mul3A_31 = arith.constant 131072 : i32
      %mul3A_32 = arith.muli %arg1, %mul3A_31 : i32
      %add3A_33 = arith.addi %mul3A_30, %mul3A_32 : i32
      %eq3A_34 = vector.broadcast %add3A : i32 to vector<16xi32>
      %eq3A_35 = arith.cmpi eq, %iota3A, %eq3A_34 : vector<16xi32>
      %jit3A = arith.constant 0.000000e+00 : f32
      %broadcast_in_dim3A_36 = vector.broadcast %jit3A : f32 to vector<16xf32>
      %select_n3A = arith.select %eq3A_35, %convert_element_type3A_14, %broadcast_in_dim3A_36 : vector<16xi1>, vector<16xf32>
      %reduce_sum3A = arith.constant true
      %reduce_sum3A_37 = vector.broadcast %reduce_sum3A : i1 to vector<16xi1>
      %reduce_sum3A_38 = tpu.scan <sum>, %select_n3A masked %reduce_sum3A_37 : vector<16xf32>, vector<16xi1> -> vector<16xf32>
      %reduce_sum3A_39 = vector.extract %reduce_sum3A_38[15] : f32 from vector<16xf32>
      %get3A_40 = arith.constant 0 : index
      %get3A_41 = tpu.vector_load %arg20[%get3A_40] {strides = array<i32>} : memref<16xf32, #tpu.memory_space<vmem>>, vector<16xf32>,
      %jit3A_42 = arith.constant 0.000000e+00 : f32
      %broadcast_in_dim3A_43 = vector.broadcast %jit3A_42 : f32 to vector<16xf32>
      %select_n3A_44 = arith.select %eq3A_35, %get3A_41, %broadcast_in_dim3A_43 : vector<16xi1>, vector<16xf32>
      %reduce_sum3A_45 = arith.constant true
      %reduce_sum3A_46 = vector.broadcast %reduce_sum3A_45 : i1 to vector<16xi1>
      %reduce_sum3A_47 = tpu.scan <sum>, %select_n3A_44 masked %reduce_sum3A_46 : vector<16xf32>, vector<16xi1> -> vector<16xf32>
      %reduce_sum3A_48 = vector.extract %reduce_sum3A_47[15] : f32 from vector<16xf32>
      "tpu.trace_start"() <{level = 10 : i32, message = "reset1"}> : () -> ()
      %barrier3A_49 = arith.constant 0 : index
      tpu.barrier barrier_id(%barrier3A_49)
      %parallel_loop3A = arith.constant 0 : i32
      %parallel_loop3A_50 = arith.constant 1024 : i32
      %parallel_loop3A_51 = arith.constant 1 : i32
      scf.for %parallel_loop3A_216 = %parallel_loop3A to %parallel_loop3A_50 step %parallel_loop3A_51  : i32 {
        %parallel_loop3A_217 = arith.index_cast %parallel_loop3A_216 : i32 to index
        %parallel_loop3A_218 = arith.constant 0 : index
        %parallel_loop3A_219 = tpu.vector_load %arg16[%parallel_loop3A_217, %parallel_loop3A_218] {strides = array<i32>} : memref<1024x16xf32, #tpu.memory_space<vmem>>, vector<16xf32>,
        tpu.vector_store %arg16[%parallel_loop3A_217, %parallel_loop3A_218], %broadcast_in_dim3A_2 {strides = array<i32>} : memref<1024x16xf32, #tpu.memory_space<vmem>>, vector<16xf32>,
        %parallel_loop3A_220 = arith.index_cast %parallel_loop3A_216 : i32 to index
        %parallel_loop3A_221 = arith.constant 0 : index
        %parallel_loop3A_222 = tpu.vector_load %arg17[%parallel_loop3A_220, %parallel_loop3A_221] {strides = array<i32>} : memref<1024x16xf32, #tpu.memory_space<vmem>>, vector<16xf32>,
        tpu.vector_store %arg17[%parallel_loop3A_220, %parallel_loop3A_221], %broadcast_in_dim3A_2 {strides = array<i32>} : memref<1024x16xf32, #tpu.memory_space<vmem>>, vector<16xf32>,
      } {sc.loop_unroll_factor = 8 : i64, sc.parallel_access}
      %eq3A_52 = arith.constant 0 : i32
      %eq3A_53 = arith.cmpi eq, %arg1, %eq3A_52 : i32
      %convert_element_type3A_54 = arith.extui %eq3A_53 : i1 to i32
      %cond3A_55 = arith.constant 0 : i32
      %cond3A_56 = arith.cmpi ne, %convert_element_type3A_54, %cond3A_55 : i32
      scf.if %cond3A_56 {
        "tpu.region"() ({
          %run_scoped3A = tpu.sem_alloc : memref<!tpu.dma_semaphore, #tpu.memory_space<semaphore_mem>>
          %dma_start3A_216 = arith.constant 0 : i32
          %dma_start3A_217 = arith.constant 0 : i32
          %dma_start3A_218 = tpu.memref_slice %arg16[%dma_start3A_216, %dma_start3A_217] : memref<1024x16xf32, #tpu.memory_space<vmem>> -> memref<256x16xf32, #tpu.memory_space<vmem>>
          %dma_start3A_219 = arith.constant 0 : i32
          %dma_start3A_220 = arith.constant 0 : i32
          %dma_start3A_221 = tpu.memref_slice %arg16[%dma_start3A_219, %dma_start3A_220] : memref<1024x16xf32, #tpu.memory_space<vmem>> -> memref<256x16xf32, #tpu.memory_space<vmem>>
          tpu.enqueue_dma source(%dma_start3A_221 : memref<256x16xf32, #tpu.memory_space<vmem>>) target(%arg28 : memref<256x16xf32, #tpu.memory_space<vmem_shared>>) target_semaphore(%run_scoped3A : memref<!tpu.dma_semaphore, #tpu.memory_space<semaphore_mem>>)
          %dma_wait3A_222 = arith.constant 0 : i32
          %dma_wait3A_223 = arith.constant 0 : i32
          %dma_wait3A_224 = tpu.memref_slice %arg16[%dma_wait3A_222, %dma_wait3A_223] : memref<1024x16xf32, #tpu.memory_space<vmem>> -> memref<256x16xf32, #tpu.memory_space<vmem>>
          %dma_wait3A_225 = arith.constant 0 : i32
          %dma_wait3A_226 = arith.constant 0 : i32
          %dma_wait3A_227 = tpu.memref_slice %arg16[%dma_wait3A_225, %dma_wait3A_226] : memref<1024x16xf32, #tpu.memory_space<vmem>> -> memref<256x16xf32, #tpu.memory_space<vmem>>
          tpu.wait_dma2 semaphore(%run_scoped3A : memref<!tpu.dma_semaphore, #tpu.memory_space<semaphore_mem>>) src(%dma_wait3A_227 : memref<256x16xf32, #tpu.memory_space<vmem>>) dst(%arg28 : memref<256x16xf32, #tpu.memory_space<vmem_shared>>)
          tpu.yield
        }) : () -> ()
        "tpu.region"() ({
          %run_scoped3A = tpu.sem_alloc : memref<!tpu.dma_semaphore, #tpu.memory_space<semaphore_mem>>
          %dma_start3A_216 = arith.constant 0 : i32
          %dma_start3A_217 = arith.constant 0 : i32
          %dma_start3A_218 = tpu.memref_slice %arg17[%dma_start3A_216, %dma_start3A_217] : memref<1024x16xf32, #tpu.memory_space<vmem>> -> memref<256x16xf32, #tpu.memory_space<vmem>>
          %dma_start3A_219 = arith.constant 0 : i32
          %dma_start3A_220 = arith.constant 0 : i32
          %dma_start3A_221 = tpu.memref_slice %arg17[%dma_start3A_219, %dma_start3A_220] : memref<1024x16xf32, #tpu.memory_space<vmem>> -> memref<256x16xf32, #tpu.memory_space<vmem>>
          tpu.enqueue_dma source(%dma_start3A_221 : memref<256x16xf32, #tpu.memory_space<vmem>>) target(%arg29 : memref<256x16xf32, #tpu.memory_space<vmem_shared>>) target_semaphore(%run_scoped3A : memref<!tpu.dma_semaphore, #tpu.memory_space<semaphore_mem>>)
          %dma_wait3A_222 = arith.constant 0 : i32
          %dma_wait3A_223 = arith.constant 0 : i32
          %dma_wait3A_224 = tpu.memref_slice %arg17[%dma_wait3A_222, %dma_wait3A_223] : memref<1024x16xf32, #tpu.memory_space<vmem>> -> memref<256x16xf32, #tpu.memory_space<vmem>>
          %dma_wait3A_225 = arith.constant 0 : i32
          %dma_wait3A_226 = arith.constant 0 : i32
          %dma_wait3A_227 = tpu.memref_slice %arg17[%dma_wait3A_225, %dma_wait3A_226] : memref<1024x16xf32, #tpu.memory_space<vmem>> -> memref<256x16xf32, #tpu.memory_space<vmem>>
          tpu.wait_dma2 semaphore(%run_scoped3A : memref<!tpu.dma_semaphore, #tpu.memory_space<semaphore_mem>>) src(%dma_wait3A_227 : memref<256x16xf32, #tpu.memory_space<vmem>>) dst(%arg29 : memref<256x16xf32, #tpu.memory_space<vmem_shared>>)
          tpu.yield
        }) : () -> ()
      } else {
      }
      %barrier3A_57 = arith.constant 0 : index
      tpu.barrier barrier_id(%barrier3A_57)
      "tpu.trace_stop"() : () -> ()
      "tpu.trace_start"() <{level = 10 : i32, message = "sweep1"}> : () -> ()
      %dma_start3A = tpu.memref_slice %arg2[%add3A_33] : memref<8388608xf32, #tpu.memory_space<hbm>> -> memref<8192xf32, #tpu.memory_space<hbm>>
      %dma_start3A_58 = tpu.memref_slice %arg2[%add3A_33] : memref<8388608xf32, #tpu.memory_space<hbm>> -> memref<8192xf32, #tpu.memory_space<hbm>>
      tpu.enqueue_dma source(%dma_start3A_58 : memref<8192xf32, #tpu.memory_space<hbm>>) target(%arg8 : memref<8192xf32, #tpu.memory_space<vmem>>) target_semaphore(%arg24 : memref<!tpu.dma_semaphore, #tpu.memory_space<semaphore_mem>>)
      %dma_start3A_59 = tpu.memref_slice %arg3[%add3A_33] : memref<8388608xf32, #tpu.memory_space<hbm>> -> memref<8192xf32, #tpu.memory_space<hbm>>
      %dma_start3A_60 = tpu.memref_slice %arg3[%add3A_33] : memref<8388608xf32, #tpu.memory_space<hbm>> -> memref<8192xf32, #tpu.memory_space<hbm>>
      tpu.enqueue_dma source(%dma_start3A_60 : memref<8192xf32, #tpu.memory_space<hbm>>) target(%arg9 : memref<8192xf32, #tpu.memory_space<vmem>>) target_semaphore(%arg24 : memref<!tpu.dma_semaphore, #tpu.memory_space<semaphore_mem>>)
      %dma_start3A_61 = tpu.memref_slice %arg4[%add3A_33] : memref<8388608xf32, #tpu.memory_space<hbm>> -> memref<8192xf32, #tpu.memory_space<hbm>>
      %dma_start3A_62 = tpu.memref_slice %arg4[%add3A_33] : memref<8388608xf32, #tpu.memory_space<hbm>> -> memref<8192xf32, #tpu.memory_space<hbm>>
      tpu.enqueue_dma source(%dma_start3A_62 : memref<8192xf32, #tpu.memory_space<hbm>>) target(%arg10 : memref<8192xf32, #tpu.memory_space<vmem>>) target_semaphore(%arg24 : memref<!tpu.dma_semaphore, #tpu.memory_space<semaphore_mem>>)
      %scan3A_63 = arith.constant 0 : i32
      %scan3A_64 = arith.constant 8 : i32
      %scan3A_65 = arith.addi %scan3A_63, %scan3A_64 : i32
      %scan3A_66 = arith.constant 1 : i32
      %scan3A_67:2 = scf.for %scan3A_216 = %scan3A_63 to %scan3A_65 step %scan3A_66 iter_args(%scan3A_217 = %broadcast_in_dim3A_2, %scan3A_218 = %broadcast_in_dim3A_2) -> (vector<16xf32>, vector<16xf32>)  : i32 {
        %mul3A_219 = arith.constant 2 : i32
        %mul3A_220 = arith.muli %mul3A_219, %scan3A_216 : i32
        %mul3A_221 = arith.constant 8192 : i32
        %mul3A_222 = arith.muli %mul3A_220, %mul3A_221 : i32
        %add3A_223 = arith.addi %add3A_33, %mul3A_222 : i32
        %dma_wait3A_224 = arith.constant 0 : i32
        %dma_wait3A_225 = tpu.memref_slice %arg2[%dma_wait3A_224] : memref<8388608xf32, #tpu.memory_space<hbm>> -> memref<8192xf32, #tpu.memory_space<hbm>>
        %dma_wait3A_226 = arith.constant 0 : i32
        %dma_wait3A_227 = tpu.memref_slice %arg2[%dma_wait3A_226] : memref<8388608xf32, #tpu.memory_space<hbm>> -> memref<8192xf32, #tpu.memory_space<hbm>>
        tpu.wait_dma2 semaphore(%arg24 : memref<!tpu.dma_semaphore, #tpu.memory_space<semaphore_mem>>) src(%dma_wait3A_227 : memref<8192xf32, #tpu.memory_space<hbm>>) dst(%arg8 : memref<8192xf32, #tpu.memory_space<vmem>>)
        %dma_wait3A_228 = arith.constant 0 : i32
        %dma_wait3A_229 = tpu.memref_slice %arg3[%dma_wait3A_228] : memref<8388608xf32, #tpu.memory_space<hbm>> -> memref<8192xf32, #tpu.memory_space<hbm>>
        %dma_wait3A_230 = arith.constant 0 : i32
        %dma_wait3A_231 = tpu.memref_slice %arg3[%dma_wait3A_230] : memref<8388608xf32, #tpu.memory_space<hbm>> -> memref<8192xf32, #tpu.memory_space<hbm>>
        tpu.wait_dma2 semaphore(%arg24 : memref<!tpu.dma_semaphore, #tpu.memory_space<semaphore_mem>>) src(%dma_wait3A_231 : memref<8192xf32, #tpu.memory_space<hbm>>) dst(%arg9 : memref<8192xf32, #tpu.memory_space<vmem>>)
        %dma_wait3A_232 = arith.constant 0 : i32
        %dma_wait3A_233 = tpu.memref_slice %arg4[%dma_wait3A_232] : memref<8388608xf32, #tpu.memory_space<hbm>> -> memref<8192xf32, #tpu.memory_space<hbm>>
        %dma_wait3A_234 = arith.constant 0 : i32
        %dma_wait3A_235 = tpu.memref_slice %arg4[%dma_wait3A_234] : memref<8388608xf32, #tpu.memory_space<hbm>> -> memref<8192xf32, #tpu.memory_space<hbm>>
        tpu.wait_dma2 semaphore(%arg24 : memref<!tpu.dma_semaphore, #tpu.memory_space<semaphore_mem>>) src(%dma_wait3A_235 : memref<8192xf32, #tpu.memory_space<hbm>>) dst(%arg10 : memref<8192xf32, #tpu.memory_space<vmem>>)
        %add3A_236 = arith.constant 8192 : i32
        %add3A_237 = arith.addi %add3A_223, %add3A_236 : i32
        %dma_start3A_238 = tpu.memref_slice %arg2[%add3A_237] : memref<8388608xf32, #tpu.memory_space<hbm>> -> memref<8192xf32, #tpu.memory_space<hbm>>
        %dma_start3A_239 = tpu.memref_slice %arg2[%add3A_237] : memref<8388608xf32, #tpu.memory_space<hbm>> -> memref<8192xf32, #tpu.memory_space<hbm>>
        tpu.enqueue_dma source(%dma_start3A_239 : memref<8192xf32, #tpu.memory_space<hbm>>) target(%arg12 : memref<8192xf32, #tpu.memory_space<vmem>>) target_semaphore(%arg25 : memref<!tpu.dma_semaphore, #tpu.memory_space<semaphore_mem>>)
        %dma_start3A_240 = tpu.memref_slice %arg3[%add3A_237] : memref<8388608xf32, #tpu.memory_space<hbm>> -> memref<8192xf32, #tpu.memory_space<hbm>>
        %dma_start3A_241 = tpu.memref_slice %arg3[%add3A_237] : memref<8388608xf32, #tpu.memory_space<hbm>> -> memref<8192xf32, #tpu.memory_space<hbm>>
        tpu.enqueue_dma source(%dma_start3A_241 : memref<8192xf32, #tpu.memory_space<hbm>>) target(%arg13 : memref<8192xf32, #tpu.memory_space<vmem>>) target_semaphore(%arg25 : memref<!tpu.dma_semaphore, #tpu.memory_space<semaphore_mem>>)
        %dma_start3A_242 = tpu.memref_slice %arg4[%add3A_237] : memref<8388608xf32, #tpu.memory_space<hbm>> -> memref<8192xf32, #tpu.memory_space<hbm>>
        %dma_start3A_243 = tpu.memref_slice %arg4[%add3A_237] : memref<8388608xf32, #tpu.memory_space<hbm>> -> memref<8192xf32, #tpu.memory_space<hbm>>
        tpu.enqueue_dma source(%dma_start3A_243 : memref<8192xf32, #tpu.memory_space<hbm>>) target(%arg14 : memref<8192xf32, #tpu.memory_space<vmem>>) target_semaphore(%arg25 : memref<!tpu.dma_semaphore, #tpu.memory_space<semaphore_mem>>)
        %gt3A_244 = arith.constant 0 : i32
        %gt3A_245 = arith.cmpi sgt, %scan3A_216, %gt3A_244 : i32
        %convert_element_type3A_246 = arith.extui %gt3A_245 : i1 to i32
        %cond3A_247 = arith.constant 0 : i32
        %cond3A_248 = arith.cmpi ne, %convert_element_type3A_246, %cond3A_247 : i32
        scf.if %cond3A_248 {
          %dma_wait3A_284 = arith.constant 0 : i32
          %dma_wait3A_285 = tpu.memref_slice %arg7[%dma_wait3A_284] : memref<8388608xf32, #tpu.memory_space<hbm>> -> memref<8192xf32, #tpu.memory_space<hbm>>
          %dma_wait3A_286 = arith.constant 0 : i32
          %dma_wait3A_287 = tpu.memref_slice %arg7[%dma_wait3A_286] : memref<8388608xf32, #tpu.memory_space<hbm>> -> memref<8192xf32, #tpu.memory_space<hbm>>
          tpu.wait_dma2 semaphore(%arg26 : memref<!tpu.dma_semaphore, #tpu.memory_space<semaphore_mem>>) src(%arg11 : memref<8192xf32, #tpu.memory_space<vmem>>) dst(%dma_wait3A_287 : memref<8192xf32, #tpu.memory_space<hbm>>)
        } else {
        }
        %parallel_loop3A_249 = arith.constant 0 : i32
        %parallel_loop3A_250 = arith.constant 512 : i32
        %parallel_loop3A_251 = arith.constant 1 : i32
        %parallel_loop3A_252:2 = scf.for %parallel_loop3A_284 = %parallel_loop3A_249 to %parallel_loop3A_250 step %parallel_loop3A_251 iter_args(%parallel_loop3A_285 = %scan3A_217, %parallel_loop3A_286 = %scan3A_218) -> (vector<16xf32>, vector<16xf32>)  : i32 {
          %parallel_loop3A_287 = arith.constant 3 : i32
          %parallel_loop3A_288 = arith.andi %parallel_loop3A_284, %parallel_loop3A_287 : i32
          %parallel_loop3A_289 = arith.constant 8 : i32
          %parallel_loop3A_290 = arith.shli %parallel_loop3A_288, %parallel_loop3A_289 : i32
          %parallel_loop3A_291 = arith.constant 16 : i32
          %parallel_loop3A_292 = arith.muli %parallel_loop3A_284, %parallel_loop3A_291 : i32
          %parallel_loop3A_293 = arith.index_cast %parallel_loop3A_292 : i32 to index
          %parallel_loop3A_294 = tpu.vector_load %arg8[%parallel_loop3A_293] {strides = array<i32>} : memref<8192xf32, #tpu.memory_space<vmem>>, vector<16xf32>,
          %parallel_loop3A_295 = arith.index_cast %parallel_loop3A_292 : i32 to index
          %parallel_loop3A_296 = tpu.vector_load %arg9[%parallel_loop3A_295] {strides = array<i32>} : memref<8192xf32, #tpu.memory_space<vmem>>, vector<16xf32>,
          %parallel_loop3A_297 = arith.index_cast %parallel_loop3A_292 : i32 to index
          %parallel_loop3A_298 = tpu.vector_load %arg10[%parallel_loop3A_297] {strides = array<i32>} : memref<8192xf32, #tpu.memory_space<vmem>>, vector<16xf32>,
          %parallel_loop3A_299 = arith.subf %parallel_loop3A_296, %parallel_loop3A_294 : vector<16xf32>
          %parallel_loop3A_300 = arith.mulf %parallel_loop3A_299, %parallel_loop3A_299 : vector<16xf32>
          %parallel_loop3A_301 = arith.addf %parallel_loop3A_286, %parallel_loop3A_300 : vector<16xf32>
          %parallel_loop3A_302 = arith.constant 0.000000e+00 : f32
          %parallel_loop3A_303 = vector.broadcast %parallel_loop3A_302 : f32 to vector<16xf32>
          %parallel_loop3A_304 = arith.cmpf ogt, %parallel_loop3A_298, %parallel_loop3A_303 : vector<16xf32>
          %parallel_loop3A_305 = arith.mulf %parallel_loop3A_298, %parallel_loop3A_300 : vector<16xf32>
          %parallel_loop3A_306 = arith.constant 0.000000e+00 : f32
          %parallel_loop3A_307 = vector.broadcast %parallel_loop3A_306 : f32 to vector<16xf32>
          %parallel_loop3A_308 = arith.select %parallel_loop3A_304, %parallel_loop3A_305, %parallel_loop3A_307 : vector<16xi1>, vector<16xf32>
          %parallel_loop3A_309 = arith.addf %parallel_loop3A_285, %parallel_loop3A_308 : vector<16xf32>
          %parallel_loop3A_310 = arith.constant 0.000000e+00 : f32
          %parallel_loop3A_311 = vector.broadcast %parallel_loop3A_310 : f32 to vector<16xf32>
          %parallel_loop3A_312 = arith.cmpf ogt, %parallel_loop3A_296, %parallel_loop3A_311 : vector<16xf32>
          %parallel_loop3A_313 = arith.constant dense<true> : vector<16xi1>
          %parallel_loop3A_314 = arith.xori %parallel_loop3A_304, %parallel_loop3A_313 : vector<16xi1>
          %parallel_loop3A_315 = arith.andi %parallel_loop3A_312, %parallel_loop3A_314 : vector<16xi1>
          %parallel_loop3A_316 = arith.constant 0.000000e+00 : f32
          %parallel_loop3A_317 = vector.broadcast %parallel_loop3A_316 : f32 to vector<16xf32>
          %parallel_loop3A_318 = arith.select %parallel_loop3A_315, %parallel_loop3A_300, %parallel_loop3A_317 : vector<16xi1>, vector<16xf32>
          %parallel_loop3A_319 = arith.index_cast %parallel_loop3A_292 : i32 to index
          %parallel_loop3A_320 = tpu.vector_load %arg11[%parallel_loop3A_319] {strides = array<i32>} : memref<8192xf32, #tpu.memory_space<vmem>>, vector<16xf32>,
          tpu.vector_store %arg11[%parallel_loop3A_319], %parallel_loop3A_318 {strides = array<i32>} : memref<8192xf32, #tpu.memory_space<vmem>>, vector<16xf32>,
          %parallel_loop3A_321 = vector.bitcast %parallel_loop3A_318 : vector<16xf32> to vector<16xi32>
          %parallel_loop3A_322 = arith.constant 24 : i32
          %parallel_loop3A_323 = vector.broadcast %parallel_loop3A_322 : i32 to vector<16xi32>
          %parallel_loop3A_324 = arith.shrsi %parallel_loop3A_321, %parallel_loop3A_323 : vector<16xi32>
          %parallel_loop3A_325 = vector.broadcast %parallel_loop3A_290 : i32 to vector<16xi32>
          %parallel_loop3A_326 = arith.addi %parallel_loop3A_324, %parallel_loop3A_325 : vector<16xi32>
          tpu.vector_store_idx %arg16[%parallel_loop3A_326, %iota3A], %broadcast_in_dim3A_0 {add = true} : memref<1024x16xf32, #tpu.memory_space<vmem>>[vector<16xi32>, vector<16xi32>], vector<16xf32>,
          tpu.vector_store_idx %arg17[%parallel_loop3A_326, %iota3A], %parallel_loop3A_318 {add = true} : memref<1024x16xf32, #tpu.memory_space<vmem>>[vector<16xi32>, vector<16xi32>], vector<16xf32>,
          scf.yield %parallel_loop3A_309, %parallel_loop3A_301 : vector<16xf32>, vector<16xf32>
        } {sc.loop_unroll_factor = 8 : i64, sc.parallel_access}
        %dma_start3A_253 = tpu.memref_slice %arg7[%add3A_223] : memref<8388608xf32, #tpu.memory_space<hbm>> -> memref<8192xf32, #tpu.memory_space<hbm>>
        %dma_start3A_254 = tpu.memref_slice %arg7[%add3A_223] : memref<8388608xf32, #tpu.memory_space<hbm>> -> memref<8192xf32, #tpu.memory_space<hbm>>
        tpu.enqueue_dma source(%arg11 : memref<8192xf32, #tpu.memory_space<vmem>>) target(%dma_start3A_254 : memref<8192xf32, #tpu.memory_space<hbm>>) target_semaphore(%arg26 : memref<!tpu.dma_semaphore, #tpu.memory_space<semaphore_mem>>)
        %dma_wait3A_255 = arith.constant 0 : i32
        %dma_wait3A_256 = tpu.memref_slice %arg2[%dma_wait3A_255] : memref<8388608xf32, #tpu.memory_space<hbm>> -> memref<8192xf32, #tpu.memory_space<hbm>>
        %dma_wait3A_257 = arith.constant 0 : i32
        %dma_wait3A_258 = tpu.memref_slice %arg2[%dma_wait3A_257] : memref<8388608xf32, #tpu.memory_space<hbm>> -> memref<8192xf32, #tpu.memory_space<hbm>>
        tpu.wait_dma2 semaphore(%arg25 : memref<!tpu.dma_semaphore, #tpu.memory_space<semaphore_mem>>) src(%dma_wait3A_258 : memref<8192xf32, #tpu.memory_space<hbm>>) dst(%arg12 : memref<8192xf32, #tpu.memory_space<vmem>>)
        %dma_wait3A_259 = arith.constant 0 : i32
        %dma_wait3A_260 = tpu.memref_slice %arg3[%dma_wait3A_259] : memref<8388608xf32, #tpu.memory_space<hbm>> -> memref<8192xf32, #tpu.memory_space<hbm>>
        %dma_wait3A_261 = arith.constant 0 : i32
        %dma_wait3A_262 = tpu.memref_slice %arg3[%dma_wait3A_261] : memref<8388608xf32, #tpu.memory_space<hbm>> -> memref<8192xf32, #tpu.memory_space<hbm>>
        tpu.wait_dma2 semaphore(%arg25 : memref<!tpu.dma_semaphore, #tpu.memory_space<semaphore_mem>>) src(%dma_wait3A_262 : memref<8192xf32, #tpu.memory_space<hbm>>) dst(%arg13 : memref<8192xf32, #tpu.memory_space<vmem>>)
        %dma_wait3A_263 = arith.constant 0 : i32
        %dma_wait3A_264 = tpu.memref_slice %arg4[%dma_wait3A_263] : memref<8388608xf32, #tpu.memory_space<hbm>> -> memref<8192xf32, #tpu.memory_space<hbm>>
        %dma_wait3A_265 = arith.constant 0 : i32
        %dma_wait3A_266 = tpu.memref_slice %arg4[%dma_wait3A_265] : memref<8388608xf32, #tpu.memory_space<hbm>> -> memref<8192xf32, #tpu.memory_space<hbm>>
        tpu.wait_dma2 semaphore(%arg25 : memref<!tpu.dma_semaphore, #tpu.memory_space<semaphore_mem>>) src(%dma_wait3A_266 : memref<8192xf32, #tpu.memory_space<hbm>>) dst(%arg14 : memref<8192xf32, #tpu.memory_space<vmem>>)
        %lt3A = arith.constant 7 : i32
        %lt3A_267 = arith.cmpi slt, %scan3A_216, %lt3A : i32
        %convert_element_type3A_268 = arith.extui %lt3A_267 : i1 to i32
        %cond3A_269 = arith.constant 0 : i32
        %cond3A_270 = arith.cmpi ne, %convert_element_type3A_268, %cond3A_269 : i32
        scf.if %cond3A_270 {
          %add3A_284 = arith.constant 16384 : i32
          %add3A_285 = arith.addi %add3A_223, %add3A_284 : i32
          %dma_start3A_286 = tpu.memref_slice %arg2[%add3A_285] : memref<8388608xf32, #tpu.memory_space<hbm>> -> memref<8192xf32, #tpu.memory_space<hbm>>
          %dma_start3A_287 = tpu.memref_slice %arg2[%add3A_285] : memref<8388608xf32, #tpu.memory_space<hbm>> -> memref<8192xf32, #tpu.memory_space<hbm>>
          tpu.enqueue_dma source(%dma_start3A_287 : memref<8192xf32, #tpu.memory_space<hbm>>) target(%arg8 : memref<8192xf32, #tpu.memory_space<vmem>>) target_semaphore(%arg24 : memref<!tpu.dma_semaphore, #tpu.memory_space<semaphore_mem>>)
          %dma_start3A_288 = tpu.memref_slice %arg3[%add3A_285] : memref<8388608xf32, #tpu.memory_space<hbm>> -> memref<8192xf32, #tpu.memory_space<hbm>>
          %dma_start3A_289 = tpu.memref_slice %arg3[%add3A_285] : memref<8388608xf32, #tpu.memory_space<hbm>> -> memref<8192xf32, #tpu.memory_space<hbm>>
          tpu.enqueue_dma source(%dma_start3A_289 : memref<8192xf32, #tpu.memory_space<hbm>>) target(%arg9 : memref<8192xf32, #tpu.memory_space<vmem>>) target_semaphore(%arg24 : memref<!tpu.dma_semaphore, #tpu.memory_space<semaphore_mem>>)
          %dma_start3A_290 = tpu.memref_slice %arg4[%add3A_285] : memref<8388608xf32, #tpu.memory_space<hbm>> -> memref<8192xf32, #tpu.memory_space<hbm>>
          %dma_start3A_291 = tpu.memref_slice %arg4[%add3A_285] : memref<8388608xf32, #tpu.memory_space<hbm>> -> memref<8192xf32, #tpu.memory_space<hbm>>
          tpu.enqueue_dma source(%dma_start3A_291 : memref<8192xf32, #tpu.memory_space<hbm>>) target(%arg10 : memref<8192xf32, #tpu.memory_space<vmem>>) target_semaphore(%arg24 : memref<!tpu.dma_semaphore, #tpu.memory_space<semaphore_mem>>)
        } else {
        }
        %gt3A_271 = arith.constant 0 : i32
        %gt3A_272 = arith.cmpi sgt, %scan3A_216, %gt3A_271 : i32
        %convert_element_type3A_273 = arith.extui %gt3A_272 : i1 to i32
        %cond3A_274 = arith.constant 0 : i32
        %cond3A_275 = arith.cmpi ne, %convert_element_type3A_273, %cond3A_274 : i32
        scf.if %cond3A_275 {
          %dma_wait3A_284 = arith.constant 0 : i32
          %dma_wait3A_285 = tpu.memref_slice %arg7[%dma_wait3A_284] : memref<8388608xf32, #tpu.memory_space<hbm>> -> memref<8192xf32, #tpu.memory_space<hbm>>
          %dma_wait3A_286 = arith.constant 0 : i32
          %dma_wait3A_287 = tpu.memref_slice %arg7[%dma_wait3A_286] : memref<8388608xf32, #tpu.memory_space<hbm>> -> memref<8192xf32, #tpu.memory_space<hbm>>
          tpu.wait_dma2 semaphore(%arg27 : memref<!tpu.dma_semaphore, #tpu.memory_space<semaphore_mem>>) src(%arg15 : memref<8192xf32, #tpu.memory_space<vmem>>) dst(%dma_wait3A_287 : memref<8192xf32, #tpu.memory_space<hbm>>)
        } else {
        }
        %parallel_loop3A_276 = arith.constant 0 : i32
        %parallel_loop3A_277 = arith.constant 512 : i32
        %parallel_loop3A_278 = arith.constant 1 : i32
        %parallel_loop3A_279:2 = scf.for %parallel_loop3A_284 = %parallel_loop3A_276 to %parallel_loop3A_277 step %parallel_loop3A_278 iter_args(%parallel_loop3A_285 = %parallel_loop3A_252#0, %parallel_loop3A_286 = %parallel_loop3A_252#1) -> (vector<16xf32>, vector<16xf32>)  : i32 {
          %parallel_loop3A_287 = arith.constant 3 : i32
          %parallel_loop3A_288 = arith.andi %parallel_loop3A_284, %parallel_loop3A_287 : i32
          %parallel_loop3A_289 = arith.constant 8 : i32
          %parallel_loop3A_290 = arith.shli %parallel_loop3A_288, %parallel_loop3A_289 : i32
          %parallel_loop3A_291 = arith.constant 16 : i32
          %parallel_loop3A_292 = arith.muli %parallel_loop3A_284, %parallel_loop3A_291 : i32
          %parallel_loop3A_293 = arith.index_cast %parallel_loop3A_292 : i32 to index
          %parallel_loop3A_294 = tpu.vector_load %arg12[%parallel_loop3A_293] {strides = array<i32>} : memref<8192xf32, #tpu.memory_space<vmem>>, vector<16xf32>,
          %parallel_loop3A_295 = arith.index_cast %parallel_loop3A_292 : i32 to index
          %parallel_loop3A_296 = tpu.vector_load %arg13[%parallel_loop3A_295] {strides = array<i32>} : memref<8192xf32, #tpu.memory_space<vmem>>, vector<16xf32>,
          %parallel_loop3A_297 = arith.index_cast %parallel_loop3A_292 : i32 to index
          %parallel_loop3A_298 = tpu.vector_load %arg14[%parallel_loop3A_297] {strides = array<i32>} : memref<8192xf32, #tpu.memory_space<vmem>>, vector<16xf32>,
          %parallel_loop3A_299 = arith.subf %parallel_loop3A_296, %parallel_loop3A_294 : vector<16xf32>
          %parallel_loop3A_300 = arith.mulf %parallel_loop3A_299, %parallel_loop3A_299 : vector<16xf32>
          %parallel_loop3A_301 = arith.addf %parallel_loop3A_286, %parallel_loop3A_300 : vector<16xf32>
          %parallel_loop3A_302 = arith.constant 0.000000e+00 : f32
          %parallel_loop3A_303 = vector.broadcast %parallel_loop3A_302 : f32 to vector<16xf32>
          %parallel_loop3A_304 = arith.cmpf ogt, %parallel_loop3A_298, %parallel_loop3A_303 : vector<16xf32>
          %parallel_loop3A_305 = arith.mulf %parallel_loop3A_298, %parallel_loop3A_300 : vector<16xf32>
          %parallel_loop3A_306 = arith.constant 0.000000e+00 : f32
          %parallel_loop3A_307 = vector.broadcast %parallel_loop3A_306 : f32 to vector<16xf32>
          %parallel_loop3A_308 = arith.select %parallel_loop3A_304, %parallel_loop3A_305, %parallel_loop3A_307 : vector<16xi1>, vector<16xf32>
          %parallel_loop3A_309 = arith.addf %parallel_loop3A_285, %parallel_loop3A_308 : vector<16xf32>
          %parallel_loop3A_310 = arith.constant 0.000000e+00 : f32
          %parallel_loop3A_311 = vector.broadcast %parallel_loop3A_310 : f32 to vector<16xf32>
          %parallel_loop3A_312 = arith.cmpf ogt, %parallel_loop3A_296, %parallel_loop3A_311 : vector<16xf32>
          %parallel_loop3A_313 = arith.constant dense<true> : vector<16xi1>
          %parallel_loop3A_314 = arith.xori %parallel_loop3A_304, %parallel_loop3A_313 : vector<16xi1>
          %parallel_loop3A_315 = arith.andi %parallel_loop3A_312, %parallel_loop3A_314 : vector<16xi1>
          %parallel_loop3A_316 = arith.constant 0.000000e+00 : f32
          %parallel_loop3A_317 = vector.broadcast %parallel_loop3A_316 : f32 to vector<16xf32>
          %parallel_loop3A_318 = arith.select %parallel_loop3A_315, %parallel_loop3A_300, %parallel_loop3A_317 : vector<16xi1>, vector<16xf32>
          %parallel_loop3A_319 = arith.index_cast %parallel_loop3A_292 : i32 to index
          %parallel_loop3A_320 = tpu.vector_load %arg15[%parallel_loop3A_319] {strides = array<i32>} : memref<8192xf32, #tpu.memory_space<vmem>>, vector<16xf32>,
          tpu.vector_store %arg15[%parallel_loop3A_319], %parallel_loop3A_318 {strides = array<i32>} : memref<8192xf32, #tpu.memory_space<vmem>>, vector<16xf32>,
          %parallel_loop3A_321 = vector.bitcast %parallel_loop3A_318 : vector<16xf32> to vector<16xi32>
          %parallel_loop3A_322 = arith.constant 24 : i32
          %parallel_loop3A_323 = vector.broadcast %parallel_loop3A_322 : i32 to vector<16xi32>
          %parallel_loop3A_324 = arith.shrsi %parallel_loop3A_321, %parallel_loop3A_323 : vector<16xi32>
          %parallel_loop3A_325 = vector.broadcast %parallel_loop3A_290 : i32 to vector<16xi32>
          %parallel_loop3A_326 = arith.addi %parallel_loop3A_324, %parallel_loop3A_325 : vector<16xi32>
          tpu.vector_store_idx %arg16[%parallel_loop3A_326, %iota3A], %broadcast_in_dim3A_0 {add = true} : memref<1024x16xf32, #tpu.memory_space<vmem>>[vector<16xi32>, vector<16xi32>], vector<16xf32>,
          tpu.vector_store_idx %arg17[%parallel_loop3A_326, %iota3A], %parallel_loop3A_318 {add = true} : memref<1024x16xf32, #tpu.memory_space<vmem>>[vector<16xi32>, vector<16xi32>], vector<16xf32>,
          scf.yield %parallel_loop3A_309, %parallel_loop3A_301 : vector<16xf32>, vector<16xf32>
        } {sc.loop_unroll_factor = 8 : i64, sc.parallel_access}
        %add3A_280 = arith.constant 8192 : i32
        %add3A_281 = arith.addi %add3A_223, %add3A_280 : i32
        %dma_start3A_282 = tpu.memref_slice %arg7[%add3A_281] : memref<8388608xf32, #tpu.memory_space<hbm>> -> memref<8192xf32, #tpu.memory_space<hbm>>
        %dma_start3A_283 = tpu.memref_slice %arg7[%add3A_281] : memref<8388608xf32, #tpu.memory_space<hbm>> -> memref<8192xf32, #tpu.memory_space<hbm>>
        tpu.enqueue_dma source(%arg15 : memref<8192xf32, #tpu.memory_space<vmem>>) target(%dma_start3A_283 : memref<8192xf32, #tpu.memory_space<hbm>>) target_semaphore(%arg27 : memref<!tpu.dma_semaphore, #tpu.memory_space<semaphore_mem>>)
        scf.yield %parallel_loop3A_279#0, %parallel_loop3A_279#1 : vector<16xf32>, vector<16xf32>
      }
      %scan3A_68 = arith.constant 8 : i32
      %dma_wait3A = arith.constant 0 : i32
      %dma_wait3A_69 = tpu.memref_slice %arg7[%dma_wait3A] : memref<8388608xf32, #tpu.memory_space<hbm>> -> memref<8192xf32, #tpu.memory_space<hbm>>
      %dma_wait3A_70 = arith.constant 0 : i32
      %dma_wait3A_71 = tpu.memref_slice %arg7[%dma_wait3A_70] : memref<8388608xf32, #tpu.memory_space<hbm>> -> memref<8192xf32, #tpu.memory_space<hbm>>
      tpu.wait_dma2 semaphore(%arg26 : memref<!tpu.dma_semaphore, #tpu.memory_space<semaphore_mem>>) src(%arg11 : memref<8192xf32, #tpu.memory_space<vmem>>) dst(%dma_wait3A_71 : memref<8192xf32, #tpu.memory_space<hbm>>)
      %dma_wait3A_72 = arith.constant 0 : i32
      %dma_wait3A_73 = tpu.memref_slice %arg7[%dma_wait3A_72] : memref<8388608xf32, #tpu.memory_space<hbm>> -> memref<8192xf32, #tpu.memory_space<hbm>>
      %dma_wait3A_74 = arith.constant 0 : i32
      %dma_wait3A_75 = tpu.memref_slice %arg7[%dma_wait3A_74] : memref<8388608xf32, #tpu.memory_space<hbm>> -> memref<8192xf32, #tpu.memory_space<hbm>>
      tpu.wait_dma2 semaphore(%arg27 : memref<!tpu.dma_semaphore, #tpu.memory_space<semaphore_mem>>) src(%arg15 : memref<8192xf32, #tpu.memory_space<vmem>>) dst(%dma_wait3A_75 : memref<8192xf32, #tpu.memory_space<hbm>>)
      %swap3A = arith.constant 128 : i32
      %swap3A_76 = arith.index_cast %swap3A : i32 to index
      %swap3A_77 = arith.constant 0 : index
      %swap3A_78 = tpu.vector_load %arg16[%swap3A_76, %swap3A_77] {strides = array<i32>} : memref<1024x16xf32, #tpu.memory_space<vmem>>, vector<16xf32>,
      tpu.vector_store %arg16[%swap3A_76, %swap3A_77], %scan3A_67#0 {strides = array<i32>} : memref<1024x16xf32, #tpu.memory_space<vmem>>, vector<16xf32>,
      %swap3A_79 = arith.constant 129 : i32
      %swap3A_80 = arith.index_cast %swap3A_79 : i32 to index
      %swap3A_81 = arith.constant 0 : index
      %swap3A_82 = tpu.vector_load %arg16[%swap3A_80, %swap3A_81] {strides = array<i32>} : memref<1024x16xf32, #tpu.memory_space<vmem>>, vector<16xf32>,
      tpu.vector_store %arg16[%swap3A_80, %swap3A_81], %scan3A_67#1 {strides = array<i32>} : memref<1024x16xf32, #tpu.memory_space<vmem>>, vector<16xf32>,
      "tpu.trace_stop"() : () -> ()
      %dma_start3A_83 = tpu.memref_slice %arg7[%add3A_33] : memref<8388608xf32, #tpu.memory_space<hbm>> -> memref<8192xf32, #tpu.memory_space<hbm>>
      %dma_start3A_84 = tpu.memref_slice %arg7[%add3A_33] : memref<8388608xf32, #tpu.memory_space<hbm>> -> memref<8192xf32, #tpu.memory_space<hbm>>
      tpu.enqueue_dma source(%dma_start3A_84 : memref<8192xf32, #tpu.memory_space<hbm>>) target(%arg8 : memref<8192xf32, #tpu.memory_space<vmem>>) target_semaphore(%arg24 : memref<!tpu.dma_semaphore, #tpu.memory_space<semaphore_mem>>)
      %parallel_loop3A_85 = arith.constant 0 : i32
      %parallel_loop3A_86 = arith.constant 256 : i32
      %parallel_loop3A_87 = arith.constant 1 : i32
      "tpu.trace_start"() <{level = 10 : i32, message = "combine1"}> : () -> ()
      scf.for %parallel_loop3A_216 = %parallel_loop3A_85 to %parallel_loop3A_86 step %parallel_loop3A_87  : i32 {
        %parallel_loop3A_217 = arith.index_cast %parallel_loop3A_216 : i32 to index
        %parallel_loop3A_218 = arith.constant 0 : index
        %parallel_loop3A_219 = tpu.vector_load %arg16[%parallel_loop3A_217, %parallel_loop3A_218] {strides = array<i32>} : memref<1024x16xf32, #tpu.memory_space<vmem>>, vector<16xf32>,
        %parallel_loop3A_220 = arith.constant 256 : i32
        %parallel_loop3A_221 = arith.addi %parallel_loop3A_216, %parallel_loop3A_220 : i32
        %parallel_loop3A_222 = arith.index_cast %parallel_loop3A_221 : i32 to index
        %parallel_loop3A_223 = arith.constant 0 : index
        %parallel_loop3A_224 = tpu.vector_load %arg16[%parallel_loop3A_222, %parallel_loop3A_223] {strides = array<i32>} : memref<1024x16xf32, #tpu.memory_space<vmem>>, vector<16xf32>,
        %parallel_loop3A_225 = arith.addf %parallel_loop3A_219, %parallel_loop3A_224 : vector<16xf32>
        %parallel_loop3A_226 = arith.constant 512 : i32
        %parallel_loop3A_227 = arith.addi %parallel_loop3A_216, %parallel_loop3A_226 : i32
        %parallel_loop3A_228 = arith.index_cast %parallel_loop3A_227 : i32 to index
        %parallel_loop3A_229 = arith.constant 0 : index
        %parallel_loop3A_230 = tpu.vector_load %arg16[%parallel_loop3A_228, %parallel_loop3A_229] {strides = array<i32>} : memref<1024x16xf32, #tpu.memory_space<vmem>>, vector<16xf32>,
        %parallel_loop3A_231 = arith.constant 768 : i32
        %parallel_loop3A_232 = arith.addi %parallel_loop3A_216, %parallel_loop3A_231 : i32
        %parallel_loop3A_233 = arith.index_cast %parallel_loop3A_232 : i32 to index
        %parallel_loop3A_234 = arith.constant 0 : index
        %parallel_loop3A_235 = tpu.vector_load %arg16[%parallel_loop3A_233, %parallel_loop3A_234] {strides = array<i32>} : memref<1024x16xf32, #tpu.memory_space<vmem>>, vector<16xf32>,
        %parallel_loop3A_236 = arith.addf %parallel_loop3A_230, %parallel_loop3A_235 : vector<16xf32>
        %parallel_loop3A_237 = arith.addf %parallel_loop3A_225, %parallel_loop3A_236 : vector<16xf32>
        %parallel_loop3A_238 = arith.index_cast %parallel_loop3A_216 : i32 to index
        %parallel_loop3A_239 = arith.constant 0 : index
        %parallel_loop3A_240 = tpu.vector_load %arg16[%parallel_loop3A_238, %parallel_loop3A_239] {strides = array<i32>} : memref<1024x16xf32, #tpu.memory_space<vmem>>, vector<16xf32>,
        tpu.vector_store %arg16[%parallel_loop3A_238, %parallel_loop3A_239], %parallel_loop3A_237 {strides = array<i32>} : memref<1024x16xf32, #tpu.memory_space<vmem>>, vector<16xf32>,
        %parallel_loop3A_241 = arith.index_cast %parallel_loop3A_216 : i32 to index
        %parallel_loop3A_242 = arith.constant 0 : index
        %parallel_loop3A_243 = tpu.vector_load %arg17[%parallel_loop3A_241, %parallel_loop3A_242] {strides = array<i32>} : memref<1024x16xf32, #tpu.memory_space<vmem>>, vector<16xf32>,
        %parallel_loop3A_244 = arith.constant 256 : i32
        %parallel_loop3A_245 = arith.addi %parallel_loop3A_216, %parallel_loop3A_244 : i32
        %parallel_loop3A_246 = arith.index_cast %parallel_loop3A_245 : i32 to index
        %parallel_loop3A_247 = arith.constant 0 : index
        %parallel_loop3A_248 = tpu.vector_load %arg17[%parallel_loop3A_246, %parallel_loop3A_247] {strides = array<i32>} : memref<1024x16xf32, #tpu.memory_space<vmem>>, vector<16xf32>,
        %parallel_loop3A_249 = arith.addf %parallel_loop3A_243, %parallel_loop3A_248 : vector<16xf32>
        %parallel_loop3A_250 = arith.constant 512 : i32
        %parallel_loop3A_251 = arith.addi %parallel_loop3A_216, %parallel_loop3A_250 : i32
        %parallel_loop3A_252 = arith.index_cast %parallel_loop3A_251 : i32 to index
        %parallel_loop3A_253 = arith.constant 0 : index
        %parallel_loop3A_254 = tpu.vector_load %arg17[%parallel_loop3A_252, %parallel_loop3A_253] {strides = array<i32>} : memref<1024x16xf32, #tpu.memory_space<vmem>>, vector<16xf32>,
        %parallel_loop3A_255 = arith.constant 768 : i32
        %parallel_loop3A_256 = arith.addi %parallel_loop3A_216, %parallel_loop3A_255 : i32
        %parallel_loop3A_257 = arith.index_cast %parallel_loop3A_256 : i32 to index
        %parallel_loop3A_258 = arith.constant 0 : index
        %parallel_loop3A_259 = tpu.vector_load %arg17[%parallel_loop3A_257, %parallel_loop3A_258] {strides = array<i32>} : memref<1024x16xf32, #tpu.memory_space<vmem>>, vector<16xf32>,
        %parallel_loop3A_260 = arith.addf %parallel_loop3A_254, %parallel_loop3A_259 : vector<16xf32>
        %parallel_loop3A_261 = arith.addf %parallel_loop3A_249, %parallel_loop3A_260 : vector<16xf32>
        %parallel_loop3A_262 = arith.index_cast %parallel_loop3A_216 : i32 to index
        %parallel_loop3A_263 = arith.constant 0 : index
        %parallel_loop3A_264 = tpu.vector_load %arg17[%parallel_loop3A_262, %parallel_loop3A_263] {strides = array<i32>} : memref<1024x16xf32, #tpu.memory_space<vmem>>, vector<16xf32>,
        tpu.vector_store %arg17[%parallel_loop3A_262, %parallel_loop3A_263], %parallel_loop3A_261 {strides = array<i32>} : memref<1024x16xf32, #tpu.memory_space<vmem>>, vector<16xf32>,
      } {sc.loop_unroll_factor = 8 : i64, sc.parallel_access}
      "tpu.region"() ({
        %run_scoped3A = tpu.sem_alloc : memref<!tpu.dma_semaphore, #tpu.memory_space<semaphore_mem>>
        %dma_start3A_216 = arith.constant 0 : i32
        %dma_start3A_217 = arith.constant 0 : i32
        %dma_start3A_218 = tpu.memref_slice %arg16[%dma_start3A_216, %dma_start3A_217] : memref<1024x16xf32, #tpu.memory_space<vmem>> -> memref<128x16xf32, #tpu.memory_space<vmem>>
        %dma_start3A_219 = arith.constant 0 : i32
        %dma_start3A_220 = arith.constant 0 : i32
        %dma_start3A_221 = tpu.memref_slice %arg28[%dma_start3A_219, %dma_start3A_220] : memref<256x16xf32, #tpu.memory_space<vmem_shared>> -> memref<256x16xf32, #tpu.memory_space<vmem_shared>>
        tpu.enqueue_indirect_dma source(%dma_start3A_218 : memref<128x16xf32, #tpu.memory_space<vmem>>) target(%dma_start3A_221 : memref<256x16xf32, #tpu.memory_space<vmem_shared>>) offsets(%arg22 : memref<128xi32, #tpu.memory_space<vmem>>) semaphore(%run_scoped3A : memref<!tpu.dma_semaphore, #tpu.memory_space<semaphore_mem>>) {add = true}
        %dma_wait3A_222 = arith.constant 0 : i32
        %dma_wait3A_223 = arith.constant 0 : i32
        %dma_wait3A_224 = tpu.memref_slice %arg16[%dma_wait3A_222, %dma_wait3A_223] : memref<1024x16xf32, #tpu.memory_space<vmem>> -> memref<128x16xf32, #tpu.memory_space<vmem>>
        %dma_wait3A_225 = arith.constant 0 : i32
        %dma_wait3A_226 = arith.constant 0 : i32
        %dma_wait3A_227 = tpu.memref_slice %arg28[%dma_wait3A_225, %dma_wait3A_226] : memref<256x16xf32, #tpu.memory_space<vmem_shared>> -> memref<256x16xf32, #tpu.memory_space<vmem_shared>>
        tpu.wait_indirect_dma semaphore(%run_scoped3A : memref<!tpu.dma_semaphore, #tpu.memory_space<semaphore_mem>>) src(%dma_wait3A_224 : memref<128x16xf32, #tpu.memory_space<vmem>>) dst(%dma_wait3A_227 : memref<256x16xf32, #tpu.memory_space<vmem_shared>>)
        tpu.yield
      }) : () -> ()
      "tpu.region"() ({
        %run_scoped3A = tpu.sem_alloc : memref<!tpu.dma_semaphore, #tpu.memory_space<semaphore_mem>>
        %dma_start3A_216 = arith.constant 128 : i32
        %dma_start3A_217 = arith.constant 0 : i32
        %dma_start3A_218 = tpu.memref_slice %arg16[%dma_start3A_216, %dma_start3A_217] : memref<1024x16xf32, #tpu.memory_space<vmem>> -> memref<128x16xf32, #tpu.memory_space<vmem>>
        %dma_start3A_219 = arith.constant 0 : i32
        %dma_start3A_220 = arith.constant 0 : i32
        %dma_start3A_221 = tpu.memref_slice %arg28[%dma_start3A_219, %dma_start3A_220] : memref<256x16xf32, #tpu.memory_space<vmem_shared>> -> memref<256x16xf32, #tpu.memory_space<vmem_shared>>
        tpu.enqueue_indirect_dma source(%dma_start3A_218 : memref<128x16xf32, #tpu.memory_space<vmem>>) target(%dma_start3A_221 : memref<256x16xf32, #tpu.memory_space<vmem_shared>>) offsets(%arg23 : memref<128xi32, #tpu.memory_space<vmem>>) semaphore(%run_scoped3A : memref<!tpu.dma_semaphore, #tpu.memory_space<semaphore_mem>>) {add = true}
        %dma_wait3A_222 = arith.constant 128 : i32
        %dma_wait3A_223 = arith.constant 0 : i32
        %dma_wait3A_224 = tpu.memref_slice %arg16[%dma_wait3A_222, %dma_wait3A_223] : memref<1024x16xf32, #tpu.memory_space<vmem>> -> memref<128x16xf32, #tpu.memory_space<vmem>>
        %dma_wait3A_225 = arith.constant 0 : i32
        %dma_wait3A_226 = arith.constant 0 : i32
        %dma_wait3A_227 = tpu.memref_slice %arg28[%dma_wait3A_225, %dma_wait3A_226] : memref<256x16xf32, #tpu.memory_space<vmem_shared>> -> memref<256x16xf32, #tpu.memory_space<vmem_shared>>
        tpu.wait_indirect_dma semaphore(%run_scoped3A : memref<!tpu.dma_semaphore, #tpu.memory_space<semaphore_mem>>) src(%dma_wait3A_224 : memref<128x16xf32, #tpu.memory_space<vmem>>) dst(%dma_wait3A_227 : memref<256x16xf32, #tpu.memory_space<vmem_shared>>)
        tpu.yield
      }) : () -> ()
      "tpu.region"() ({
        %run_scoped3A = tpu.sem_alloc : memref<!tpu.dma_semaphore, #tpu.memory_space<semaphore_mem>>
        %dma_start3A_216 = arith.constant 0 : i32
        %dma_start3A_217 = arith.constant 0 : i32
        %dma_start3A_218 = tpu.memref_slice %arg17[%dma_start3A_216, %dma_start3A_217] : memref<1024x16xf32, #tpu.memory_space<vmem>> -> memref<128x16xf32, #tpu.memory_space<vmem>>
        %dma_start3A_219 = arith.constant 0 : i32
        %dma_start3A_220 = arith.constant 0 : i32
        %dma_start3A_221 = tpu.memref_slice %arg29[%dma_start3A_219, %dma_start3A_220] : memref<256x16xf32, #tpu.memory_space<vmem_shared>> -> memref<256x16xf32, #tpu.memory_space<vmem_shared>>
        tpu.enqueue_indirect_dma source(%dma_start3A_218 : memref<128x16xf32, #tpu.memory_space<vmem>>) target(%dma_start3A_221 : memref<256x16xf32, #tpu.memory_space<vmem_shared>>) offsets(%arg22 : memref<128xi32, #tpu.memory_space<vmem>>) semaphore(%run_scoped3A : memref<!tpu.dma_semaphore, #tpu.memory_space<semaphore_mem>>) {add = true}
        %dma_wait3A_222 = arith.constant 0 : i32
        %dma_wait3A_223 = arith.constant 0 : i32
        %dma_wait3A_224 = tpu.memref_slice %arg17[%dma_wait3A_222, %dma_wait3A_223] : memref<1024x16xf32, #tpu.memory_space<vmem>> -> memref<128x16xf32, #tpu.memory_space<vmem>>
        %dma_wait3A_225 = arith.constant 0 : i32
        %dma_wait3A_226 = arith.constant 0 : i32
        %dma_wait3A_227 = tpu.memref_slice %arg29[%dma_wait3A_225, %dma_wait3A_226] : memref<256x16xf32, #tpu.memory_space<vmem_shared>> -> memref<256x16xf32, #tpu.memory_space<vmem_shared>>
        tpu.wait_indirect_dma semaphore(%run_scoped3A : memref<!tpu.dma_semaphore, #tpu.memory_space<semaphore_mem>>) src(%dma_wait3A_224 : memref<128x16xf32, #tpu.memory_space<vmem>>) dst(%dma_wait3A_227 : memref<256x16xf32, #tpu.memory_space<vmem_shared>>)
        tpu.yield
      }) : () -> ()
      "tpu.region"() ({
        %run_scoped3A = tpu.sem_alloc : memref<!tpu.dma_semaphore, #tpu.memory_space<semaphore_mem>>
        %dma_start3A_216 = arith.constant 128 : i32
        %dma_start3A_217 = arith.constant 0 : i32
        %dma_start3A_218 = tpu.memref_slice %arg17[%dma_start3A_216, %dma_start3A_217] : memref<1024x16xf32, #tpu.memory_space<vmem>> -> memref<128x16xf32, #tpu.memory_space<vmem>>
        %dma_start3A_219 = arith.constant 0 : i32
        %dma_start3A_220 = arith.constant 0 : i32
        %dma_start3A_221 = tpu.memref_slice %arg29[%dma_start3A_219, %dma_start3A_220] : memref<256x16xf32, #tpu.memory_space<vmem_shared>> -> memref<256x16xf32, #tpu.memory_space<vmem_shared>>
        tpu.enqueue_indirect_dma source(%dma_start3A_218 : memref<128x16xf32, #tpu.memory_space<vmem>>) target(%dma_start3A_221 : memref<256x16xf32, #tpu.memory_space<vmem_shared>>) offsets(%arg23 : memref<128xi32, #tpu.memory_space<vmem>>) semaphore(%run_scoped3A : memref<!tpu.dma_semaphore, #tpu.memory_space<semaphore_mem>>) {add = true}
        %dma_wait3A_222 = arith.constant 128 : i32
        %dma_wait3A_223 = arith.constant 0 : i32
        %dma_wait3A_224 = tpu.memref_slice %arg17[%dma_wait3A_222, %dma_wait3A_223] : memref<1024x16xf32, #tpu.memory_space<vmem>> -> memref<128x16xf32, #tpu.memory_space<vmem>>
        %dma_wait3A_225 = arith.constant 0 : i32
        %dma_wait3A_226 = arith.constant 0 : i32
        %dma_wait3A_227 = tpu.memref_slice %arg29[%dma_wait3A_225, %dma_wait3A_226] : memref<256x16xf32, #tpu.memory_space<vmem_shared>> -> memref<256x16xf32, #tpu.memory_space<vmem_shared>>
        tpu.wait_indirect_dma semaphore(%run_scoped3A : memref<!tpu.dma_semaphore, #tpu.memory_space<semaphore_mem>>) src(%dma_wait3A_224 : memref<128x16xf32, #tpu.memory_space<vmem>>) dst(%dma_wait3A_227 : memref<256x16xf32, #tpu.memory_space<vmem_shared>>)
        tpu.yield
      }) : () -> ()
      %barrier3A_88 = arith.constant 0 : index
      tpu.barrier barrier_id(%barrier3A_88)
      "tpu.region"() ({
        %run_scoped3A = tpu.sem_alloc : memref<!tpu.dma_semaphore, #tpu.memory_space<semaphore_mem>>
        tpu.enqueue_dma source(%arg28 : memref<256x16xf32, #tpu.memory_space<vmem_shared>>) target(%arg18 : memref<256x16xf32, #tpu.memory_space<vmem>>) target_semaphore(%run_scoped3A : memref<!tpu.dma_semaphore, #tpu.memory_space<semaphore_mem>>)
        tpu.wait_dma2 semaphore(%run_scoped3A : memref<!tpu.dma_semaphore, #tpu.memory_space<semaphore_mem>>) src(%arg28 : memref<256x16xf32, #tpu.memory_space<vmem_shared>>) dst(%arg18 : memref<256x16xf32, #tpu.memory_space<vmem>>)
        tpu.yield
      }) : () -> ()
      "tpu.region"() ({
        %run_scoped3A = tpu.sem_alloc : memref<!tpu.dma_semaphore, #tpu.memory_space<semaphore_mem>>
        tpu.enqueue_dma source(%arg29 : memref<256x16xf32, #tpu.memory_space<vmem_shared>>) target(%arg19 : memref<256x16xf32, #tpu.memory_space<vmem>>) target_semaphore(%run_scoped3A : memref<!tpu.dma_semaphore, #tpu.memory_space<semaphore_mem>>)
        tpu.wait_dma2 semaphore(%run_scoped3A : memref<!tpu.dma_semaphore, #tpu.memory_space<semaphore_mem>>) src(%arg29 : memref<256x16xf32, #tpu.memory_space<vmem_shared>>) dst(%arg19 : memref<256x16xf32, #tpu.memory_space<vmem>>)
        tpu.yield
      }) : () -> ()
      "tpu.trace_stop"() : () -> ()
      "tpu.trace_start"() <{level = 10 : i32, message = "search1"}> : () -> ()
      %scan3A_89 = arith.constant 0.000000e+00 : f32
      %scan3A_90 = arith.constant 0.000000e+00 : f32
      %scan3A_91 = arith.constant -1 : i32
      %scan3A_92 = arith.constant 0.000000e+00 : f32
      %scan3A_93 = arith.constant 0.000000e+00 : f32
      %scan3A_94 = arith.constant 0.000000e+00 : f32
      %scan3A_95 = arith.constant false
      %scan3A_96 = arith.constant 0 : i32
      %scan3A_97 = arith.constant 128 : i32
      %scan3A_98 = arith.addi %scan3A_96, %scan3A_97 : i32
      %scan3A_99 = arith.constant 1 : i32
      %scan3A_100:7 = scf.for %scan3A_216 = %scan3A_96 to %scan3A_98 step %scan3A_99 iter_args(%scan3A_217 = %scan3A_89, %scan3A_218 = %scan3A_90, %scan3A_219 = %scan3A_91, %scan3A_220 = %scan3A_92, %scan3A_221 = %scan3A_93, %scan3A_222 = %scan3A_94, %scan3A_223 = %scan3A_95) -> (f32, f32, i32, f32, f32, f32, i1)  : i32 {
        %sub3A = arith.constant 127 : i32
        %sub3A_224 = arith.subi %sub3A, %scan3A_216 : i32
        %get3A_225 = arith.index_cast %sub3A_224 : i32 to index
        %get3A_226 = arith.constant 0 : index
        %get3A_227 = tpu.vector_load %arg18[%get3A_225, %get3A_226] {strides = array<i32>} : memref<256x16xf32, #tpu.memory_space<vmem>>, vector<16xf32>,
        %reduce_sum3A_228 = arith.constant true
        %reduce_sum3A_229 = vector.broadcast %reduce_sum3A_228 : i1 to vector<16xi1>
        %reduce_sum3A_230 = tpu.scan <sum>, %get3A_227 masked %reduce_sum3A_229 : vector<16xf32>, vector<16xi1> -> vector<16xf32>
        %reduce_sum3A_231 = vector.extract %reduce_sum3A_230[15] : f32 from vector<16xf32>
        %get3A_232 = arith.index_cast %sub3A_224 : i32 to index
        %get3A_233 = arith.constant 0 : index
        %get3A_234 = tpu.vector_load %arg19[%get3A_232, %get3A_233] {strides = array<i32>} : memref<256x16xf32, #tpu.memory_space<vmem>>, vector<16xf32>,
        %reduce_sum3A_235 = arith.constant true
        %reduce_sum3A_236 = vector.broadcast %reduce_sum3A_235 : i1 to vector<16xi1>
        %reduce_sum3A_237 = tpu.scan <sum>, %get3A_234 masked %reduce_sum3A_236 : vector<16xf32>, vector<16xi1> -> vector<16xf32>
        %reduce_sum3A_238 = vector.extract %reduce_sum3A_237[15] : f32 from vector<16xf32>
        %not3A = arith.constant true
        %not3A_239 = arith.xori %scan3A_223, %not3A : i1
        %add3A_240 = arith.addf %scan3A_217, %reduce_sum3A_231 : f32
        %ge3A = arith.cmpf oge, %add3A_240, %reduce_sum3A_39 : f32
        %and3A = arith.andi %not3A_239, %ge3A : i1
        %select_n3A_241 = arith.select %and3A, %sub3A_224, %scan3A_219 : i32
        %sub3A_242 = arith.subf %reduce_sum3A_39, %scan3A_217 : f32
        %select_n3A_243 = arith.select %and3A, %sub3A_242, %scan3A_220 : f32
        %select_n3A_244 = arith.select %and3A, %reduce_sum3A_231, %scan3A_221 : f32
        %select_n3A_245 = arith.select %and3A, %reduce_sum3A_238, %scan3A_222 : f32
        %or3A_246 = arith.ori %scan3A_223, %and3A : i1
        %add3A_247 = arith.addf %scan3A_218, %reduce_sum3A_238 : f32
        %select_n3A_248 = arith.select %or3A_246, %scan3A_218, %add3A_247 : f32
        %add3A_249 = arith.addf %scan3A_217, %reduce_sum3A_231 : f32
        %or3A_250 = arith.ori %scan3A_223, %and3A : i1
        scf.yield %add3A_249, %select_n3A_248, %select_n3A_241, %select_n3A_243, %select_n3A_244, %select_n3A_245, %or3A_250 : f32, f32, i32, f32, f32, f32, i1
      }
      %scan3A_101 = arith.constant 128 : i32
      %get3A_102 = arith.constant 128 : i32
      "tpu.trace_stop"() : () -> ()
      %get3A_103 = arith.index_cast %get3A_102 : i32 to index
      %get3A_104 = arith.constant 0 : index
      %get3A_105 = tpu.vector_load %arg18[%get3A_103, %get3A_104] {strides = array<i32>} : memref<256x16xf32, #tpu.memory_space<vmem>>, vector<16xf32>,
      %reduce_sum3A_106 = arith.constant true
      %reduce_sum3A_107 = vector.broadcast %reduce_sum3A_106 : i1 to vector<16xi1>
      %reduce_sum3A_108 = tpu.scan <sum>, %get3A_105 masked %reduce_sum3A_107 : vector<16xf32>, vector<16xi1> -> vector<16xf32>
      %reduce_sum3A_109 = vector.extract %reduce_sum3A_108[15] : f32 from vector<16xf32>
      %get3A_110 = arith.constant 129 : i32
      %get3A_111 = arith.index_cast %get3A_110 : i32 to index
      %get3A_112 = arith.constant 0 : index
      %get3A_113 = tpu.vector_load %arg18[%get3A_111, %get3A_112] {strides = array<i32>} : memref<256x16xf32, #tpu.memory_space<vmem>>, vector<16xf32>,
      %reduce_sum3A_114 = arith.constant true
      %reduce_sum3A_115 = vector.broadcast %reduce_sum3A_114 : i1 to vector<16xi1>
      %reduce_sum3A_116 = tpu.scan <sum>, %get3A_113 masked %reduce_sum3A_115 : vector<16xf32>, vector<16xi1> -> vector<16xf32>
      %reduce_sum3A_117 = vector.extract %reduce_sum3A_116[15] : f32 from vector<16xf32>
      "tpu.trace_start"() <{level = 10 : i32, message = "reset2"}> : () -> ()
      %barrier3A_118 = arith.constant 0 : index
      tpu.barrier barrier_id(%barrier3A_118)
      %parallel_loop3A_119 = arith.constant 0 : i32
      %parallel_loop3A_120 = arith.constant 1024 : i32
      %parallel_loop3A_121 = arith.constant 1 : i32
      scf.for %parallel_loop3A_216 = %parallel_loop3A_119 to %parallel_loop3A_120 step %parallel_loop3A_121  : i32 {
        %parallel_loop3A_217 = arith.index_cast %parallel_loop3A_216 : i32 to index
        %parallel_loop3A_218 = arith.constant 0 : index
        %parallel_loop3A_219 = tpu.vector_load %arg16[%parallel_loop3A_217, %parallel_loop3A_218] {strides = array<i32>} : memref<1024x16xf32, #tpu.memory_space<vmem>>, vector<16xf32>,
        tpu.vector_store %arg16[%parallel_loop3A_217, %parallel_loop3A_218], %broadcast_in_dim3A_2 {strides = array<i32>} : memref<1024x16xf32, #tpu.memory_space<vmem>>, vector<16xf32>,
        %parallel_loop3A_220 = arith.index_cast %parallel_loop3A_216 : i32 to index
        %parallel_loop3A_221 = arith.constant 0 : index
        %parallel_loop3A_222 = tpu.vector_load %arg17[%parallel_loop3A_220, %parallel_loop3A_221] {strides = array<i32>} : memref<1024x16xf32, #tpu.memory_space<vmem>>, vector<16xf32>,
        tpu.vector_store %arg17[%parallel_loop3A_220, %parallel_loop3A_221], %broadcast_in_dim3A_2 {strides = array<i32>} : memref<1024x16xf32, #tpu.memory_space<vmem>>, vector<16xf32>,
      } {sc.loop_unroll_factor = 8 : i64, sc.parallel_access}
      %eq3A_122 = arith.constant 0 : i32
      %eq3A_123 = arith.cmpi eq, %arg1, %eq3A_122 : i32
      %convert_element_type3A_124 = arith.extui %eq3A_123 : i1 to i32
      %cond3A_125 = arith.constant 0 : i32
      %cond3A_126 = arith.cmpi ne, %convert_element_type3A_124, %cond3A_125 : i32
      scf.if %cond3A_126 {
        "tpu.region"() ({
          %run_scoped3A = tpu.sem_alloc : memref<!tpu.dma_semaphore, #tpu.memory_space<semaphore_mem>>
          %dma_start3A_216 = arith.constant 0 : i32
          %dma_start3A_217 = arith.constant 0 : i32
          %dma_start3A_218 = tpu.memref_slice %arg16[%dma_start3A_216, %dma_start3A_217] : memref<1024x16xf32, #tpu.memory_space<vmem>> -> memref<256x16xf32, #tpu.memory_space<vmem>>
          %dma_start3A_219 = arith.constant 0 : i32
          %dma_start3A_220 = arith.constant 0 : i32
          %dma_start3A_221 = tpu.memref_slice %arg16[%dma_start3A_219, %dma_start3A_220] : memref<1024x16xf32, #tpu.memory_space<vmem>> -> memref<256x16xf32, #tpu.memory_space<vmem>>
          tpu.enqueue_dma source(%dma_start3A_221 : memref<256x16xf32, #tpu.memory_space<vmem>>) target(%arg28 : memref<256x16xf32, #tpu.memory_space<vmem_shared>>) target_semaphore(%run_scoped3A : memref<!tpu.dma_semaphore, #tpu.memory_space<semaphore_mem>>)
          %dma_wait3A_222 = arith.constant 0 : i32
          %dma_wait3A_223 = arith.constant 0 : i32
          %dma_wait3A_224 = tpu.memref_slice %arg16[%dma_wait3A_222, %dma_wait3A_223] : memref<1024x16xf32, #tpu.memory_space<vmem>> -> memref<256x16xf32, #tpu.memory_space<vmem>>
          %dma_wait3A_225 = arith.constant 0 : i32
          %dma_wait3A_226 = arith.constant 0 : i32
          %dma_wait3A_227 = tpu.memref_slice %arg16[%dma_wait3A_225, %dma_wait3A_226] : memref<1024x16xf32, #tpu.memory_space<vmem>> -> memref<256x16xf32, #tpu.memory_space<vmem>>
          tpu.wait_dma2 semaphore(%run_scoped3A : memref<!tpu.dma_semaphore, #tpu.memory_space<semaphore_mem>>) src(%dma_wait3A_227 : memref<256x16xf32, #tpu.memory_space<vmem>>) dst(%arg28 : memref<256x16xf32, #tpu.memory_space<vmem_shared>>)
          tpu.yield
        }) : () -> ()
        "tpu.region"() ({
          %run_scoped3A = tpu.sem_alloc : memref<!tpu.dma_semaphore, #tpu.memory_space<semaphore_mem>>
          %dma_start3A_216 = arith.constant 0 : i32
          %dma_start3A_217 = arith.constant 0 : i32
          %dma_start3A_218 = tpu.memref_slice %arg17[%dma_start3A_216, %dma_start3A_217] : memref<1024x16xf32, #tpu.memory_space<vmem>> -> memref<256x16xf32, #tpu.memory_space<vmem>>
          %dma_start3A_219 = arith.constant 0 : i32
          %dma_start3A_220 = arith.constant 0 : i32
          %dma_start3A_221 = tpu.memref_slice %arg17[%dma_start3A_219, %dma_start3A_220] : memref<1024x16xf32, #tpu.memory_space<vmem>> -> memref<256x16xf32, #tpu.memory_space<vmem>>
          tpu.enqueue_dma source(%dma_start3A_221 : memref<256x16xf32, #tpu.memory_space<vmem>>) target(%arg29 : memref<256x16xf32, #tpu.memory_space<vmem_shared>>) target_semaphore(%run_scoped3A : memref<!tpu.dma_semaphore, #tpu.memory_space<semaphore_mem>>)
          %dma_wait3A_222 = arith.constant 0 : i32
          %dma_wait3A_223 = arith.constant 0 : i32
          %dma_wait3A_224 = tpu.memref_slice %arg17[%dma_wait3A_222, %dma_wait3A_223] : memref<1024x16xf32, #tpu.memory_space<vmem>> -> memref<256x16xf32, #tpu.memory_space<vmem>>
          %dma_wait3A_225 = arith.constant 0 : i32
          %dma_wait3A_226 = arith.constant 0 : i32
          %dma_wait3A_227 = tpu.memref_slice %arg17[%dma_wait3A_225, %dma_wait3A_226] : memref<1024x16xf32, #tpu.memory_space<vmem>> -> memref<256x16xf32, #tpu.memory_space<vmem>>
          tpu.wait_dma2 semaphore(%run_scoped3A : memref<!tpu.dma_semaphore, #tpu.memory_space<semaphore_mem>>) src(%dma_wait3A_227 : memref<256x16xf32, #tpu.memory_space<vmem>>) dst(%arg29 : memref<256x16xf32, #tpu.memory_space<vmem_shared>>)
          tpu.yield
        }) : () -> ()
      } else {
      }
      %barrier3A_127 = arith.constant 0 : index
      tpu.barrier barrier_id(%barrier3A_127)
      "tpu.trace_stop"() : () -> ()
      "tpu.trace_start"() <{level = 10 : i32, message = "sweep2"}> : () -> ()
      %scan3A_128 = arith.constant 0 : i32
      %scan3A_129 = arith.constant 0 : i32
      %scan3A_130 = arith.constant 8 : i32
      %scan3A_131 = arith.addi %scan3A_129, %scan3A_130 : i32
      %scan3A_132 = arith.constant 1 : i32
      %scan3A_133 = scf.for %scan3A_216 = %scan3A_129 to %scan3A_131 step %scan3A_132 iter_args(%scan3A_217 = %scan3A_128) -> (i32)  : i32 {
        %mul3A_218 = arith.constant 2 : i32
        %mul3A_219 = arith.muli %mul3A_218, %scan3A_216 : i32
        %mul3A_220 = arith.constant 8192 : i32
        %mul3A_221 = arith.muli %mul3A_219, %mul3A_220 : i32
        %add3A_222 = arith.addi %add3A_33, %mul3A_221 : i32
        %dma_wait3A_223 = arith.constant 0 : i32
        %dma_wait3A_224 = tpu.memref_slice %arg7[%dma_wait3A_223] : memref<8388608xf32, #tpu.memory_space<hbm>> -> memref<8192xf32, #tpu.memory_space<hbm>>
        %dma_wait3A_225 = arith.constant 0 : i32
        %dma_wait3A_226 = tpu.memref_slice %arg7[%dma_wait3A_225] : memref<8388608xf32, #tpu.memory_space<hbm>> -> memref<8192xf32, #tpu.memory_space<hbm>>
        tpu.wait_dma2 semaphore(%arg24 : memref<!tpu.dma_semaphore, #tpu.memory_space<semaphore_mem>>) src(%dma_wait3A_226 : memref<8192xf32, #tpu.memory_space<hbm>>) dst(%arg8 : memref<8192xf32, #tpu.memory_space<vmem>>)
        %add3A_227 = arith.constant 8192 : i32
        %add3A_228 = arith.addi %add3A_222, %add3A_227 : i32
        %dma_start3A_229 = tpu.memref_slice %arg7[%add3A_228] : memref<8388608xf32, #tpu.memory_space<hbm>> -> memref<8192xf32, #tpu.memory_space<hbm>>
        %dma_start3A_230 = tpu.memref_slice %arg7[%add3A_228] : memref<8388608xf32, #tpu.memory_space<hbm>> -> memref<8192xf32, #tpu.memory_space<hbm>>
        tpu.enqueue_dma source(%dma_start3A_230 : memref<8192xf32, #tpu.memory_space<hbm>>) target(%arg12 : memref<8192xf32, #tpu.memory_space<vmem>>) target_semaphore(%arg25 : memref<!tpu.dma_semaphore, #tpu.memory_space<semaphore_mem>>)
        %parallel_loop3A_231 = arith.constant 0 : i32
        %parallel_loop3A_232 = arith.constant 512 : i32
        %parallel_loop3A_233 = arith.constant 1 : i32
        scf.for %parallel_loop3A_246 = %parallel_loop3A_231 to %parallel_loop3A_232 step %parallel_loop3A_233  : i32 {
          %parallel_loop3A_247 = arith.constant 3 : i32
          %parallel_loop3A_248 = arith.andi %parallel_loop3A_246, %parallel_loop3A_247 : i32
          %parallel_loop3A_249 = arith.constant 8 : i32
          %parallel_loop3A_250 = arith.shli %parallel_loop3A_248, %parallel_loop3A_249 : i32
          %parallel_loop3A_251 = arith.constant 16 : i32
          %parallel_loop3A_252 = arith.muli %parallel_loop3A_246, %parallel_loop3A_251 : i32
          %parallel_loop3A_253 = arith.index_cast %parallel_loop3A_252 : i32 to index
          %parallel_loop3A_254 = tpu.vector_load %arg8[%parallel_loop3A_253] {strides = array<i32>} : memref<8192xf32, #tpu.memory_space<vmem>>, vector<16xf32>,
          %parallel_loop3A_255 = vector.bitcast %parallel_loop3A_254 : vector<16xf32> to vector<16xi32>
          %parallel_loop3A_256 = arith.constant 24 : i32
          %parallel_loop3A_257 = vector.broadcast %parallel_loop3A_256 : i32 to vector<16xi32>
          %parallel_loop3A_258 = arith.shrsi %parallel_loop3A_255, %parallel_loop3A_257 : vector<16xi32>
          %parallel_loop3A_259 = vector.broadcast %scan3A_100#2 : i32 to vector<16xi32>
          %parallel_loop3A_260 = arith.cmpi eq, %parallel_loop3A_258, %parallel_loop3A_259 : vector<16xi32>
          %parallel_loop3A_261 = arith.constant 16 : i32
          %parallel_loop3A_262 = vector.broadcast %parallel_loop3A_261 : i32 to vector<16xi32>
          %parallel_loop3A_263 = arith.shrsi %parallel_loop3A_255, %parallel_loop3A_262 : vector<16xi32>
          %parallel_loop3A_264 = arith.constant 255 : i32
          %parallel_loop3A_265 = vector.broadcast %parallel_loop3A_264 : i32 to vector<16xi32>
          %parallel_loop3A_266 = arith.andi %parallel_loop3A_263, %parallel_loop3A_265 : vector<16xi32>
          %parallel_loop3A_267 = vector.broadcast %parallel_loop3A_250 : i32 to vector<16xi32>
          %parallel_loop3A_268 = arith.addi %parallel_loop3A_266, %parallel_loop3A_267 : vector<16xi32>
          tpu.vector_store_idx %arg16[%parallel_loop3A_268, %iota3A], %broadcast_in_dim3A_0 masked %parallel_loop3A_260 {add = true} : memref<1024x16xf32, #tpu.memory_space<vmem>>[vector<16xi32>, vector<16xi32>], vector<16xf32>, vector<16xi1>
          tpu.vector_store_idx %arg17[%parallel_loop3A_268, %iota3A], %parallel_loop3A_254 masked %parallel_loop3A_260 {add = true} : memref<1024x16xf32, #tpu.memory_space<vmem>>[vector<16xi32>, vector<16xi32>], vector<16xf32>, vector<16xi1>
        } {sc.loop_unroll_factor = 8 : i64, sc.parallel_access}
        %dma_wait3A_234 = arith.constant 0 : i32
        %dma_wait3A_235 = tpu.memref_slice %arg7[%dma_wait3A_234] : memref<8388608xf32, #tpu.memory_space<hbm>> -> memref<8192xf32, #tpu.memory_space<hbm>>
        %dma_wait3A_236 = arith.constant 0 : i32
        %dma_wait3A_237 = tpu.memref_slice %arg7[%dma_wait3A_236] : memref<8388608xf32, #tpu.memory_space<hbm>> -> memref<8192xf32, #tpu.memory_space<hbm>>
        tpu.wait_dma2 semaphore(%arg25 : memref<!tpu.dma_semaphore, #tpu.memory_space<semaphore_mem>>) src(%dma_wait3A_237 : memref<8192xf32, #tpu.memory_space<hbm>>) dst(%arg12 : memref<8192xf32, #tpu.memory_space<vmem>>)
        %lt3A = arith.constant 7 : i32
        %lt3A_238 = arith.cmpi slt, %scan3A_216, %lt3A : i32
        %convert_element_type3A_239 = arith.extui %lt3A_238 : i1 to i32
        %cond3A_240 = arith.constant 0 : i32
        %cond3A_241 = arith.cmpi ne, %convert_element_type3A_239, %cond3A_240 : i32
        scf.if %cond3A_241 {
          %add3A_246 = arith.constant 16384 : i32
          %add3A_247 = arith.addi %add3A_222, %add3A_246 : i32
          %dma_start3A_248 = tpu.memref_slice %arg7[%add3A_247] : memref<8388608xf32, #tpu.memory_space<hbm>> -> memref<8192xf32, #tpu.memory_space<hbm>>
          %dma_start3A_249 = tpu.memref_slice %arg7[%add3A_247] : memref<8388608xf32, #tpu.memory_space<hbm>> -> memref<8192xf32, #tpu.memory_space<hbm>>
          tpu.enqueue_dma source(%dma_start3A_249 : memref<8192xf32, #tpu.memory_space<hbm>>) target(%arg8 : memref<8192xf32, #tpu.memory_space<vmem>>) target_semaphore(%arg24 : memref<!tpu.dma_semaphore, #tpu.memory_space<semaphore_mem>>)
        } else {
        }
        %parallel_loop3A_242 = arith.constant 0 : i32
        %parallel_loop3A_243 = arith.constant 512 : i32
        %parallel_loop3A_244 = arith.constant 1 : i32
        scf.for %parallel_loop3A_246 = %parallel_loop3A_242 to %parallel_loop3A_243 step %parallel_loop3A_244  : i32 {
          %parallel_loop3A_247 = arith.constant 3 : i32
          %parallel_loop3A_248 = arith.andi %parallel_loop3A_246, %parallel_loop3A_247 : i32
          %parallel_loop3A_249 = arith.constant 8 : i32
          %parallel_loop3A_250 = arith.shli %parallel_loop3A_248, %parallel_loop3A_249 : i32
          %parallel_loop3A_251 = arith.constant 16 : i32
          %parallel_loop3A_252 = arith.muli %parallel_loop3A_246, %parallel_loop3A_251 : i32
          %parallel_loop3A_253 = arith.index_cast %parallel_loop3A_252 : i32 to index
          %parallel_loop3A_254 = tpu.vector_load %arg12[%parallel_loop3A_253] {strides = array<i32>} : memref<8192xf32, #tpu.memory_space<vmem>>, vector<16xf32>,
          %parallel_loop3A_255 = vector.bitcast %parallel_loop3A_254 : vector<16xf32> to vector<16xi32>
          %parallel_loop3A_256 = arith.constant 24 : i32
          %parallel_loop3A_257 = vector.broadcast %parallel_loop3A_256 : i32 to vector<16xi32>
          %parallel_loop3A_258 = arith.shrsi %parallel_loop3A_255, %parallel_loop3A_257 : vector<16xi32>
          %parallel_loop3A_259 = vector.broadcast %scan3A_100#2 : i32 to vector<16xi32>
          %parallel_loop3A_260 = arith.cmpi eq, %parallel_loop3A_258, %parallel_loop3A_259 : vector<16xi32>
          %parallel_loop3A_261 = arith.constant 16 : i32
          %parallel_loop3A_262 = vector.broadcast %parallel_loop3A_261 : i32 to vector<16xi32>
          %parallel_loop3A_263 = arith.shrsi %parallel_loop3A_255, %parallel_loop3A_262 : vector<16xi32>
          %parallel_loop3A_264 = arith.constant 255 : i32
          %parallel_loop3A_265 = vector.broadcast %parallel_loop3A_264 : i32 to vector<16xi32>
          %parallel_loop3A_266 = arith.andi %parallel_loop3A_263, %parallel_loop3A_265 : vector<16xi32>
          %parallel_loop3A_267 = vector.broadcast %parallel_loop3A_250 : i32 to vector<16xi32>
          %parallel_loop3A_268 = arith.addi %parallel_loop3A_266, %parallel_loop3A_267 : vector<16xi32>
          tpu.vector_store_idx %arg16[%parallel_loop3A_268, %iota3A], %broadcast_in_dim3A_0 masked %parallel_loop3A_260 {add = true} : memref<1024x16xf32, #tpu.memory_space<vmem>>[vector<16xi32>, vector<16xi32>], vector<16xf32>, vector<16xi1>
          tpu.vector_store_idx %arg17[%parallel_loop3A_268, %iota3A], %parallel_loop3A_254 masked %parallel_loop3A_260 {add = true} : memref<1024x16xf32, #tpu.memory_space<vmem>>[vector<16xi32>, vector<16xi32>], vector<16xf32>, vector<16xi1>
        } {sc.loop_unroll_factor = 8 : i64, sc.parallel_access}
        %scan3A_245 = arith.constant 0 : i32
        scf.yield %scan3A_245 : i32
      }
      %scan3A_134 = arith.constant 8 : i32
      "tpu.trace_stop"() : () -> ()
      %dma_start3A_135 = tpu.memref_slice %arg7[%add3A_33] : memref<8388608xf32, #tpu.memory_space<hbm>> -> memref<8192xf32, #tpu.memory_space<hbm>>
      %dma_start3A_136 = tpu.memref_slice %arg7[%add3A_33] : memref<8388608xf32, #tpu.memory_space<hbm>> -> memref<8192xf32, #tpu.memory_space<hbm>>
      tpu.enqueue_dma source(%dma_start3A_136 : memref<8192xf32, #tpu.memory_space<hbm>>) target(%arg8 : memref<8192xf32, #tpu.memory_space<vmem>>) target_semaphore(%arg24 : memref<!tpu.dma_semaphore, #tpu.memory_space<semaphore_mem>>)
      %parallel_loop3A_137 = arith.constant 0 : i32
      %parallel_loop3A_138 = arith.constant 256 : i32
      %parallel_loop3A_139 = arith.constant 1 : i32
      "tpu.trace_start"() <{level = 10 : i32, message = "combine2"}> : () -> ()
      scf.for %parallel_loop3A_216 = %parallel_loop3A_137 to %parallel_loop3A_138 step %parallel_loop3A_139  : i32 {
        %parallel_loop3A_217 = arith.index_cast %parallel_loop3A_216 : i32 to index
        %parallel_loop3A_218 = arith.constant 0 : index
        %parallel_loop3A_219 = tpu.vector_load %arg16[%parallel_loop3A_217, %parallel_loop3A_218] {strides = array<i32>} : memref<1024x16xf32, #tpu.memory_space<vmem>>, vector<16xf32>,
        %parallel_loop3A_220 = arith.constant 256 : i32
        %parallel_loop3A_221 = arith.addi %parallel_loop3A_216, %parallel_loop3A_220 : i32
        %parallel_loop3A_222 = arith.index_cast %parallel_loop3A_221 : i32 to index
        %parallel_loop3A_223 = arith.constant 0 : index
        %parallel_loop3A_224 = tpu.vector_load %arg16[%parallel_loop3A_222, %parallel_loop3A_223] {strides = array<i32>} : memref<1024x16xf32, #tpu.memory_space<vmem>>, vector<16xf32>,
        %parallel_loop3A_225 = arith.addf %parallel_loop3A_219, %parallel_loop3A_224 : vector<16xf32>
        %parallel_loop3A_226 = arith.constant 512 : i32
        %parallel_loop3A_227 = arith.addi %parallel_loop3A_216, %parallel_loop3A_226 : i32
        %parallel_loop3A_228 = arith.index_cast %parallel_loop3A_227 : i32 to index
        %parallel_loop3A_229 = arith.constant 0 : index
        %parallel_loop3A_230 = tpu.vector_load %arg16[%parallel_loop3A_228, %parallel_loop3A_229] {strides = array<i32>} : memref<1024x16xf32, #tpu.memory_space<vmem>>, vector<16xf32>,
        %parallel_loop3A_231 = arith.constant 768 : i32
        %parallel_loop3A_232 = arith.addi %parallel_loop3A_216, %parallel_loop3A_231 : i32
        %parallel_loop3A_233 = arith.index_cast %parallel_loop3A_232 : i32 to index
        %parallel_loop3A_234 = arith.constant 0 : index
        %parallel_loop3A_235 = tpu.vector_load %arg16[%parallel_loop3A_233, %parallel_loop3A_234] {strides = array<i32>} : memref<1024x16xf32, #tpu.memory_space<vmem>>, vector<16xf32>,
        %parallel_loop3A_236 = arith.addf %parallel_loop3A_230, %parallel_loop3A_235 : vector<16xf32>
        %parallel_loop3A_237 = arith.addf %parallel_loop3A_225, %parallel_loop3A_236 : vector<16xf32>
        %parallel_loop3A_238 = arith.index_cast %parallel_loop3A_216 : i32 to index
        %parallel_loop3A_239 = arith.constant 0 : index
        %parallel_loop3A_240 = tpu.vector_load %arg16[%parallel_loop3A_238, %parallel_loop3A_239] {strides = array<i32>} : memref<1024x16xf32, #tpu.memory_space<vmem>>, vector<16xf32>,
        tpu.vector_store %arg16[%parallel_loop3A_238, %parallel_loop3A_239], %parallel_loop3A_237 {strides = array<i32>} : memref<1024x16xf32, #tpu.memory_space<vmem>>, vector<16xf32>,
        %parallel_loop3A_241 = arith.index_cast %parallel_loop3A_216 : i32 to index
        %parallel_loop3A_242 = arith.constant 0 : index
        %parallel_loop3A_243 = tpu.vector_load %arg17[%parallel_loop3A_241, %parallel_loop3A_242] {strides = array<i32>} : memref<1024x16xf32, #tpu.memory_space<vmem>>, vector<16xf32>,
        %parallel_loop3A_244 = arith.constant 256 : i32
        %parallel_loop3A_245 = arith.addi %parallel_loop3A_216, %parallel_loop3A_244 : i32
        %parallel_loop3A_246 = arith.index_cast %parallel_loop3A_245 : i32 to index
        %parallel_loop3A_247 = arith.constant 0 : index
        %parallel_loop3A_248 = tpu.vector_load %arg17[%parallel_loop3A_246, %parallel_loop3A_247] {strides = array<i32>} : memref<1024x16xf32, #tpu.memory_space<vmem>>, vector<16xf32>,
        %parallel_loop3A_249 = arith.addf %parallel_loop3A_243, %parallel_loop3A_248 : vector<16xf32>
        %parallel_loop3A_250 = arith.constant 512 : i32
        %parallel_loop3A_251 = arith.addi %parallel_loop3A_216, %parallel_loop3A_250 : i32
        %parallel_loop3A_252 = arith.index_cast %parallel_loop3A_251 : i32 to index
        %parallel_loop3A_253 = arith.constant 0 : index
        %parallel_loop3A_254 = tpu.vector_load %arg17[%parallel_loop3A_252, %parallel_loop3A_253] {strides = array<i32>} : memref<1024x16xf32, #tpu.memory_space<vmem>>, vector<16xf32>,
        %parallel_loop3A_255 = arith.constant 768 : i32
        %parallel_loop3A_256 = arith.addi %parallel_loop3A_216, %parallel_loop3A_255 : i32
        %parallel_loop3A_257 = arith.index_cast %parallel_loop3A_256 : i32 to index
        %parallel_loop3A_258 = arith.constant 0 : index
        %parallel_loop3A_259 = tpu.vector_load %arg17[%parallel_loop3A_257, %parallel_loop3A_258] {strides = array<i32>} : memref<1024x16xf32, #tpu.memory_space<vmem>>, vector<16xf32>,
        %parallel_loop3A_260 = arith.addf %parallel_loop3A_254, %parallel_loop3A_259 : vector<16xf32>
        %parallel_loop3A_261 = arith.addf %parallel_loop3A_249, %parallel_loop3A_260 : vector<16xf32>
        %parallel_loop3A_262 = arith.index_cast %parallel_loop3A_216 : i32 to index
        %parallel_loop3A_263 = arith.constant 0 : index
        %parallel_loop3A_264 = tpu.vector_load %arg17[%parallel_loop3A_262, %parallel_loop3A_263] {strides = array<i32>} : memref<1024x16xf32, #tpu.memory_space<vmem>>, vector<16xf32>,
        tpu.vector_store %arg17[%parallel_loop3A_262, %parallel_loop3A_263], %parallel_loop3A_261 {strides = array<i32>} : memref<1024x16xf32, #tpu.memory_space<vmem>>, vector<16xf32>,
      } {sc.loop_unroll_factor = 8 : i64, sc.parallel_access}
      "tpu.region"() ({
        %run_scoped3A = tpu.sem_alloc : memref<!tpu.dma_semaphore, #tpu.memory_space<semaphore_mem>>
        %dma_start3A_216 = arith.constant 0 : i32
        %dma_start3A_217 = arith.constant 0 : i32
        %dma_start3A_218 = tpu.memref_slice %arg16[%dma_start3A_216, %dma_start3A_217] : memref<1024x16xf32, #tpu.memory_space<vmem>> -> memref<128x16xf32, #tpu.memory_space<vmem>>
        %dma_start3A_219 = arith.constant 0 : i32
        %dma_start3A_220 = arith.constant 0 : i32
        %dma_start3A_221 = tpu.memref_slice %arg28[%dma_start3A_219, %dma_start3A_220] : memref<256x16xf32, #tpu.memory_space<vmem_shared>> -> memref<256x16xf32, #tpu.memory_space<vmem_shared>>
        tpu.enqueue_indirect_dma source(%dma_start3A_218 : memref<128x16xf32, #tpu.memory_space<vmem>>) target(%dma_start3A_221 : memref<256x16xf32, #tpu.memory_space<vmem_shared>>) offsets(%arg22 : memref<128xi32, #tpu.memory_space<vmem>>) semaphore(%run_scoped3A : memref<!tpu.dma_semaphore, #tpu.memory_space<semaphore_mem>>) {add = true}
        %dma_wait3A_222 = arith.constant 0 : i32
        %dma_wait3A_223 = arith.constant 0 : i32
        %dma_wait3A_224 = tpu.memref_slice %arg16[%dma_wait3A_222, %dma_wait3A_223] : memref<1024x16xf32, #tpu.memory_space<vmem>> -> memref<128x16xf32, #tpu.memory_space<vmem>>
        %dma_wait3A_225 = arith.constant 0 : i32
        %dma_wait3A_226 = arith.constant 0 : i32
        %dma_wait3A_227 = tpu.memref_slice %arg28[%dma_wait3A_225, %dma_wait3A_226] : memref<256x16xf32, #tpu.memory_space<vmem_shared>> -> memref<256x16xf32, #tpu.memory_space<vmem_shared>>
        tpu.wait_indirect_dma semaphore(%run_scoped3A : memref<!tpu.dma_semaphore, #tpu.memory_space<semaphore_mem>>) src(%dma_wait3A_224 : memref<128x16xf32, #tpu.memory_space<vmem>>) dst(%dma_wait3A_227 : memref<256x16xf32, #tpu.memory_space<vmem_shared>>)
        tpu.yield
      }) : () -> ()
      "tpu.region"() ({
        %run_scoped3A = tpu.sem_alloc : memref<!tpu.dma_semaphore, #tpu.memory_space<semaphore_mem>>
        %dma_start3A_216 = arith.constant 128 : i32
        %dma_start3A_217 = arith.constant 0 : i32
        %dma_start3A_218 = tpu.memref_slice %arg16[%dma_start3A_216, %dma_start3A_217] : memref<1024x16xf32, #tpu.memory_space<vmem>> -> memref<128x16xf32, #tpu.memory_space<vmem>>
        %dma_start3A_219 = arith.constant 0 : i32
        %dma_start3A_220 = arith.constant 0 : i32
        %dma_start3A_221 = tpu.memref_slice %arg28[%dma_start3A_219, %dma_start3A_220] : memref<256x16xf32, #tpu.memory_space<vmem_shared>> -> memref<256x16xf32, #tpu.memory_space<vmem_shared>>
        tpu.enqueue_indirect_dma source(%dma_start3A_218 : memref<128x16xf32, #tpu.memory_space<vmem>>) target(%dma_start3A_221 : memref<256x16xf32, #tpu.memory_space<vmem_shared>>) offsets(%arg23 : memref<128xi32, #tpu.memory_space<vmem>>) semaphore(%run_scoped3A : memref<!tpu.dma_semaphore, #tpu.memory_space<semaphore_mem>>) {add = true}
        %dma_wait3A_222 = arith.constant 128 : i32
        %dma_wait3A_223 = arith.constant 0 : i32
        %dma_wait3A_224 = tpu.memref_slice %arg16[%dma_wait3A_222, %dma_wait3A_223] : memref<1024x16xf32, #tpu.memory_space<vmem>> -> memref<128x16xf32, #tpu.memory_space<vmem>>
        %dma_wait3A_225 = arith.constant 0 : i32
        %dma_wait3A_226 = arith.constant 0 : i32
        %dma_wait3A_227 = tpu.memref_slice %arg28[%dma_wait3A_225, %dma_wait3A_226] : memref<256x16xf32, #tpu.memory_space<vmem_shared>> -> memref<256x16xf32, #tpu.memory_space<vmem_shared>>
        tpu.wait_indirect_dma semaphore(%run_scoped3A : memref<!tpu.dma_semaphore, #tpu.memory_space<semaphore_mem>>) src(%dma_wait3A_224 : memref<128x16xf32, #tpu.memory_space<vmem>>) dst(%dma_wait3A_227 : memref<256x16xf32, #tpu.memory_space<vmem_shared>>)
        tpu.yield
      }) : () -> ()
      "tpu.region"() ({
        %run_scoped3A = tpu.sem_alloc : memref<!tpu.dma_semaphore, #tpu.memory_space<semaphore_mem>>
        %dma_start3A_216 = arith.constant 0 : i32
        %dma_start3A_217 = arith.constant 0 : i32
        %dma_start3A_218 = tpu.memref_slice %arg17[%dma_start3A_216, %dma_start3A_217] : memref<1024x16xf32, #tpu.memory_space<vmem>> -> memref<128x16xf32, #tpu.memory_space<vmem>>
        %dma_start3A_219 = arith.constant 0 : i32
        %dma_start3A_220 = arith.constant 0 : i32
        %dma_start3A_221 = tpu.memref_slice %arg29[%dma_start3A_219, %dma_start3A_220] : memref<256x16xf32, #tpu.memory_space<vmem_shared>> -> memref<256x16xf32, #tpu.memory_space<vmem_shared>>
        tpu.enqueue_indirect_dma source(%dma_start3A_218 : memref<128x16xf32, #tpu.memory_space<vmem>>) target(%dma_start3A_221 : memref<256x16xf32, #tpu.memory_space<vmem_shared>>) offsets(%arg22 : memref<128xi32, #tpu.memory_space<vmem>>) semaphore(%run_scoped3A : memref<!tpu.dma_semaphore, #tpu.memory_space<semaphore_mem>>) {add = true}
        %dma_wait3A_222 = arith.constant 0 : i32
        %dma_wait3A_223 = arith.constant 0 : i32
        %dma_wait3A_224 = tpu.memref_slice %arg17[%dma_wait3A_222, %dma_wait3A_223] : memref<1024x16xf32, #tpu.memory_space<vmem>> -> memref<128x16xf32, #tpu.memory_space<vmem>>
        %dma_wait3A_225 = arith.constant 0 : i32
        %dma_wait3A_226 = arith.constant 0 : i32
        %dma_wait3A_227 = tpu.memref_slice %arg29[%dma_wait3A_225, %dma_wait3A_226] : memref<256x16xf32, #tpu.memory_space<vmem_shared>> -> memref<256x16xf32, #tpu.memory_space<vmem_shared>>
        tpu.wait_indirect_dma semaphore(%run_scoped3A : memref<!tpu.dma_semaphore, #tpu.memory_space<semaphore_mem>>) src(%dma_wait3A_224 : memref<128x16xf32, #tpu.memory_space<vmem>>) dst(%dma_wait3A_227 : memref<256x16xf32, #tpu.memory_space<vmem_shared>>)
        tpu.yield
      }) : () -> ()
      "tpu.region"() ({
        %run_scoped3A = tpu.sem_alloc : memref<!tpu.dma_semaphore, #tpu.memory_space<semaphore_mem>>
        %dma_start3A_216 = arith.constant 128 : i32
        %dma_start3A_217 = arith.constant 0 : i32
        %dma_start3A_218 = tpu.memref_slice %arg17[%dma_start3A_216, %dma_start3A_217] : memref<1024x16xf32, #tpu.memory_space<vmem>> -> memref<128x16xf32, #tpu.memory_space<vmem>>
        %dma_start3A_219 = arith.constant 0 : i32
        %dma_start3A_220 = arith.constant 0 : i32
        %dma_start3A_221 = tpu.memref_slice %arg29[%dma_start3A_219, %dma_start3A_220] : memref<256x16xf32, #tpu.memory_space<vmem_shared>> -> memref<256x16xf32, #tpu.memory_space<vmem_shared>>
        tpu.enqueue_indirect_dma source(%dma_start3A_218 : memref<128x16xf32, #tpu.memory_space<vmem>>) target(%dma_start3A_221 : memref<256x16xf32, #tpu.memory_space<vmem_shared>>) offsets(%arg23 : memref<128xi32, #tpu.memory_space<vmem>>) semaphore(%run_scoped3A : memref<!tpu.dma_semaphore, #tpu.memory_space<semaphore_mem>>) {add = true}
        %dma_wait3A_222 = arith.constant 128 : i32
        %dma_wait3A_223 = arith.constant 0 : i32
        %dma_wait3A_224 = tpu.memref_slice %arg17[%dma_wait3A_222, %dma_wait3A_223] : memref<1024x16xf32, #tpu.memory_space<vmem>> -> memref<128x16xf32, #tpu.memory_space<vmem>>
        %dma_wait3A_225 = arith.constant 0 : i32
        %dma_wait3A_226 = arith.constant 0 : i32
        %dma_wait3A_227 = tpu.memref_slice %arg29[%dma_wait3A_225, %dma_wait3A_226] : memref<256x16xf32, #tpu.memory_space<vmem_shared>> -> memref<256x16xf32, #tpu.memory_space<vmem_shared>>
        tpu.wait_indirect_dma semaphore(%run_scoped3A : memref<!tpu.dma_semaphore, #tpu.memory_space<semaphore_mem>>) src(%dma_wait3A_224 : memref<128x16xf32, #tpu.memory_space<vmem>>) dst(%dma_wait3A_227 : memref<256x16xf32, #tpu.memory_space<vmem_shared>>)
        tpu.yield
      }) : () -> ()
      %barrier3A_140 = arith.constant 0 : index
      tpu.barrier barrier_id(%barrier3A_140)
      "tpu.region"() ({
        %run_scoped3A = tpu.sem_alloc : memref<!tpu.dma_semaphore, #tpu.memory_space<semaphore_mem>>
        tpu.enqueue_dma source(%arg28 : memref<256x16xf32, #tpu.memory_space<vmem_shared>>) target(%arg18 : memref<256x16xf32, #tpu.memory_space<vmem>>) target_semaphore(%run_scoped3A : memref<!tpu.dma_semaphore, #tpu.memory_space<semaphore_mem>>)
        tpu.wait_dma2 semaphore(%run_scoped3A : memref<!tpu.dma_semaphore, #tpu.memory_space<semaphore_mem>>) src(%arg28 : memref<256x16xf32, #tpu.memory_space<vmem_shared>>) dst(%arg18 : memref<256x16xf32, #tpu.memory_space<vmem>>)
        tpu.yield
      }) : () -> ()
      "tpu.region"() ({
        %run_scoped3A = tpu.sem_alloc : memref<!tpu.dma_semaphore, #tpu.memory_space<semaphore_mem>>
        tpu.enqueue_dma source(%arg29 : memref<256x16xf32, #tpu.memory_space<vmem_shared>>) target(%arg19 : memref<256x16xf32, #tpu.memory_space<vmem>>) target_semaphore(%run_scoped3A : memref<!tpu.dma_semaphore, #tpu.memory_space<semaphore_mem>>)
        tpu.wait_dma2 semaphore(%run_scoped3A : memref<!tpu.dma_semaphore, #tpu.memory_space<semaphore_mem>>) src(%arg29 : memref<256x16xf32, #tpu.memory_space<vmem_shared>>) dst(%arg19 : memref<256x16xf32, #tpu.memory_space<vmem>>)
        tpu.yield
      }) : () -> ()
      "tpu.trace_stop"() : () -> ()
      "tpu.trace_start"() <{level = 10 : i32, message = "search2"}> : () -> ()
      %scan3A_141 = arith.constant 0.000000e+00 : f32
      %scan3A_142 = arith.constant 0.000000e+00 : f32
      %scan3A_143 = arith.constant -1 : i32
      %scan3A_144 = arith.constant 0.000000e+00 : f32
      %scan3A_145 = arith.constant 0.000000e+00 : f32
      %scan3A_146 = arith.constant 0.000000e+00 : f32
      %scan3A_147 = arith.constant false
      %scan3A_148 = arith.constant 0 : i32
      %scan3A_149 = arith.constant 256 : i32
      %scan3A_150 = arith.addi %scan3A_148, %scan3A_149 : i32
      %scan3A_151 = arith.constant 1 : i32
      %scan3A_152:7 = scf.for %scan3A_216 = %scan3A_148 to %scan3A_150 step %scan3A_151 iter_args(%scan3A_217 = %scan3A_141, %scan3A_218 = %scan3A_142, %scan3A_219 = %scan3A_143, %scan3A_220 = %scan3A_144, %scan3A_221 = %scan3A_145, %scan3A_222 = %scan3A_146, %scan3A_223 = %scan3A_147) -> (f32, f32, i32, f32, f32, f32, i1)  : i32 {
        %sub3A = arith.constant 255 : i32
        %sub3A_224 = arith.subi %sub3A, %scan3A_216 : i32
        %get3A_225 = arith.index_cast %sub3A_224 : i32 to index
        %get3A_226 = arith.constant 0 : index
        %get3A_227 = tpu.vector_load %arg18[%get3A_225, %get3A_226] {strides = array<i32>} : memref<256x16xf32, #tpu.memory_space<vmem>>, vector<16xf32>,
        %reduce_sum3A_228 = arith.constant true
        %reduce_sum3A_229 = vector.broadcast %reduce_sum3A_228 : i1 to vector<16xi1>
        %reduce_sum3A_230 = tpu.scan <sum>, %get3A_227 masked %reduce_sum3A_229 : vector<16xf32>, vector<16xi1> -> vector<16xf32>
        %reduce_sum3A_231 = vector.extract %reduce_sum3A_230[15] : f32 from vector<16xf32>
        %get3A_232 = arith.index_cast %sub3A_224 : i32 to index
        %get3A_233 = arith.constant 0 : index
        %get3A_234 = tpu.vector_load %arg19[%get3A_232, %get3A_233] {strides = array<i32>} : memref<256x16xf32, #tpu.memory_space<vmem>>, vector<16xf32>,
        %reduce_sum3A_235 = arith.constant true
        %reduce_sum3A_236 = vector.broadcast %reduce_sum3A_235 : i1 to vector<16xi1>
        %reduce_sum3A_237 = tpu.scan <sum>, %get3A_234 masked %reduce_sum3A_236 : vector<16xf32>, vector<16xi1> -> vector<16xf32>
        %reduce_sum3A_238 = vector.extract %reduce_sum3A_237[15] : f32 from vector<16xf32>
        %not3A = arith.constant true
        %not3A_239 = arith.xori %scan3A_223, %not3A : i1
        %add3A_240 = arith.addf %scan3A_217, %reduce_sum3A_231 : f32
        %ge3A = arith.cmpf oge, %add3A_240, %scan3A_100#3 : f32
        %and3A = arith.andi %not3A_239, %ge3A : i1
        %select_n3A_241 = arith.select %and3A, %sub3A_224, %scan3A_219 : i32
        %sub3A_242 = arith.subf %scan3A_100#3, %scan3A_217 : f32
        %select_n3A_243 = arith.select %and3A, %sub3A_242, %scan3A_220 : f32
        %select_n3A_244 = arith.select %and3A, %reduce_sum3A_231, %scan3A_221 : f32
        %select_n3A_245 = arith.select %and3A, %reduce_sum3A_238, %scan3A_222 : f32
        %or3A_246 = arith.ori %scan3A_223, %and3A : i1
        %add3A_247 = arith.addf %scan3A_218, %reduce_sum3A_238 : f32
        %select_n3A_248 = arith.select %or3A_246, %scan3A_218, %add3A_247 : f32
        %add3A_249 = arith.addf %scan3A_217, %reduce_sum3A_231 : f32
        %or3A_250 = arith.ori %scan3A_223, %and3A : i1
        scf.yield %add3A_249, %select_n3A_248, %select_n3A_241, %select_n3A_243, %select_n3A_244, %select_n3A_245, %or3A_250 : f32, f32, i32, f32, f32, f32, i1
      }
      %scan3A_153 = arith.constant 256 : i32
      "tpu.trace_stop"() : () -> ()
      "tpu.trace_start"() <{level = 10 : i32, message = "reset3"}> : () -> ()
      %barrier3A_154 = arith.constant 0 : index
      tpu.barrier barrier_id(%barrier3A_154)
      %parallel_loop3A_155 = arith.constant 0 : i32
      %parallel_loop3A_156 = arith.constant 1024 : i32
      %parallel_loop3A_157 = arith.constant 1 : i32
      scf.for %parallel_loop3A_216 = %parallel_loop3A_155 to %parallel_loop3A_156 step %parallel_loop3A_157  : i32 {
        %parallel_loop3A_217 = arith.index_cast %parallel_loop3A_216 : i32 to index
        %parallel_loop3A_218 = arith.constant 0 : index
        %parallel_loop3A_219 = tpu.vector_load %arg16[%parallel_loop3A_217, %parallel_loop3A_218] {strides = array<i32>} : memref<1024x16xf32, #tpu.memory_space<vmem>>, vector<16xf32>,
        tpu.vector_store %arg16[%parallel_loop3A_217, %parallel_loop3A_218], %broadcast_in_dim3A_2 {strides = array<i32>} : memref<1024x16xf32, #tpu.memory_space<vmem>>, vector<16xf32>,
        %parallel_loop3A_220 = arith.index_cast %parallel_loop3A_216 : i32 to index
        %parallel_loop3A_221 = arith.constant 0 : index
        %parallel_loop3A_222 = tpu.vector_load %arg17[%parallel_loop3A_220, %parallel_loop3A_221] {strides = array<i32>} : memref<1024x16xf32, #tpu.memory_space<vmem>>, vector<16xf32>,
        tpu.vector_store %arg17[%parallel_loop3A_220, %parallel_loop3A_221], %broadcast_in_dim3A_2 {strides = array<i32>} : memref<1024x16xf32, #tpu.memory_space<vmem>>, vector<16xf32>,
      } {sc.loop_unroll_factor = 8 : i64, sc.parallel_access}
      %eq3A_158 = arith.constant 0 : i32
      %eq3A_159 = arith.cmpi eq, %arg1, %eq3A_158 : i32
      %convert_element_type3A_160 = arith.extui %eq3A_159 : i1 to i32
      %cond3A_161 = arith.constant 0 : i32
      %cond3A_162 = arith.cmpi ne, %convert_element_type3A_160, %cond3A_161 : i32
      scf.if %cond3A_162 {
        "tpu.region"() ({
          %run_scoped3A = tpu.sem_alloc : memref<!tpu.dma_semaphore, #tpu.memory_space<semaphore_mem>>
          %dma_start3A_216 = arith.constant 0 : i32
          %dma_start3A_217 = arith.constant 0 : i32
          %dma_start3A_218 = tpu.memref_slice %arg16[%dma_start3A_216, %dma_start3A_217] : memref<1024x16xf32, #tpu.memory_space<vmem>> -> memref<256x16xf32, #tpu.memory_space<vmem>>
          %dma_start3A_219 = arith.constant 0 : i32
          %dma_start3A_220 = arith.constant 0 : i32
          %dma_start3A_221 = tpu.memref_slice %arg16[%dma_start3A_219, %dma_start3A_220] : memref<1024x16xf32, #tpu.memory_space<vmem>> -> memref<256x16xf32, #tpu.memory_space<vmem>>
          tpu.enqueue_dma source(%dma_start3A_221 : memref<256x16xf32, #tpu.memory_space<vmem>>) target(%arg28 : memref<256x16xf32, #tpu.memory_space<vmem_shared>>) target_semaphore(%run_scoped3A : memref<!tpu.dma_semaphore, #tpu.memory_space<semaphore_mem>>)
          %dma_wait3A_222 = arith.constant 0 : i32
          %dma_wait3A_223 = arith.constant 0 : i32
          %dma_wait3A_224 = tpu.memref_slice %arg16[%dma_wait3A_222, %dma_wait3A_223] : memref<1024x16xf32, #tpu.memory_space<vmem>> -> memref<256x16xf32, #tpu.memory_space<vmem>>
          %dma_wait3A_225 = arith.constant 0 : i32
          %dma_wait3A_226 = arith.constant 0 : i32
          %dma_wait3A_227 = tpu.memref_slice %arg16[%dma_wait3A_225, %dma_wait3A_226] : memref<1024x16xf32, #tpu.memory_space<vmem>> -> memref<256x16xf32, #tpu.memory_space<vmem>>
          tpu.wait_dma2 semaphore(%run_scoped3A : memref<!tpu.dma_semaphore, #tpu.memory_space<semaphore_mem>>) src(%dma_wait3A_227 : memref<256x16xf32, #tpu.memory_space<vmem>>) dst(%arg28 : memref<256x16xf32, #tpu.memory_space<vmem_shared>>)
          tpu.yield
        }) : () -> ()
        "tpu.region"() ({
          %run_scoped3A = tpu.sem_alloc : memref<!tpu.dma_semaphore, #tpu.memory_space<semaphore_mem>>
          %dma_start3A_216 = arith.constant 0 : i32
          %dma_start3A_217 = arith.constant 0 : i32
          %dma_start3A_218 = tpu.memref_slice %arg17[%dma_start3A_216, %dma_start3A_217] : memref<1024x16xf32, #tpu.memory_space<vmem>> -> memref<256x16xf32, #tpu.memory_space<vmem>>
          %dma_start3A_219 = arith.constant 0 : i32
          %dma_start3A_220 = arith.constant 0 : i32
          %dma_start3A_221 = tpu.memref_slice %arg17[%dma_start3A_219, %dma_start3A_220] : memref<1024x16xf32, #tpu.memory_space<vmem>> -> memref<256x16xf32, #tpu.memory_space<vmem>>
          tpu.enqueue_dma source(%dma_start3A_221 : memref<256x16xf32, #tpu.memory_space<vmem>>) target(%arg29 : memref<256x16xf32, #tpu.memory_space<vmem_shared>>) target_semaphore(%run_scoped3A : memref<!tpu.dma_semaphore, #tpu.memory_space<semaphore_mem>>)
          %dma_wait3A_222 = arith.constant 0 : i32
          %dma_wait3A_223 = arith.constant 0 : i32
          %dma_wait3A_224 = tpu.memref_slice %arg17[%dma_wait3A_222, %dma_wait3A_223] : memref<1024x16xf32, #tpu.memory_space<vmem>> -> memref<256x16xf32, #tpu.memory_space<vmem>>
          %dma_wait3A_225 = arith.constant 0 : i32
          %dma_wait3A_226 = arith.constant 0 : i32
          %dma_wait3A_227 = tpu.memref_slice %arg17[%dma_wait3A_225, %dma_wait3A_226] : memref<1024x16xf32, #tpu.memory_space<vmem>> -> memref<256x16xf32, #tpu.memory_space<vmem>>
          tpu.wait_dma2 semaphore(%run_scoped3A : memref<!tpu.dma_semaphore, #tpu.memory_space<semaphore_mem>>) src(%dma_wait3A_227 : memref<256x16xf32, #tpu.memory_space<vmem>>) dst(%arg29 : memref<256x16xf32, #tpu.memory_space<vmem_shared>>)
          tpu.yield
        }) : () -> ()
      } else {
      }
      %barrier3A_163 = arith.constant 0 : index
      tpu.barrier barrier_id(%barrier3A_163)
      "tpu.trace_stop"() : () -> ()
      "tpu.trace_start"() <{level = 10 : i32, message = "sweep3"}> : () -> ()
      %shift_left3A = arith.constant 8 : i32
      %shift_left3A_164 = arith.shli %scan3A_100#2, %shift_left3A : i32
      %or3A = arith.ori %shift_left3A_164, %scan3A_152#2 : i32
      %scan3A_165 = arith.constant 0 : i32
      %scan3A_166 = arith.constant 0 : i32
      %scan3A_167 = arith.constant 8 : i32
      %scan3A_168 = arith.addi %scan3A_166, %scan3A_167 : i32
      %scan3A_169 = arith.constant 1 : i32
      %scan3A_170 = scf.for %scan3A_216 = %scan3A_166 to %scan3A_168 step %scan3A_169 iter_args(%scan3A_217 = %scan3A_165) -> (i32)  : i32 {
        %mul3A_218 = arith.constant 2 : i32
        %mul3A_219 = arith.muli %mul3A_218, %scan3A_216 : i32
        %mul3A_220 = arith.constant 8192 : i32
        %mul3A_221 = arith.muli %mul3A_219, %mul3A_220 : i32
        %add3A_222 = arith.addi %add3A_33, %mul3A_221 : i32
        %dma_wait3A_223 = arith.constant 0 : i32
        %dma_wait3A_224 = tpu.memref_slice %arg7[%dma_wait3A_223] : memref<8388608xf32, #tpu.memory_space<hbm>> -> memref<8192xf32, #tpu.memory_space<hbm>>
        %dma_wait3A_225 = arith.constant 0 : i32
        %dma_wait3A_226 = tpu.memref_slice %arg7[%dma_wait3A_225] : memref<8388608xf32, #tpu.memory_space<hbm>> -> memref<8192xf32, #tpu.memory_space<hbm>>
        tpu.wait_dma2 semaphore(%arg24 : memref<!tpu.dma_semaphore, #tpu.memory_space<semaphore_mem>>) src(%dma_wait3A_226 : memref<8192xf32, #tpu.memory_space<hbm>>) dst(%arg8 : memref<8192xf32, #tpu.memory_space<vmem>>)
        %add3A_227 = arith.constant 8192 : i32
        %add3A_228 = arith.addi %add3A_222, %add3A_227 : i32
        %dma_start3A_229 = tpu.memref_slice %arg7[%add3A_228] : memref<8388608xf32, #tpu.memory_space<hbm>> -> memref<8192xf32, #tpu.memory_space<hbm>>
        %dma_start3A_230 = tpu.memref_slice %arg7[%add3A_228] : memref<8388608xf32, #tpu.memory_space<hbm>> -> memref<8192xf32, #tpu.memory_space<hbm>>
        tpu.enqueue_dma source(%dma_start3A_230 : memref<8192xf32, #tpu.memory_space<hbm>>) target(%arg12 : memref<8192xf32, #tpu.memory_space<vmem>>) target_semaphore(%arg25 : memref<!tpu.dma_semaphore, #tpu.memory_space<semaphore_mem>>)
        %parallel_loop3A_231 = arith.constant 0 : i32
        %parallel_loop3A_232 = arith.constant 512 : i32
        %parallel_loop3A_233 = arith.constant 1 : i32
        scf.for %parallel_loop3A_246 = %parallel_loop3A_231 to %parallel_loop3A_232 step %parallel_loop3A_233  : i32 {
          %parallel_loop3A_247 = arith.constant 3 : i32
          %parallel_loop3A_248 = arith.andi %parallel_loop3A_246, %parallel_loop3A_247 : i32
          %parallel_loop3A_249 = arith.constant 8 : i32
          %parallel_loop3A_250 = arith.shli %parallel_loop3A_248, %parallel_loop3A_249 : i32
          %parallel_loop3A_251 = arith.constant 16 : i32
          %parallel_loop3A_252 = arith.muli %parallel_loop3A_246, %parallel_loop3A_251 : i32
          %parallel_loop3A_253 = arith.index_cast %parallel_loop3A_252 : i32 to index
          %parallel_loop3A_254 = tpu.vector_load %arg8[%parallel_loop3A_253] {strides = array<i32>} : memref<8192xf32, #tpu.memory_space<vmem>>, vector<16xf32>,
          %parallel_loop3A_255 = vector.bitcast %parallel_loop3A_254 : vector<16xf32> to vector<16xi32>
          %parallel_loop3A_256 = arith.constant 16 : i32
          %parallel_loop3A_257 = vector.broadcast %parallel_loop3A_256 : i32 to vector<16xi32>
          %parallel_loop3A_258 = arith.shrsi %parallel_loop3A_255, %parallel_loop3A_257 : vector<16xi32>
          %parallel_loop3A_259 = vector.broadcast %or3A : i32 to vector<16xi32>
          %parallel_loop3A_260 = arith.cmpi eq, %parallel_loop3A_258, %parallel_loop3A_259 : vector<16xi32>
          %parallel_loop3A_261 = arith.constant 8 : i32
          %parallel_loop3A_262 = vector.broadcast %parallel_loop3A_261 : i32 to vector<16xi32>
          %parallel_loop3A_263 = arith.shrsi %parallel_loop3A_255, %parallel_loop3A_262 : vector<16xi32>
          %parallel_loop3A_264 = arith.constant 255 : i32
          %parallel_loop3A_265 = vector.broadcast %parallel_loop3A_264 : i32 to vector<16xi32>
          %parallel_loop3A_266 = arith.andi %parallel_loop3A_263, %parallel_loop3A_265 : vector<16xi32>
          %parallel_loop3A_267 = vector.broadcast %parallel_loop3A_250 : i32 to vector<16xi32>
          %parallel_loop3A_268 = arith.addi %parallel_loop3A_266, %parallel_loop3A_267 : vector<16xi32>
          tpu.vector_store_idx %arg16[%parallel_loop3A_268, %iota3A], %broadcast_in_dim3A_0 masked %parallel_loop3A_260 {add = true} : memref<1024x16xf32, #tpu.memory_space<vmem>>[vector<16xi32>, vector<16xi32>], vector<16xf32>, vector<16xi1>
          tpu.vector_store_idx %arg17[%parallel_loop3A_268, %iota3A], %parallel_loop3A_254 masked %parallel_loop3A_260 {add = true} : memref<1024x16xf32, #tpu.memory_space<vmem>>[vector<16xi32>, vector<16xi32>], vector<16xf32>, vector<16xi1>
        } {sc.loop_unroll_factor = 8 : i64, sc.parallel_access}
        %dma_wait3A_234 = arith.constant 0 : i32
        %dma_wait3A_235 = tpu.memref_slice %arg7[%dma_wait3A_234] : memref<8388608xf32, #tpu.memory_space<hbm>> -> memref<8192xf32, #tpu.memory_space<hbm>>
        %dma_wait3A_236 = arith.constant 0 : i32
        %dma_wait3A_237 = tpu.memref_slice %arg7[%dma_wait3A_236] : memref<8388608xf32, #tpu.memory_space<hbm>> -> memref<8192xf32, #tpu.memory_space<hbm>>
        tpu.wait_dma2 semaphore(%arg25 : memref<!tpu.dma_semaphore, #tpu.memory_space<semaphore_mem>>) src(%dma_wait3A_237 : memref<8192xf32, #tpu.memory_space<hbm>>) dst(%arg12 : memref<8192xf32, #tpu.memory_space<vmem>>)
        %lt3A = arith.constant 7 : i32
        %lt3A_238 = arith.cmpi slt, %scan3A_216, %lt3A : i32
        %convert_element_type3A_239 = arith.extui %lt3A_238 : i1 to i32
        %cond3A_240 = arith.constant 0 : i32
        %cond3A_241 = arith.cmpi ne, %convert_element_type3A_239, %cond3A_240 : i32
        scf.if %cond3A_241 {
          %add3A_246 = arith.constant 16384 : i32
          %add3A_247 = arith.addi %add3A_222, %add3A_246 : i32
          %dma_start3A_248 = tpu.memref_slice %arg7[%add3A_247] : memref<8388608xf32, #tpu.memory_space<hbm>> -> memref<8192xf32, #tpu.memory_space<hbm>>
          %dma_start3A_249 = tpu.memref_slice %arg7[%add3A_247] : memref<8388608xf32, #tpu.memory_space<hbm>> -> memref<8192xf32, #tpu.memory_space<hbm>>
          tpu.enqueue_dma source(%dma_start3A_249 : memref<8192xf32, #tpu.memory_space<hbm>>) target(%arg8 : memref<8192xf32, #tpu.memory_space<vmem>>) target_semaphore(%arg24 : memref<!tpu.dma_semaphore, #tpu.memory_space<semaphore_mem>>)
        } else {
        }
        %parallel_loop3A_242 = arith.constant 0 : i32
        %parallel_loop3A_243 = arith.constant 512 : i32
        %parallel_loop3A_244 = arith.constant 1 : i32
        scf.for %parallel_loop3A_246 = %parallel_loop3A_242 to %parallel_loop3A_243 step %parallel_loop3A_244  : i32 {
          %parallel_loop3A_247 = arith.constant 3 : i32
          %parallel_loop3A_248 = arith.andi %parallel_loop3A_246, %parallel_loop3A_247 : i32
          %parallel_loop3A_249 = arith.constant 8 : i32
          %parallel_loop3A_250 = arith.shli %parallel_loop3A_248, %parallel_loop3A_249 : i32
          %parallel_loop3A_251 = arith.constant 16 : i32
          %parallel_loop3A_252 = arith.muli %parallel_loop3A_246, %parallel_loop3A_251 : i32
          %parallel_loop3A_253 = arith.index_cast %parallel_loop3A_252 : i32 to index
          %parallel_loop3A_254 = tpu.vector_load %arg12[%parallel_loop3A_253] {strides = array<i32>} : memref<8192xf32, #tpu.memory_space<vmem>>, vector<16xf32>,
          %parallel_loop3A_255 = vector.bitcast %parallel_loop3A_254 : vector<16xf32> to vector<16xi32>
          %parallel_loop3A_256 = arith.constant 16 : i32
          %parallel_loop3A_257 = vector.broadcast %parallel_loop3A_256 : i32 to vector<16xi32>
          %parallel_loop3A_258 = arith.shrsi %parallel_loop3A_255, %parallel_loop3A_257 : vector<16xi32>
          %parallel_loop3A_259 = vector.broadcast %or3A : i32 to vector<16xi32>
          %parallel_loop3A_260 = arith.cmpi eq, %parallel_loop3A_258, %parallel_loop3A_259 : vector<16xi32>
          %parallel_loop3A_261 = arith.constant 8 : i32
          %parallel_loop3A_262 = vector.broadcast %parallel_loop3A_261 : i32 to vector<16xi32>
          %parallel_loop3A_263 = arith.shrsi %parallel_loop3A_255, %parallel_loop3A_262 : vector<16xi32>
          %parallel_loop3A_264 = arith.constant 255 : i32
          %parallel_loop3A_265 = vector.broadcast %parallel_loop3A_264 : i32 to vector<16xi32>
          %parallel_loop3A_266 = arith.andi %parallel_loop3A_263, %parallel_loop3A_265 : vector<16xi32>
          %parallel_loop3A_267 = vector.broadcast %parallel_loop3A_250 : i32 to vector<16xi32>
          %parallel_loop3A_268 = arith.addi %parallel_loop3A_266, %parallel_loop3A_267 : vector<16xi32>
          tpu.vector_store_idx %arg16[%parallel_loop3A_268, %iota3A], %broadcast_in_dim3A_0 masked %parallel_loop3A_260 {add = true} : memref<1024x16xf32, #tpu.memory_space<vmem>>[vector<16xi32>, vector<16xi32>], vector<16xf32>, vector<16xi1>
          tpu.vector_store_idx %arg17[%parallel_loop3A_268, %iota3A], %parallel_loop3A_254 masked %parallel_loop3A_260 {add = true} : memref<1024x16xf32, #tpu.memory_space<vmem>>[vector<16xi32>, vector<16xi32>], vector<16xf32>, vector<16xi1>
        } {sc.loop_unroll_factor = 8 : i64, sc.parallel_access}
        %scan3A_245 = arith.constant 0 : i32
        scf.yield %scan3A_245 : i32
      }
      %scan3A_171 = arith.constant 8 : i32
      %parallel_loop3A_172 = arith.constant 0 : i32
      %parallel_loop3A_173 = arith.constant 256 : i32
      %parallel_loop3A_174 = arith.constant 1 : i32
      "tpu.trace_stop"() : () -> ()
      "tpu.trace_start"() <{level = 10 : i32, message = "combine3"}> : () -> ()
      scf.for %parallel_loop3A_216 = %parallel_loop3A_172 to %parallel_loop3A_173 step %parallel_loop3A_174  : i32 {
        %parallel_loop3A_217 = arith.index_cast %parallel_loop3A_216 : i32 to index
        %parallel_loop3A_218 = arith.constant 0 : index
        %parallel_loop3A_219 = tpu.vector_load %arg16[%parallel_loop3A_217, %parallel_loop3A_218] {strides = array<i32>} : memref<1024x16xf32, #tpu.memory_space<vmem>>, vector<16xf32>,
        %parallel_loop3A_220 = arith.constant 256 : i32
        %parallel_loop3A_221 = arith.addi %parallel_loop3A_216, %parallel_loop3A_220 : i32
        %parallel_loop3A_222 = arith.index_cast %parallel_loop3A_221 : i32 to index
        %parallel_loop3A_223 = arith.constant 0 : index
        %parallel_loop3A_224 = tpu.vector_load %arg16[%parallel_loop3A_222, %parallel_loop3A_223] {strides = array<i32>} : memref<1024x16xf32, #tpu.memory_space<vmem>>, vector<16xf32>,
        %parallel_loop3A_225 = arith.addf %parallel_loop3A_219, %parallel_loop3A_224 : vector<16xf32>
        %parallel_loop3A_226 = arith.constant 512 : i32
        %parallel_loop3A_227 = arith.addi %parallel_loop3A_216, %parallel_loop3A_226 : i32
        %parallel_loop3A_228 = arith.index_cast %parallel_loop3A_227 : i32 to index
        %parallel_loop3A_229 = arith.constant 0 : index
        %parallel_loop3A_230 = tpu.vector_load %arg16[%parallel_loop3A_228, %parallel_loop3A_229] {strides = array<i32>} : memref<1024x16xf32, #tpu.memory_space<vmem>>, vector<16xf32>,
        %parallel_loop3A_231 = arith.constant 768 : i32
        %parallel_loop3A_232 = arith.addi %parallel_loop3A_216, %parallel_loop3A_231 : i32
        %parallel_loop3A_233 = arith.index_cast %parallel_loop3A_232 : i32 to index
        %parallel_loop3A_234 = arith.constant 0 : index
        %parallel_loop3A_235 = tpu.vector_load %arg16[%parallel_loop3A_233, %parallel_loop3A_234] {strides = array<i32>} : memref<1024x16xf32, #tpu.memory_space<vmem>>, vector<16xf32>,
        %parallel_loop3A_236 = arith.addf %parallel_loop3A_230, %parallel_loop3A_235 : vector<16xf32>
        %parallel_loop3A_237 = arith.addf %parallel_loop3A_225, %parallel_loop3A_236 : vector<16xf32>
        %parallel_loop3A_238 = arith.index_cast %parallel_loop3A_216 : i32 to index
        %parallel_loop3A_239 = arith.constant 0 : index
        %parallel_loop3A_240 = tpu.vector_load %arg16[%parallel_loop3A_238, %parallel_loop3A_239] {strides = array<i32>} : memref<1024x16xf32, #tpu.memory_space<vmem>>, vector<16xf32>,
        tpu.vector_store %arg16[%parallel_loop3A_238, %parallel_loop3A_239], %parallel_loop3A_237 {strides = array<i32>} : memref<1024x16xf32, #tpu.memory_space<vmem>>, vector<16xf32>,
        %parallel_loop3A_241 = arith.index_cast %parallel_loop3A_216 : i32 to index
        %parallel_loop3A_242 = arith.constant 0 : index
        %parallel_loop3A_243 = tpu.vector_load %arg17[%parallel_loop3A_241, %parallel_loop3A_242] {strides = array<i32>} : memref<1024x16xf32, #tpu.memory_space<vmem>>, vector<16xf32>,
        %parallel_loop3A_244 = arith.constant 256 : i32
        %parallel_loop3A_245 = arith.addi %parallel_loop3A_216, %parallel_loop3A_244 : i32
        %parallel_loop3A_246 = arith.index_cast %parallel_loop3A_245 : i32 to index
        %parallel_loop3A_247 = arith.constant 0 : index
        %parallel_loop3A_248 = tpu.vector_load %arg17[%parallel_loop3A_246, %parallel_loop3A_247] {strides = array<i32>} : memref<1024x16xf32, #tpu.memory_space<vmem>>, vector<16xf32>,
        %parallel_loop3A_249 = arith.addf %parallel_loop3A_243, %parallel_loop3A_248 : vector<16xf32>
        %parallel_loop3A_250 = arith.constant 512 : i32
        %parallel_loop3A_251 = arith.addi %parallel_loop3A_216, %parallel_loop3A_250 : i32
        %parallel_loop3A_252 = arith.index_cast %parallel_loop3A_251 : i32 to index
        %parallel_loop3A_253 = arith.constant 0 : index
        %parallel_loop3A_254 = tpu.vector_load %arg17[%parallel_loop3A_252, %parallel_loop3A_253] {strides = array<i32>} : memref<1024x16xf32, #tpu.memory_space<vmem>>, vector<16xf32>,
        %parallel_loop3A_255 = arith.constant 768 : i32
        %parallel_loop3A_256 = arith.addi %parallel_loop3A_216, %parallel_loop3A_255 : i32
        %parallel_loop3A_257 = arith.index_cast %parallel_loop3A_256 : i32 to index
        %parallel_loop3A_258 = arith.constant 0 : index
        %parallel_loop3A_259 = tpu.vector_load %arg17[%parallel_loop3A_257, %parallel_loop3A_258] {strides = array<i32>} : memref<1024x16xf32, #tpu.memory_space<vmem>>, vector<16xf32>,
        %parallel_loop3A_260 = arith.addf %parallel_loop3A_254, %parallel_loop3A_259 : vector<16xf32>
        %parallel_loop3A_261 = arith.addf %parallel_loop3A_249, %parallel_loop3A_260 : vector<16xf32>
        %parallel_loop3A_262 = arith.index_cast %parallel_loop3A_216 : i32 to index
        %parallel_loop3A_263 = arith.constant 0 : index
        %parallel_loop3A_264 = tpu.vector_load %arg17[%parallel_loop3A_262, %parallel_loop3A_263] {strides = array<i32>} : memref<1024x16xf32, #tpu.memory_space<vmem>>, vector<16xf32>,
        tpu.vector_store %arg17[%parallel_loop3A_262, %parallel_loop3A_263], %parallel_loop3A_261 {strides = array<i32>} : memref<1024x16xf32, #tpu.memory_space<vmem>>, vector<16xf32>,
      } {sc.loop_unroll_factor = 8 : i64, sc.parallel_access}
      "tpu.region"() ({
        %run_scoped3A = tpu.sem_alloc : memref<!tpu.dma_semaphore, #tpu.memory_space<semaphore_mem>>
        %dma_start3A_216 = arith.constant 0 : i32
        %dma_start3A_217 = arith.constant 0 : i32
        %dma_start3A_218 = tpu.memref_slice %arg16[%dma_start3A_216, %dma_start3A_217] : memref<1024x16xf32, #tpu.memory_space<vmem>> -> memref<128x16xf32, #tpu.memory_space<vmem>>
        %dma_start3A_219 = arith.constant 0 : i32
        %dma_start3A_220 = arith.constant 0 : i32
        %dma_start3A_221 = tpu.memref_slice %arg28[%dma_start3A_219, %dma_start3A_220] : memref<256x16xf32, #tpu.memory_space<vmem_shared>> -> memref<256x16xf32, #tpu.memory_space<vmem_shared>>
        tpu.enqueue_indirect_dma source(%dma_start3A_218 : memref<128x16xf32, #tpu.memory_space<vmem>>) target(%dma_start3A_221 : memref<256x16xf32, #tpu.memory_space<vmem_shared>>) offsets(%arg22 : memref<128xi32, #tpu.memory_space<vmem>>) semaphore(%run_scoped3A : memref<!tpu.dma_semaphore, #tpu.memory_space<semaphore_mem>>) {add = true}
        %dma_wait3A_222 = arith.constant 0 : i32
        %dma_wait3A_223 = arith.constant 0 : i32
        %dma_wait3A_224 = tpu.memref_slice %arg16[%dma_wait3A_222, %dma_wait3A_223] : memref<1024x16xf32, #tpu.memory_space<vmem>> -> memref<128x16xf32, #tpu.memory_space<vmem>>
        %dma_wait3A_225 = arith.constant 0 : i32
        %dma_wait3A_226 = arith.constant 0 : i32
        %dma_wait3A_227 = tpu.memref_slice %arg28[%dma_wait3A_225, %dma_wait3A_226] : memref<256x16xf32, #tpu.memory_space<vmem_shared>> -> memref<256x16xf32, #tpu.memory_space<vmem_shared>>
        tpu.wait_indirect_dma semaphore(%run_scoped3A : memref<!tpu.dma_semaphore, #tpu.memory_space<semaphore_mem>>) src(%dma_wait3A_224 : memref<128x16xf32, #tpu.memory_space<vmem>>) dst(%dma_wait3A_227 : memref<256x16xf32, #tpu.memory_space<vmem_shared>>)
        tpu.yield
      }) : () -> ()
      "tpu.region"() ({
        %run_scoped3A = tpu.sem_alloc : memref<!tpu.dma_semaphore, #tpu.memory_space<semaphore_mem>>
        %dma_start3A_216 = arith.constant 128 : i32
        %dma_start3A_217 = arith.constant 0 : i32
        %dma_start3A_218 = tpu.memref_slice %arg16[%dma_start3A_216, %dma_start3A_217] : memref<1024x16xf32, #tpu.memory_space<vmem>> -> memref<128x16xf32, #tpu.memory_space<vmem>>
        %dma_start3A_219 = arith.constant 0 : i32
        %dma_start3A_220 = arith.constant 0 : i32
        %dma_start3A_221 = tpu.memref_slice %arg28[%dma_start3A_219, %dma_start3A_220] : memref<256x16xf32, #tpu.memory_space<vmem_shared>> -> memref<256x16xf32, #tpu.memory_space<vmem_shared>>
        tpu.enqueue_indirect_dma source(%dma_start3A_218 : memref<128x16xf32, #tpu.memory_space<vmem>>) target(%dma_start3A_221 : memref<256x16xf32, #tpu.memory_space<vmem_shared>>) offsets(%arg23 : memref<128xi32, #tpu.memory_space<vmem>>) semaphore(%run_scoped3A : memref<!tpu.dma_semaphore, #tpu.memory_space<semaphore_mem>>) {add = true}
        %dma_wait3A_222 = arith.constant 128 : i32
        %dma_wait3A_223 = arith.constant 0 : i32
        %dma_wait3A_224 = tpu.memref_slice %arg16[%dma_wait3A_222, %dma_wait3A_223] : memref<1024x16xf32, #tpu.memory_space<vmem>> -> memref<128x16xf32, #tpu.memory_space<vmem>>
        %dma_wait3A_225 = arith.constant 0 : i32
        %dma_wait3A_226 = arith.constant 0 : i32
        %dma_wait3A_227 = tpu.memref_slice %arg28[%dma_wait3A_225, %dma_wait3A_226] : memref<256x16xf32, #tpu.memory_space<vmem_shared>> -> memref<256x16xf32, #tpu.memory_space<vmem_shared>>
        tpu.wait_indirect_dma semaphore(%run_scoped3A : memref<!tpu.dma_semaphore, #tpu.memory_space<semaphore_mem>>) src(%dma_wait3A_224 : memref<128x16xf32, #tpu.memory_space<vmem>>) dst(%dma_wait3A_227 : memref<256x16xf32, #tpu.memory_space<vmem_shared>>)
        tpu.yield
      }) : () -> ()
      "tpu.region"() ({
        %run_scoped3A = tpu.sem_alloc : memref<!tpu.dma_semaphore, #tpu.memory_space<semaphore_mem>>
        %dma_start3A_216 = arith.constant 0 : i32
        %dma_start3A_217 = arith.constant 0 : i32
        %dma_start3A_218 = tpu.memref_slice %arg17[%dma_start3A_216, %dma_start3A_217] : memref<1024x16xf32, #tpu.memory_space<vmem>> -> memref<128x16xf32, #tpu.memory_space<vmem>>
        %dma_start3A_219 = arith.constant 0 : i32
        %dma_start3A_220 = arith.constant 0 : i32
        %dma_start3A_221 = tpu.memref_slice %arg29[%dma_start3A_219, %dma_start3A_220] : memref<256x16xf32, #tpu.memory_space<vmem_shared>> -> memref<256x16xf32, #tpu.memory_space<vmem_shared>>
        tpu.enqueue_indirect_dma source(%dma_start3A_218 : memref<128x16xf32, #tpu.memory_space<vmem>>) target(%dma_start3A_221 : memref<256x16xf32, #tpu.memory_space<vmem_shared>>) offsets(%arg22 : memref<128xi32, #tpu.memory_space<vmem>>) semaphore(%run_scoped3A : memref<!tpu.dma_semaphore, #tpu.memory_space<semaphore_mem>>) {add = true}
        %dma_wait3A_222 = arith.constant 0 : i32
        %dma_wait3A_223 = arith.constant 0 : i32
        %dma_wait3A_224 = tpu.memref_slice %arg17[%dma_wait3A_222, %dma_wait3A_223] : memref<1024x16xf32, #tpu.memory_space<vmem>> -> memref<128x16xf32, #tpu.memory_space<vmem>>
        %dma_wait3A_225 = arith.constant 0 : i32
        %dma_wait3A_226 = arith.constant 0 : i32
        %dma_wait3A_227 = tpu.memref_slice %arg29[%dma_wait3A_225, %dma_wait3A_226] : memref<256x16xf32, #tpu.memory_space<vmem_shared>> -> memref<256x16xf32, #tpu.memory_space<vmem_shared>>
        tpu.wait_indirect_dma semaphore(%run_scoped3A : memref<!tpu.dma_semaphore, #tpu.memory_space<semaphore_mem>>) src(%dma_wait3A_224 : memref<128x16xf32, #tpu.memory_space<vmem>>) dst(%dma_wait3A_227 : memref<256x16xf32, #tpu.memory_space<vmem_shared>>)
        tpu.yield
      }) : () -> ()
      "tpu.region"() ({
        %run_scoped3A = tpu.sem_alloc : memref<!tpu.dma_semaphore, #tpu.memory_space<semaphore_mem>>
        %dma_start3A_216 = arith.constant 128 : i32
        %dma_start3A_217 = arith.constant 0 : i32
        %dma_start3A_218 = tpu.memref_slice %arg17[%dma_start3A_216, %dma_start3A_217] : memref<1024x16xf32, #tpu.memory_space<vmem>> -> memref<128x16xf32, #tpu.memory_space<vmem>>
        %dma_start3A_219 = arith.constant 0 : i32
        %dma_start3A_220 = arith.constant 0 : i32
        %dma_start3A_221 = tpu.memref_slice %arg29[%dma_start3A_219, %dma_start3A_220] : memref<256x16xf32, #tpu.memory_space<vmem_shared>> -> memref<256x16xf32, #tpu.memory_space<vmem_shared>>
        tpu.enqueue_indirect_dma source(%dma_start3A_218 : memref<128x16xf32, #tpu.memory_space<vmem>>) target(%dma_start3A_221 : memref<256x16xf32, #tpu.memory_space<vmem_shared>>) offsets(%arg23 : memref<128xi32, #tpu.memory_space<vmem>>) semaphore(%run_scoped3A : memref<!tpu.dma_semaphore, #tpu.memory_space<semaphore_mem>>) {add = true}
        %dma_wait3A_222 = arith.constant 128 : i32
        %dma_wait3A_223 = arith.constant 0 : i32
        %dma_wait3A_224 = tpu.memref_slice %arg17[%dma_wait3A_222, %dma_wait3A_223] : memref<1024x16xf32, #tpu.memory_space<vmem>> -> memref<128x16xf32, #tpu.memory_space<vmem>>
        %dma_wait3A_225 = arith.constant 0 : i32
        %dma_wait3A_226 = arith.constant 0 : i32
        %dma_wait3A_227 = tpu.memref_slice %arg29[%dma_wait3A_225, %dma_wait3A_226] : memref<256x16xf32, #tpu.memory_space<vmem_shared>> -> memref<256x16xf32, #tpu.memory_space<vmem_shared>>
        tpu.wait_indirect_dma semaphore(%run_scoped3A : memref<!tpu.dma_semaphore, #tpu.memory_space<semaphore_mem>>) src(%dma_wait3A_224 : memref<128x16xf32, #tpu.memory_space<vmem>>) dst(%dma_wait3A_227 : memref<256x16xf32, #tpu.memory_space<vmem_shared>>)
        tpu.yield
      }) : () -> ()
      %barrier3A_175 = arith.constant 0 : index
      tpu.barrier barrier_id(%barrier3A_175)
      "tpu.region"() ({
        %run_scoped3A = tpu.sem_alloc : memref<!tpu.dma_semaphore, #tpu.memory_space<semaphore_mem>>
        tpu.enqueue_dma source(%arg28 : memref<256x16xf32, #tpu.memory_space<vmem_shared>>) target(%arg18 : memref<256x16xf32, #tpu.memory_space<vmem>>) target_semaphore(%run_scoped3A : memref<!tpu.dma_semaphore, #tpu.memory_space<semaphore_mem>>)
        tpu.wait_dma2 semaphore(%run_scoped3A : memref<!tpu.dma_semaphore, #tpu.memory_space<semaphore_mem>>) src(%arg28 : memref<256x16xf32, #tpu.memory_space<vmem_shared>>) dst(%arg18 : memref<256x16xf32, #tpu.memory_space<vmem>>)
        tpu.yield
      }) : () -> ()
      "tpu.region"() ({
        %run_scoped3A = tpu.sem_alloc : memref<!tpu.dma_semaphore, #tpu.memory_space<semaphore_mem>>
        tpu.enqueue_dma source(%arg29 : memref<256x16xf32, #tpu.memory_space<vmem_shared>>) target(%arg19 : memref<256x16xf32, #tpu.memory_space<vmem>>) target_semaphore(%run_scoped3A : memref<!tpu.dma_semaphore, #tpu.memory_space<semaphore_mem>>)
        tpu.wait_dma2 semaphore(%run_scoped3A : memref<!tpu.dma_semaphore, #tpu.memory_space<semaphore_mem>>) src(%arg29 : memref<256x16xf32, #tpu.memory_space<vmem_shared>>) dst(%arg19 : memref<256x16xf32, #tpu.memory_space<vmem>>)
        tpu.yield
      }) : () -> ()
      "tpu.trace_stop"() : () -> ()
      "tpu.trace_start"() <{level = 10 : i32, message = "search3"}> : () -> ()
      %scan3A_176 = arith.constant 0.000000e+00 : f32
      %scan3A_177 = arith.constant 0.000000e+00 : f32
      %scan3A_178 = arith.constant -1 : i32
      %scan3A_179 = arith.constant 0.000000e+00 : f32
      %scan3A_180 = arith.constant 0.000000e+00 : f32
      %scan3A_181 = arith.constant 0.000000e+00 : f32
      %scan3A_182 = arith.constant false
      %scan3A_183 = arith.constant 0 : i32
      %scan3A_184 = arith.constant 256 : i32
      %scan3A_185 = arith.addi %scan3A_183, %scan3A_184 : i32
      %scan3A_186 = arith.constant 1 : i32
      %scan3A_187:7 = scf.for %scan3A_216 = %scan3A_183 to %scan3A_185 step %scan3A_186 iter_args(%scan3A_217 = %scan3A_176, %scan3A_218 = %scan3A_177, %scan3A_219 = %scan3A_178, %scan3A_220 = %scan3A_179, %scan3A_221 = %scan3A_180, %scan3A_222 = %scan3A_181, %scan3A_223 = %scan3A_182) -> (f32, f32, i32, f32, f32, f32, i1)  : i32 {
        %sub3A = arith.constant 255 : i32
        %sub3A_224 = arith.subi %sub3A, %scan3A_216 : i32
        %get3A_225 = arith.index_cast %sub3A_224 : i32 to index
        %get3A_226 = arith.constant 0 : index
        %get3A_227 = tpu.vector_load %arg18[%get3A_225, %get3A_226] {strides = array<i32>} : memref<256x16xf32, #tpu.memory_space<vmem>>, vector<16xf32>,
        %reduce_sum3A_228 = arith.constant true
        %reduce_sum3A_229 = vector.broadcast %reduce_sum3A_228 : i1 to vector<16xi1>
        %reduce_sum3A_230 = tpu.scan <sum>, %get3A_227 masked %reduce_sum3A_229 : vector<16xf32>, vector<16xi1> -> vector<16xf32>
        %reduce_sum3A_231 = vector.extract %reduce_sum3A_230[15] : f32 from vector<16xf32>
        %get3A_232 = arith.index_cast %sub3A_224 : i32 to index
        %get3A_233 = arith.constant 0 : index
        %get3A_234 = tpu.vector_load %arg19[%get3A_232, %get3A_233] {strides = array<i32>} : memref<256x16xf32, #tpu.memory_space<vmem>>, vector<16xf32>,
        %reduce_sum3A_235 = arith.constant true
        %reduce_sum3A_236 = vector.broadcast %reduce_sum3A_235 : i1 to vector<16xi1>
        %reduce_sum3A_237 = tpu.scan <sum>, %get3A_234 masked %reduce_sum3A_236 : vector<16xf32>, vector<16xi1> -> vector<16xf32>
        %reduce_sum3A_238 = vector.extract %reduce_sum3A_237[15] : f32 from vector<16xf32>
        %not3A = arith.constant true
        %not3A_239 = arith.xori %scan3A_223, %not3A : i1
        %add3A_240 = arith.addf %scan3A_217, %reduce_sum3A_231 : f32
        %ge3A = arith.cmpf oge, %add3A_240, %scan3A_152#3 : f32
        %and3A = arith.andi %not3A_239, %ge3A : i1
        %select_n3A_241 = arith.select %and3A, %sub3A_224, %scan3A_219 : i32
        %sub3A_242 = arith.subf %scan3A_152#3, %scan3A_217 : f32
        %select_n3A_243 = arith.select %and3A, %sub3A_242, %scan3A_220 : f32
        %select_n3A_244 = arith.select %and3A, %reduce_sum3A_231, %scan3A_221 : f32
        %select_n3A_245 = arith.select %and3A, %reduce_sum3A_238, %scan3A_222 : f32
        %or3A_246 = arith.ori %scan3A_223, %and3A : i1
        %add3A_247 = arith.addf %scan3A_218, %reduce_sum3A_238 : f32
        %select_n3A_248 = arith.select %or3A_246, %scan3A_218, %add3A_247 : f32
        %add3A_249 = arith.addf %scan3A_217, %reduce_sum3A_231 : f32
        %or3A_250 = arith.ori %scan3A_223, %and3A : i1
        scf.yield %add3A_249, %select_n3A_248, %select_n3A_241, %select_n3A_243, %select_n3A_244, %select_n3A_245, %or3A_250 : f32, f32, i32, f32, f32, f32, i1
      }
      %scan3A_188 = arith.constant 256 : i32
      "tpu.trace_stop"() : () -> ()
      %broadcast_in_dim3A_189 = vector.broadcast %scan3A_187#5 : f32 to vector<16xf32>
      %broadcast_in_dim3A_190 = vector.broadcast %scan3A_187#4 : f32 to vector<16xf32>
      %max3A = arith.constant 1.000000e+00 : f32
      %max3A_191 = vector.broadcast %max3A : f32 to vector<16xf32>
      %max3A_192 = arith.maximumf %broadcast_in_dim3A_190, %max3A_191 : vector<16xf32>
      %div3A = arith.divf %broadcast_in_dim3A_189, %max3A_192 : vector<16xf32>
      %add3A_193 = arith.addf %reduce_sum3A_109, %scan3A_100#1 : f32
      %add3A_194 = arith.addf %add3A_193, %scan3A_152#1 : f32
      %add3A_195 = arith.addf %add3A_194, %scan3A_187#1 : f32
      %broadcast_in_dim3A_196 = vector.broadcast %add3A_195 : f32 to vector<16xf32>
      %mul3A_197 = vector.broadcast %scan3A_187#3 : f32 to vector<16xf32>
      %mul3A_198 = arith.mulf %mul3A_197, %div3A : vector<16xf32>
      %add3A_199 = arith.addf %broadcast_in_dim3A_196, %mul3A_198 : vector<16xf32>
      %broadcast_in_dim3A_200 = vector.broadcast %reduce_sum3A_48 : f32 to vector<16xf32>
      %gt3A = arith.constant 0.000000e+00 : f32
      %gt3A_201 = vector.broadcast %gt3A : f32 to vector<16xf32>
      %gt3A_202 = arith.cmpf ogt, %broadcast_in_dim3A_200, %gt3A_201 : vector<16xf32>
      %jit3A_203 = arith.constant 1.000000e+00 : f32
      %broadcast_in_dim3A_204 = vector.broadcast %jit3A_203 : f32 to vector<16xf32>
      %select_n3A_205 = arith.select %gt3A_202, %broadcast_in_dim3A_200, %broadcast_in_dim3A_204 : vector<16xi1>, vector<16xf32>
      %gt3A_206 = arith.constant 0.000000e+00 : f32
      %gt3A_207 = vector.broadcast %gt3A_206 : f32 to vector<16xf32>
      %gt3A_208 = arith.cmpf ogt, %broadcast_in_dim3A_200, %gt3A_207 : vector<16xf32>
      %div3A_209 = arith.divf %add3A_199, %select_n3A_205 : vector<16xf32>
      %jit3A_210 = arith.constant 0.000000e+00 : f32
      %broadcast_in_dim3A_211 = vector.broadcast %jit3A_210 : f32 to vector<16xf32>
      %select_n3A_212 = arith.select %gt3A_208, %div3A_209, %broadcast_in_dim3A_211 : vector<16xi1>, vector<16xf32>
      %add3A_213 = arith.addf %scan3A_25, %select_n3A_212 : vector<16xf32>
      %add3A_214 = vector.broadcast %reduce_sum3A_117 : f32 to vector<16xf32>
      %add3A_215 = arith.addf %scan3A_26, %add3A_214 : vector<16xf32>
      scf.yield %add3A_213, %add3A_215 : vector<16xf32>, vector<16xf32>
    }
    %scan3A_20 = arith.constant 2 : i32
    %barrier3A = arith.constant 0 : index
    tpu.barrier barrier_id(%barrier3A)
    %eq3A = arith.constant 0 : i32
    %eq3A_21 = arith.cmpi eq, %arg1, %eq3A : i32
    %convert_element_type3A_22 = arith.extui %eq3A_21 : i1 to i32
    %cond3A = arith.constant 0 : i32
    %cond3A_23 = arith.cmpi ne, %convert_element_type3A_22, %cond3A : i32
    scf.if %cond3A_23 {
      %eq3A_24 = arith.constant 0 : i32
      %eq3A_25 = vector.broadcast %eq3A_24 : i32 to vector<16xi32>
      %eq3A_26 = arith.cmpi eq, %iota3A, %eq3A_25 : vector<16xi32>
      %eq3A_27 = arith.constant 1 : i32
      %eq3A_28 = vector.broadcast %eq3A_27 : i32 to vector<16xi32>
      %eq3A_29 = arith.cmpi eq, %iota3A, %eq3A_28 : vector<16xi32>
      %jit3A = arith.constant 0.000000e+00 : f32
      %broadcast_in_dim3A_30 = vector.broadcast %jit3A : f32 to vector<16xf32>
      %select_n3A = arith.select %eq3A_29, %scan3A_19#1, %broadcast_in_dim3A_30 : vector<16xi1>, vector<16xf32>
      %select_n3A_31 = arith.select %eq3A_26, %scan3A_19#0, %select_n3A : vector<16xi1>, vector<16xf32>
      %swap3A = arith.constant 0 : index
      %swap3A_32 = tpu.vector_load %arg21[%swap3A] {strides = array<i32>} : memref<16xf32, #tpu.memory_space<vmem>>, vector<16xf32>,
      tpu.vector_store %arg21[%swap3A], %select_n3A_31 {strides = array<i32>} : memref<16xf32, #tpu.memory_space<vmem>>, vector<16xf32>,
      "tpu.region"() ({
        %run_scoped3A = tpu.sem_alloc : memref<!tpu.dma_semaphore, #tpu.memory_space<semaphore_mem>>
        %dma_start3A = arith.constant 0 : i32
        %dma_start3A_33 = tpu.memref_slice %arg6[%arg0, %dma_start3A] : memref<2x16xf32, #tpu.memory_space<hbm>> -> memref<1x16xf32, #tpu.memory_space<hbm>>
        %dma_start3A_34 = tpu.memref_squeeze %dma_start3A_33 : memref<1x16xf32, #tpu.memory_space<hbm>> -> memref<16xf32, #tpu.memory_space<hbm>>
        %dma_start3A_35 = arith.constant 0 : i32
        %dma_start3A_36 = tpu.memref_slice %arg6[%arg0, %dma_start3A_35] : memref<2x16xf32, #tpu.memory_space<hbm>> -> memref<1x16xf32, #tpu.memory_space<hbm>>
        %dma_start3A_37 = tpu.memref_squeeze %dma_start3A_36 : memref<1x16xf32, #tpu.memory_space<hbm>> -> memref<16xf32, #tpu.memory_space<hbm>>
        tpu.enqueue_dma source(%arg21 : memref<16xf32, #tpu.memory_space<vmem>>) target(%dma_start3A_37 : memref<16xf32, #tpu.memory_space<hbm>>) target_semaphore(%run_scoped3A : memref<!tpu.dma_semaphore, #tpu.memory_space<semaphore_mem>>)
        %dma_wait3A = arith.constant 0 : i32
        %dma_wait3A_38 = tpu.memref_slice %arg6[%arg0, %dma_wait3A] : memref<2x16xf32, #tpu.memory_space<hbm>> -> memref<1x16xf32, #tpu.memory_space<hbm>>
        %dma_wait3A_39 = tpu.memref_squeeze %dma_wait3A_38 : memref<1x16xf32, #tpu.memory_space<hbm>> -> memref<16xf32, #tpu.memory_space<hbm>>
        %dma_wait3A_40 = arith.constant 0 : i32
        %dma_wait3A_41 = tpu.memref_slice %arg6[%arg0, %dma_wait3A_40] : memref<2x16xf32, #tpu.memory_space<hbm>> -> memref<1x16xf32, #tpu.memory_space<hbm>>
        %dma_wait3A_42 = tpu.memref_squeeze %dma_wait3A_41 : memref<1x16xf32, #tpu.memory_space<hbm>> -> memref<16xf32, #tpu.memory_space<hbm>>
        tpu.wait_dma2 semaphore(%run_scoped3A : memref<!tpu.dma_semaphore, #tpu.memory_space<semaphore_mem>>) src(%arg21 : memref<16xf32, #tpu.memory_space<vmem>>) dst(%dma_wait3A_42 : memref<16xf32, #tpu.memory_space<hbm>>)
        tpu.yield
      }) : () -> ()
    } else {
    }
    return
  }
}

</mosaic_0001>

<sc_bundles>
// kernel: kernel.3.cloned.1.call-start
scs
__scs_entry_jumppad:
0x0: {  	(pc) =	sbr.rel $0x88, $3  }
0x1: {  	(tag) =	ssettag $0x0;
	lr =	simm.s32 $0x1  }
0x2: {  	[smem:$0x3F9D] =	sst lr;
	_ =	strace $0xD0000000  }
0x3: {  	_ = 	snop  }
0x4: {  	_ = 	snop  }
0x5: {  	_ = 	snop  }
0x6: {  	_ = 	snop  }
0x7: {  	_ = 	snop  }
__scs_overlays_trampoline_lowered:
0x8: {  	[smem:$0x3FAC] =	sst s0  }
0x9: {  	[smem:$0x3FAD] =	sst s1  }
0xa: {  	[smem:$0x3FAE] =	sst s2  }
0xb: {  	[smem:$0x3FAF] =	sst s3  }
0xc: {  	[smem:$0x3FB0] =	sst s4  }
0xd: {  	[smem:$0x3FB1] =	sst s5  }
0xe: {  	[smem:$0x3FB2] =	sst s6  }
0xf: {  	[smem:$0x3FB3] =	sst s7  }
0x10: {  	[smem:$0x3FB4] =	sst s8  }
0x11: {  	[smem:$0x3FB5] =	sst s9;
	s0 =	simm.s32 @!p0 $0x0  }
0x12: {  	s1 =	sld [smem:$0x3F9B];
	s0 =	simm.s32 @p0 $0x1  }
0x13: {  	[smem:$0x3FB6] =	sst s0;
	s0 =	simm.s32 @!p1 $0x0  }
0x14: {  	s2 =	sld [smem:$0x3F9A];
	s0 =	simm.s32 @p1 $0x1  }
0x15: {  	[smem:$0x3FB7] =	sst s0;
	s0 =	simm.s32 @!p2 $0x0  }
0x16: {  	s3 =	sld [smem:$0x3FDB];
	s0 =	simm.s32 @p2 $0x1  }
0x17: {  	s4 =	simm.s32 $0x1BF5;
	[smem:$0x3FB9] =	sst s0  }
0x18: {  	s0 =	sld [smem:$0x3F9C];
	_ =	swait.ge [sflag:s4], $0x0  }
0x19: {  	s7 =	sld [smem:$0x3F9D]  }
0x1a: {  	s8 =	sadd.s32 $0xFFFFE003, lr  }
0x1b: {  	s9 =	sadd.s32 $0xFFFFFEF7, lr;
	s5 =	simm.s32 $0xFFFFFFFF;
	p2 =	slt.u32 s8, $0xFFFFF086  }
0x1c: {  	p1 =	slt.u32 s9, $0xF7A;
	s5 =	simm.s32 @!p2 $0x0  }
0x1d: {  	s5 =	simm.s32 @p1 $0x1;
	p0 =	seq.s32 s7, s2  }
0x1e: {  	s7 =	smul.u32 @!p0 $0xF7A, s2;
	p2 =	seq.s32 @!p0 s5, $0x0  }
0x1f: {  	s9 =	smul.u32 $0xF7A, s1;
	s8 =	simm.s32 @!p0 $0x1BF5;
	p2 =	por !p2, p0  }
0x20: {  	[sflag:s8] =	ssyncset.s32 @!p0 $0xFFFFF086;
	s6 =	sadd.s32 @!p0 s3, s7;
	s7 =	simm.s32 @!p0 $0x108  }
0x21: {  	s3 =	sadd.s32 s3, s9;
	s6 =	sadd.s32 @!p0 $0x88, s6;
	s7 =	simm.s32 @p2 $0x1082  }
0x22: {  	[simem:s7], [sflag:s8] =	dma.local @!p0 [hbm:s6], $0xF7A  }
0x23: {  	s9 =	sor.u32 $0xD0000000, s2;
	s6 =	simm.s32 $0x108;
	_ =	swait.ge @!p0 [sflag:s8], $0x0  }
0x24: {  	s3 =	sadd.s32 $0x88, s3;
	s6 =	simm.s32 @!p1 $0x1082;
	[sflag:s4] =	ssyncset.s32 $0xFFFFF086  }
0x25: {  	[simem:s6], [sflag:s4] =	dma.local [hbm:s3], $0xF7A  }
0x26: {  	[smem:$0x3F9D] =	sst s1;
	(tag) =	ssettag s2;
	_ =	strace s9  }
0x27: {  	s1 =	sld [smem:$0x3FAD]  }
0x28: {  	s2 =	sld [smem:$0x3FAE]  }
0x29: {  	s4 =	sld [smem:$0x3FB0]  }
0x2a: {  	p0 =	seq.s32 s5, $0x0;
	s5 =	sld [smem:$0x3FB1]  }
0x2b: {  	s6 =	sld [smem:$0x3FB2]  }
0x2c: {  	s7 =	sld [smem:$0x3FB3]  }
0x2d: {  	s3 =	simm.s32 $0x108;
	s8 =	sld [smem:$0x3FB4]  }
0x2e: {  	s3 =	simm.s32 @!p0 $0x1082;
	s9 =	sld [smem:$0x3FB5]  }
0x2f: {  	lr =	sadd.s32 s0, s3;
	s0 =	sld [smem:$0x3FAC]  }
0x30: {  	s3 =	sld [smem:$0x3FAF]  }
0x31: {  	[smem:$0x3FB8] =	sst s10  }
0x32: {  	s10 =	sld [smem:$0x3FB6];
	_ =	sdelay $0x3  }
0x33: {  	p0 =	seq.s32 s10, $0x1;
	s10 =	sld [smem:$0x3FB8];
	_ =	sdelay $0x3  }
0x34: {  	[smem:$0x3FB8] =	sst s10  }
0x35: {  	s10 =	sld [smem:$0x3FB7];
	_ =	sdelay $0x3  }
0x36: {  	p1 =	seq.s32 s10, $0x1;
	s10 =	sld [smem:$0x3FB8];
	_ =	sdelay $0x3  }
0x37: {  	[smem:$0x3FB8] =	sst s10  }
0x38: {  	s10 =	sld [smem:$0x3FB9]  }
0x39: {  	_ = 	snop;
	(pc) =	sbr.ind lr, $3  }
0x3a: {  	_ = 	snop  }
0x3b: {  	_ = 	snop  }
0x3c: {  	p2 =	seq.s32 s10, $0x1;
	s10 =	sld [smem:$0x3FB8]  }
0x3d: {  	_ =	shalt  }
0x3e: {  	_ =	shalt  }
0x3f: {  	_ =	shalt  }
0x40: {  	_ =	shalt  }
0x41: {  	_ =	shalt  }
0x42: {  	_ =	shalt  }
0x43: {  	_ =	shalt  }
0x44: {  	_ =	shalt  }
0x45: {  	_ =	shalt  }
0x46: {  	_ =	shalt  }
0x47: {  	_ =	shalt  }
0x48: {  	_ =	shalt  }
0x49: {  	_ =	shalt  }
0x4a: {  	_ =	shalt  }
0x4b: {  	_ =	shalt  }
0x4c: {  	_ =	shalt  }
0x4d: {  	_ =	shalt  }
0x4e: {  	_ =	shalt  }
0x4f: {  	_ =	shalt  }
0x50: {  	_ =	shalt  }
0x51: {  	_ =	shalt  }
0x52: {  	_ =	shalt  }
0x53: {  	_ =	shalt  }
0x54: {  	_ =	shalt  }
0x55: {  	_ =	shalt  }
0x56: {  	_ =	shalt  }
0x57: {  	_ =	shalt  }
0x58: {  	_ =	shalt  }
0x59: {  	_ =	shalt  }
0x5a: {  	_ =	shalt  }
0x5b: {  	_ =	shalt  }
0x5c: {  	_ =	shalt  }
0x5d: {  	_ =	shalt  }
0x5e: {  	_ =	shalt  }
0x5f: {  	_ =	shalt  }
0x60: {  	_ =	shalt  }
0x61: {  	_ =	shalt  }
0x62: {  	_ =	shalt  }
0x63: {  	_ =	shalt  }
0x64: {  	_ =	shalt  }
0x65: {  	_ =	shalt  }
0x66: {  	_ =	shalt  }
0x67: {  	_ =	shalt  }
0x68: {  	_ =	shalt  }
0x69: {  	_ =	shalt  }
0x6a: {  	_ =	shalt  }
0x6b: {  	_ =	shalt  }
0x6c: {  	_ =	shalt  }
0x6d: {  	_ =	shalt  }
0x6e: {  	_ =	shalt  }
0x6f: {  	_ =	shalt  }
0x70: {  	_ =	shalt  }
0x71: {  	_ =	shalt  }
0x72: {  	_ =	shalt  }
0x73: {  	_ =	shalt  }
0x74: {  	_ =	shalt  }
0x75: {  	_ =	shalt  }
0x76: {  	_ =	shalt  }
0x77: {  	_ =	shalt  }
0x78: {  	_ =	shalt  }
0x79: {  	_ =	shalt  }
0x7a: {  	_ =	shalt  }
0x7b: {  	_ =	shalt  }
0x7c: {  	_ =	shalt  }
0x7d: {  	_ =	shalt  }
0x7e: {  	_ =	shalt  }
0x7f: {  	_ =	shalt  }
0x80: {  	_ =	shalt  }
0x81: {  	_ =	shalt  }
0x82: {  	_ =	shalt  }
0x83: {  	_ =	shalt  }
0x84: {  	_ =	shalt  }
0x85: {  	_ =	shalt  }
0x86: {  	_ =	shalt  }
0x87: {  	_ =	shalt  }
.Lfunc_end0:
.L_simem_size_0:
called_computation_lowered:
.L_overlay_start_0:
0x88: {  	s2 =	sld [smem:$0x3FD9]  }
0x89: {  	s3 =	sld [smem:$0x3FFE];
	_ =	sdelay $0x1  }
0x8a: {  	s1 =	srdreg.scid  }
0x8b: {  	s0 =	sand.u32 $0x1, s1  }
0x8c: {  	s17 =	sshll.u32 s0, $0xA;
	s2 =	sadd.s32 s3, s2  }
0x8d: {  	s2 =	sadd.s32 s2, s17  }
0x8e: {  	[smem:$0x3FC4] =	sst s2  }
0x8f: {  	_ = 	snop  }
0x90: {  	s2 =	sld [smem:$0x3FC9]  }
0x91: {  	s18 =	sld [smem:$0x3FC8]  }
0x92: {  	s4 =	sld [smem:$0x3FC7]  }
0x93: {  	s5 =	sld [smem:$0x3FD0];
	(tm) =	ssettm $0x1  }
0x94: {  	s6 =	sld [smem:$0x3FFB];
	_ =	sdelay $0x3  }
0x95: {  	_ =	strace s6  }
0x96: {  	s6 =	sld [smem:$0x3FFC];
	_ =	sdelay $0x3  }
0x97: {  	_ =	strace s6  }
0x98: {  	s6 =	sld [smem:$0x3FFD];
	_ =	sdelay $0x3  }
0x99: {  	_ =	strace s6  }
0x9a: {  	_ =	strace $0x8FFFFFFF  }
0x9b: {  	s19 =	sld [smem:$0x3FDB];
	_ =	sdelay $0x1  }
0x9c: {  	s7 =	simm.s32 $_scs_section_size  }
0x9d: {  	s8 =	simm.s32 $_size__tile_overlayer_lowered;
	s9 =	simm.s32 $_tile_overlayer_lowered  }
0x9e: {  	s22 =	simm.s32 $0x1BFF;
	s21 =	sshll.u32 s9, $0x1;
	s6 =	sadd.s32 s7, s19  }
0x9f: {  	s10 =	simm.s32 $0x0;
	s20 =	sshll.u32 s8, $0x1;
	s8 =	sadd.s32 s21, s6  }
0xa0: {  	[timem:s10], [sflag:s22] =	dma.local [hbm:s8], s20  }
0xa1: {  	_ =	swait.ge [sflag:s22], s20  }
0xa2: {  	s7 =	ssub.s32 $0x0, s20;
	[sflag:s22] =	ssyncset.done $0x0  }
0xa3: {  	[sflag:s22] =	ssyncadd.s32 s7;
	_ =	sdelay $0x1  }
0xa4: {  	s23 =	simm.s32 $0x1B8B  }
0xa5: {  	_ =	swait.ge [sflag:s23], $0x1  }
0xa6: {  	[sflag:s23] =	ssyncset.done $0x0  }
0xa7: {  	s25 =	simm.s32 $0x1B8E;
	s24 =	sld [smem:$0x3FFE];
	[sflag:s23] =	ssyncadd.s32 $0xFFFFFFFF  }
0xa8: {  	s26 =	simm.s32 $execute0_lowered;
	[smem:$0x3FD2] =	sst s25  }
0xa9: {  	s8 =	sshll.u32 s26, $0x1;
	_ =	strace $0x80000046;
	[dreg:$0x1] =	wrdreg $0xFFFFFFFF  }
0xaa: {  	s28 =	simm.s32 $_size_execute0_lowered;
	s6 =	sadd.s32 s6, s8;
	[dreg:$0x0] =	wrdreg $0x0  }
0xab: {  	s8 =	sshll.u32 s28, $0x1;
	[dreg:$0x2] =	wrdreg s6  }
0xac: {  	[dreg:$0x3] =	wrdreg s8  }
0xad: {  	[dreg:$0x4] =	wrdreg $0xC0  }
0xae: {  	_ =	task [dreg:s10], $0x5FFFF  }
0xaf: {  	[dreg:$0x1] =	wrdreg $0xFFFFFFFF  }
0xb0: {  	[dreg:$0x0] =	wrdreg $0x60  }
0xb1: {  	[dreg:$0x2] =	wrdreg s2  }
0xb2: {  	[dreg:$0x3] =	wrdreg s18  }
0xb3: {  	[dreg:$0x4] =	wrdreg s4  }
0xb4: {  	[dreg:$0x5] =	wrdreg s5  }
0xb5: {  	[dreg:$0x6] =	wrdreg s24  }
0xb6: {  	[dreg:$0x7] =	wrdreg $0x1A1200  }
0xb7: {  	[dreg:$0x8] =	wrdreg $0x1A2200  }
0xb8: {  	[dreg:$0x9] =	wrdreg $0x9  }
0xb9: {  	_ =	task.clear_ibuf [dreg:s10], $0xAFFFF;
	_ =	strace $0x90000046  }
0xba: {  	s29 =	simm.s32 $0x9;
	_ =	strace $0x80000054  }
0xbb: {  	_ =	swait.ge [sflag:s29], $0x1  }
0xbc: {  	[sflag:s29] =	ssyncadd.s32 $0xFFFFFFFF  }
0xbd: {  	_ =	strace $0x90000054  }
0xbe: {  	_ =	sfence  }
0xbf: {  	s30 =	sld [smem:$0x0];
	_ =	sdelay $0x2  }
0xc0: {  	s31 =	sshll.u32 s1, $0xD;
	s1 =	sshrl.u32 s1, $0x2  }
0xc1: {  	s3 =	sand.u32 $0x4000, s31;
	s1 =	sadd.s32 s1, s30  }
0xc2: {  	s0 =	sor.u32 s3, s0;
	s1 =	sshll.u32 s1, $0x11  }
0xc3: {  	s0 =	sor.u32 s1, s0  }
0xc4: {  	s0 =	sadd.s32 $0x8F2B, s0  }
0xc5: {  	[sflag:s0] =	ssyncadd.remote.s32 $0x1  }
0xc6: {  	_ =	sfence.sel $0xFFFF  }
0xc7: {  	[dreg:$0x0] =	wrdreg $0xFFFFFFFF;
	(pc) =	sbr.abs _section_cstart, $3  }
0xc8: {  	[dreg:$0x1] =	wrdreg $0xFFFFFFFF  }
0xc9: {  	_ =	task.clear_ibuf [dreg:s10], $0x2FFFF;
	_ =	strace $0x9FFFFFFF  }
0xca: {  	(tm) =	ssettm $0x7FFFFFFF  }
0xcb: {  	_ =	shalt  }
tec
execute0_lowered:
.L_overlay_start_1:
0x0: {  	(tag) =	ssettag $0x1  }
0x1: {  	s15 =	rddreg [dreg:$0x0]  }
0x2: {  	s1 =	rddreg [dreg:$0x1]  }
0x3: {  	s3 =	rddreg [dreg:$0x2]  }
0x4: {  	s2 =	rddreg [dreg:$0x4]  }
0x5: {  	s20 =	rddreg [dreg:$0x5]  }
0x6: {  	s21 =	rddreg [dreg:$0x6];
	s7 =	simm.s32 $0x0  }
0x7: {  	s4 =	srdreg.scid;
	s6 =	stileid.u32;
	s18 =	simm.s32 $0x1  }
0x8: {  	s19 =	simm.s32 $0x8000;
	s24 =	simm.s32 $0xA000;
	s22 =	simm.s32 $0x10000  }
0x9: {  	s23 =	simm.s32 $0x14000;
	s29 =	simm.s32 $0x6000;
	s25 =	simm.s32 $0x2  }
0xa: {  	s30 =	simm.s32 $0xE000;
	[smem:$0x7FF] =	sst s7;
	s4 =	sand.u32 $0x1, s4  }
0xb: {  	v0 =	vlaneseq.u32;
	v16 =	vimm.f32 $0.0e+00;
	v17 =	vimm.f32 $1.000000000e+00;
	s9 =	sadd.s32 $0xA00, s2;
	s26 =	sshll.u32 s6, $0x11;
	p5 =	sne.s32 s6, $0x0  }
0xc: {  	v1 =	vor.u32 $0x80, v0;
	v2 =	vor.u32 $0x10, v0;
	v3 =	vor.u32 $0x90, v0;
	_ =	strace $0x80000047;
	s0 =	sshll.u32 s4, $0x1;
	[dreg:$0x9] =	wrdreg s26  }
0xd: {  	v4 =	vor.u32 $0x20, v0;
	v5 =	vor.u32 $0xA0, v0;
	v6 =	vor.u32 $0x30, v0;
	s4 =	ssub.s32 $0x2, s4;
	[dreg:$0x8] =	wrdreg s0;
	s5 =	sadd.s32 s0, s2  }
0xe: {  	v7 =	vor.u32 $0xB0, v0;
	v8 =	vor.u32 $0x40, v0;
	v9 =	vor.u32 $0xC0, v0;
	s8 =	sshrl.u32 s4, $0x1;
	s0 =	simm.s32 @!p5 $0x0;
	s28 =	sadd.s32 $0x100A00, s5  }
0xf: {  	v10 =	vor.u32 $0x50, v0;
	v11 =	vor.u32 $0xD0, v0;
	v12 =	vor.u32 $0x60, v0;
	s4 =	ssub.s32 s4, s8;
	s0 =	simm.s32 @p5 $0x1;
	[dreg:$0xa] =	wrdreg s28  }
0x10: {  	s11 =	sadd.s32 $0xE00, s2;
	v13 =	vor.u32 $0xE0, v0;
	v14 =	vor.u32 $0x70, v0;
	v15 =	vor.u32 $0xF0, v0;
	s31 =	smax.u32 s4, $0x1;
	[smem:$0x7FD] =	sst s0  }
0x11: {  	v18 =	vor.u32 $0x1000, v0;
	v19 =	vor.u32 $0x2000, v0;
	v20 =	vor.u32 $0x3000, v0;
	s26 =	simm.s32 $0xC000;
	s4 =	simm.s32 $0x0;
	[dreg:$0xb] =	wrdreg s31  }
.LBB2_1:
0x12: {  	[tilespmem:$0x1A020] =	vst v0  }
0x13: {  	[tilespmem:$0x1A0A0] =	vst v1  }
0x14: {  	[tilespmem:$0x1A030] =	vst v2  }
0x15: {  	[tilespmem:$0x1A0B0] =	vst v3  }
0x16: {  	[tilespmem:$0x1A040] =	vst v4  }
0x17: {  	[tilespmem:$0x1A0C0] =	vst v5  }
0x18: {  	[tilespmem:$0x1A050] =	vst v6  }
0x19: {  	[tilespmem:$0x1A0D0] =	vst v7  }
0x1a: {  	[tilespmem:$0x1A060] =	vst v8  }
0x1b: {  	[tilespmem:$0x1A0E0] =	vst v9  }
0x1c: {  	[tilespmem:$0x1A070] =	vst v10  }
0x1d: {  	[tilespmem:$0x1A0F0] =	vst v11  }
0x1e: {  	[tilespmem:$0x1A080] =	vst v12  }
0x1f: {  	[tilespmem:$0x1A100] =	vst v13  }
0x20: {  	[dreg:$0xc] =	wrdreg s4;
	[tilespmem:$0x1A090] =	vst v14  }
0x21: {  	[tilespmem:$0x1A110] =	vst v15;
	s0 =	rddreg [dreg:$0x3];
	s2 =	simm.s32 $0x1A000;
	s31 =	simm.s32 $0x5  }
0x22: {  	[tilespmem:s2], [sflag:$0x5] =	stream.linear.gather [hbm4b:s0+s7], $0x10, $0x38;
	[tilespmem:$0x1A320] =	vst v63  }
0x23: {  	_ =	swait.ge [sflag:s31], $0x10  }
0x24: {  	[sflag:s31] =	ssyncset.done $0x0  }
0x25: {  	[sflag:s31] =	ssyncadd.s32 $0xFFFFFFF0  }
0x26: {  	v21 =	vld [tilespmem:$0x1A000];
	_ =	sdelay $0x4  }
0x27: {  	v21 =	vtrunc.f32 v21  }
0x28: {  	v21 =	vcvt.f32.s32 v21;
	_ =	sdelay $0x1  }
0x29: {  	v21 =	vmul.u32 $0x3, v21;
	_ =	sdelay $0x1  }
0x2a: {  	vm0 =	vlt.s32 v21, $0x200000  }
0x2b: {  	v21 =	vnsel vm0, $0x200000, v21  }
0x2c: {  	p0 =	por $0x1, $0x1;
	v22 =	vimm.f32 $0.0e+00;
	s2 =	simm.s32 $0x0;
	v23 =	vcvt.s32.f32 v21;
	v21 =	vimm.f32 $0.0e+00  }
.LBB2_2:
0x2d: {  	v24 =	vld [tilespmem:$0x1A000];
	_ =	strace $0x80000048  }
0x2e: {  	s5 =	simm.s32 $0x10040;
	[bflag:$0x0] =	sbarrier.arrive $0xFFFF  }
0x2f: {  	[tilespmem:s5+$0xFFFFFFD0] =	vst v16  }
0x30: {  	[tilespmem:s5+$0xFFFFFFE0] =	vst v16  }
0x31: {  	[tilespmem:s5+$0xFFFFFFF0] =	vst v16  }
0x32: {  	[tilespmem:s5+$0x0] =	vst v16  }
0x33: {  	[tilespmem:s5+$0x10] =	vst v16  }
0x34: {  	[tilespmem:s5+$0x20] =	vst v16  }
0x35: {  	[tilespmem:s5+$0x30] =	vst v16  }
0x36: {  	s4 =	simm.s32 $0x14040;
	[tilespmem:s5+$0xFFFFFFC0] =	vst v16  }
0x37: {  	[tilespmem:s4+$0xFFFFFFD0] =	vst v16  }
0x38: {  	[tilespmem:s4+$0xFFFFFFE0] =	vst v16  }
0x39: {  	[tilespmem:s4+$0xFFFFFFF0] =	vst v16  }
0x3a: {  	[tilespmem:s4+$0x0] =	vst v16  }
0x3b: {  	[tilespmem:s4+$0x10] =	vst v16  }
0x3c: {  	s0 =	simm.s32 @!p0 $0x0;
	[tilespmem:s4+$0x20] =	vst v16  }
0x3d: {  	s0 =	simm.s32 @p0 $0x1;
	[tilespmem:s4+$0x30] =	vst v16  }
0x3e: {  	[smem:$0x7FC] =	sst s0  }
0x3f: {  	s6 =	simm.s32 $0x100C0;
	s5 =	simm.s32 $0x0;
	[tilespmem:s4+$0xFFFFFFC0] =	vst v16  }
.LBB2_3:
0x40: {  	[tilespmem:s6+$0xFFFFFFD0] =	vst v16;
	s4 =	sadd.s32 $0x80, s4  }
0x41: {  	[tilespmem:s4+$0xFFFFFFD0] =	vst v16  }
0x42: {  	[tilespmem:s6+$0xFFFFFFE0] =	vst v16  }
0x43: {  	[tilespmem:s4+$0xFFFFFFE0] =	vst v16  }
0x44: {  	[tilespmem:s6+$0xFFFFFFF0] =	vst v16  }
0x45: {  	[tilespmem:s4+$0xFFFFFFF0] =	vst v16  }
0x46: {  	[tilespmem:s6+$0x0] =	vst v16  }
0x47: {  	[tilespmem:s4+$0x0] =	vst v16  }
0x48: {  	[tilespmem:s6+$0x10] =	vst v16  }
0x49: {  	s5 =	sadd.s32 $0x8, s5;
	[tilespmem:s4+$0x10] =	vst v16  }
0x4a: {  	p0 =	slt.u32 s5, $0x3F8;
	[tilespmem:s6+$0x20] =	vst v16  }
.Ltmp0:
0x4b: {  	[tilespmem:s4+$0x20] =	vst v16;
	(pc) =	sbr.rel @p0 .LBB2_3-.Ltmp0, $4  }
0x4c: {  	[tilespmem:s6+$0x30] =	vst v16  }
0x4d: {  	[tilespmem:s4+$0x30] =	vst v16  }
0x4e: {  	[tilespmem:s6+$0xFFFFFFC0] =	vst v16  }
0x4f: {  	s6 =	sadd.s32 $0x80, s6;
	[tilespmem:s4+$0xFFFFFFC0] =	vst v16  }
0x50: {  	s0 =	rddreg [dreg:$0x8]  }
0x51: {  	s2 =	sor.u32 s0, s2  }
0x52: {  	v25 =	vmov s2  }
0x53: {  	vm0 =	veq.s32 v25, v0  }
0x54: {  	v25 =	vnsel vm0, $0x0, v23  }
0x55: {  	(xrf2) =	vadd.scan.msk.f32 $0xffff, v25;
	_ =	sdelay $0x9  }
0x56: {  	v25, _, _ =	vpop (xrf2)  }
0x57: {  	(v2sf) =	vpush v25, $0xF;
	_ =	sdelay $0x3  }
0x58: {  	v24 =	vnsel vm0, $0x0, v24  }
0x59: {  	(xrf2) =	vadd.scan.msk.f32 $0xffff, v24;
	_ =	sdelay $0x7  }
0x5a: {  	s4 =	simm.s32 @!p5 $0x10000  }
0x5b: {  	[spmem:s20] =	stream.linear.scatter @!p5 [tilespmem:s4], [sflag:$0x5], $0x1000, $0x200038;
	[tilespmem:$0x1A320] =	vst v63  }
0x5c: {  	s4 =	simm.s32 @!p5 $0x5;
	v24, _, _ =	vpop (xrf2);
	s8 =	spop (v2sf)  }
0x5d: {  	_ =	swait.ge @!p5 [sflag:s4], $0x1000  }
0x5e: {  	[sflag:s4] =	ssyncset.done @!p5 $0x0  }
0x5f: {  	s5 =	simm.s32 @!p5 $0x14000;
	[sflag:s4] =	ssyncadd.s32 @!p5 $0xFFFFF000  }
0x60: {  	[spmem:s21] =	stream.linear.scatter @!p5 [tilespmem:s5], [sflag:$0x5], $0x1000, $0x200038;
	[tilespmem:$0x1A320] =	vst v63  }
0x61: {  	_ =	swait.ge @!p5 [sflag:s4], $0x1000  }
0x62: {  	[sflag:s4] =	ssyncset.done @!p5 $0x0  }
0x63: {  	s2 =	sshll.u32 s2, $0x15;
	s12 =	rddreg [dreg:$0x9];
	[sflag:s4] =	ssyncadd.s32 @!p5 $0xFFFFF000  }
0x64: {  	s16 =	sor.u32 s12, s2;
	[bflag:$0x0] =	sbarrier.arrive $0xFFFF  }
0x65: {  	s4 =	sshrl.u32 s16, $0x3;
	_ =	strace $0x90000048  }
0x66: {  	s10 =	simm.s32 $0x0;
	s13 =	sadd.s32 s15, s4;
	_ =	strace $0x80000049  }
0x67: {  	[tilespmem:s10], [sflag:$0x1] =	stream.linear.gather [hbm4b:s13+s10], $0x2000, $0x200038;
	[tilespmem:$0x1A320] =	vst v63  }
0x68: {  	s17 =	simm.s32 $0x2000;
	s14 =	sadd.s32 s1, s4  }
0x69: {  	[tilespmem:s17], [sflag:$0x1] =	stream.linear.gather [hbm4b:s14+s10], $0x2000, $0x200038;
	[tilespmem:$0x1A320] =	vst v63  }
0x6a: {  	s31 =	simm.s32 $0x4000;
	s0 =	simm.s32 $0x4;
	s28 =	sadd.s32 s3, s4  }
0x6b: {  	v27 =	vimm.f32 $0.0e+00;
	v30 =	vimm.f32 $0.0e+00;
	[tilespmem:s31], [sflag:$0x1] =	stream.linear.gather [hbm4b:s28+s10], $0x2000, $0x200038;
	[tilespmem:$0x1A320] =	vst v63  }
.LBB2_5:
0x6c: {  	_ =	swait.ge [sflag:s18], $0x2000  }
0x6d: {  	[sflag:s18] =	ssyncset.done $0x0  }
0x6e: {  	[sflag:s18] =	ssyncadd.s32 $0xFFFFE000  }
0x6f: {  	_ =	swait.ge [sflag:s18], $0x2000  }
0x70: {  	s2 =	sshll.u32 s10, $0xE;
	[sflag:s18] =	ssyncset.done $0x0  }
0x71: {  	s17 =	sadd.s32 s16, s2;
	[sflag:s18] =	ssyncadd.s32 $0xFFFFE000  }
0x72: {  	s28 =	sshrl.u32 s17, $0x3;
	_ =	swait.ge [sflag:s18], $0x2000  }
0x73: {  	s14 =	sor.u32 $0x400, s28;
	[sflag:s18] =	ssyncset.done $0x0  }
0x74: {  	s13 =	sadd.s32 s15, s14;
	[sflag:s18] =	ssyncadd.s32 $0xFFFFE000  }
0x75: {  	[tilespmem:s19], [sflag:$0x2] =	stream.linear.gather [hbm4b:s13+s7], $0x2000, $0x200038;
	[tilespmem:$0x1A320] =	vst v63  }
0x76: {  	p0 =	seq.s32 s10, $0x0;
	s5 =	sadd.s32 s1, s14  }
0x77: {  	[tilespmem:s24], [sflag:$0x2] =	stream.linear.gather [hbm4b:s5+s7], $0x2000, $0x200038;
	[tilespmem:$0x1A320] =	vst v63  }
0x78: {  	s2 =	simm.s32 @!p0 $0x3;
	s6 =	sadd.s32 s3, s14  }
0x79: {  	[tilespmem:s26], [sflag:$0x2] =	stream.linear.gather [hbm4b:s6+s7], $0x2000, $0x200038;
	[tilespmem:$0x1A320] =	vst v63  }
0x7a: {  	_ =	swait.ge @!p0 [sflag:s2], $0x2000  }
0x7b: {  	[sflag:s2] =	ssyncset.done @!p0 $0x0  }
0x7c: {  	s6 =	simm.s32 $0x2040;
	[sflag:s2] =	ssyncadd.s32 @!p0 $0xFFFFE000  }
0x7d: {  	s12 =	simm.s32 $0x40;
	v26 =	vld [tilespmem:s6+$0xFFFFFFF0]  }
0x7e: {  	v28 =	vld [tilespmem:s12+$0xFFFFFFF0]  }
0x7f: {  	v32 =	vld [tilespmem:s6+$0x0]  }
0x80: {  	v31 =	vld [tilespmem:s12+$0x0]  }
0x81: {  	v33 =	vld [tilespmem:s12+$0xFFFFFFD0]  }
0x82: {  	s5 =	simm.s32 $0x4040;
	v34 =	vld [tilespmem:s6+$0xFFFFFFD0]  }
0x83: {  	v35 =	vld [tilespmem:s5+$0xFFFFFFD0]  }
0x84: {  	v36 =	vld [tilespmem:s5+$0xFFFFFFC0]  }
0x85: {  	v37 =	vld [tilespmem:s6+$0xFFFFFFC0]  }
0x86: {  	v29 =	vld [tilespmem:s6+$0x10]  }
0x87: {  	v38 =	vld [tilespmem:s12+$0xFFFFFFC0]  }
0x88: {  	v39 =	vld [tilespmem:s12+$0x10]  }
0x89: {  	v60 =	vld [tilespmem:s6+$0xFFFFFFE0]  }
0x8a: {  	v61 =	vld [tilespmem:s12+$0xFFFFFFE0]  }
0x8b: {  	v33 =	vsub.f32 v34, v33  }
0x8c: {  	v25 =	vld [tilespmem:s5+$0x20];
	vm0 =	vgt.f32 v34, $0.0e+00;
	vm1 =	vgt.f32 v36, $0.0e+00;
	vm2 =	vgt.f32 v37, $0.0e+00  }
0x8d: {  	vm4 =	vgt.f32 v35, $0.0e+00;
	v37 =	vsub.f32 v37, v38;
	v28 =	vsub.f32 v26, v28  }
0x8e: {  	v41 =	vld [tilespmem:s5+$0xFFFFFFF0];
	v42 =	vsub.f32 v29, v39;
	v31 =	vsub.f32 v32, v31;
	vm5 =	vgt.f32 v26, $0.0e+00  }
0x8f: {  	v34 =	vsub.f32 v60, v61;
	vm3 =	vmneg vm1;
	v33 =	vmul.f32 v33, v33  }
0x90: {  	v40 =	vld [tilespmem:s5+$0xFFFFFFE0];
	vm1 =	vmand vm2, vm3;
	vm2 =	vmneg vm4;
	v43 =	vmul.f32 v37, v37  }
0x91: {  	v28 =	vmul.f32 v28, v28;
	vm4 =	vmand vm0, vm2;
	vm0 =	vgt.f32 v25, $0.0e+00  }
0x92: {  	v35 =	vmul.f32 v33, v35;
	v44 =	vnsel vm4, $0x0, v33;
	vm4 =	vgt.f32 v60, $0.0e+00  }
0x93: {  	v36 =	vmul.f32 v43, v36;
	v45 =	vmul.f32 v28, v41;
	v27 =	vadd.f32 v43, v27  }
0x94: {  	v46 =	vld [tilespmem:s5+$0x0];
	vm0 =	vmneg vm0;
	v62 =	vshra.s32 v44, $0x14;
	v35 =	vsel vm2, $0x0, v35  }
0x95: {  	vm2 =	vgt.f32 v40, $0.0e+00;
	v37 =	vand.u32 $0xFFFFFFF0, v62;
	v36 =	vsel vm3, $0x0, v36  }
0x96: {  	v48 =	vld [tilespmem:s12+$0x20];
	vm3 =	vgt.f32 v41, $0.0e+00;
	vm2 =	vmneg vm2;
	v30 =	vadd.f32 v36, v30  }
0x97: {  	v26 =	vld [tilespmem:s6+$0x20];
	v39 =	vadd.s32 v18, v37;
	vm3 =	vmneg vm3;
	v36 =	vmul.f32 v34, v34  }
0x98: {  	v41 =	vld [tilespmem:s5+$0x10];
	v37 =	vadd.f32 v33, v27;
	v34 =	vsel vm3, $0x0, v45;
	vm3 =	vmand vm5, vm3  }
0x99: {  	s13 =	simm.s32 $0x6040;
	v47 =	vld [tilespmem:s6+$0x30];
	vm6 =	vmand vm4, vm2;
	vm4 =	vgt.f32 v46, $0.0e+00;
	v38 =	vadd.f32 v35, v30  }
0x9a: {  	[tilespmem:s13+$0xFFFFFFD0] =	vst v44;
	v30 =	vmul.f32 v31, v31;
	v27 =	vnsel vm3, $0x0, v28;
	v31 =	vmul.f32 v42, v42;
	v42 =	vld [tilespmem:s12+$0x30]  }
0x9b: {  	s31 =	simm.s32 $0x0;
	s2 =	simm.s32 $0xC0;
	v45 =	vmul.f32 v36, v40;
	vm3 =	vgt.f32 v32, $0.0e+00;
	v32 =	vld [tilespmem:s5+$0x30];
	v63 =	vshra.s32 v27, $0x14;
	[tilespmem:s13+$0xFFFFFFF0] =	vst v27  }
0x9c: {  	s6 =	simm.s32 $0x40C0;
	v35 =	vsub.f32 v26, v48;
	s5 =	simm.s32 $0x20C0;
	s12 =	simm.s32 $0x6040;
	v33 =	vmul.f32 v30, v46;
	v46 =	vand.u32 $0xFFFFFFF0, v63;
	[tilespmem:v39+s22+$0x0] =	vst.idx.add.f32.msk $0xffff, v17  }
.LBB2_6:
0x9d: {  	s31 =	sadd.s32 $0x8, s31;
	[tilespmem:v39+s23+$0x0] =	vst.idx.add.f32.msk $0xffff, v44;
	v39 =	vnsel vm6, $0x0, v36;
	v44 =	vmul.f32 v31, v41;
	vm5 =	vgt.f32 v26, $0.0e+00;
	s13 =	sadd.s32 $0x80, s13  }
0x9e: {  	v48 =	vsel vm2, $0x0, v45;
	v40 =	vld [tilespmem:s6+$0xFFFFFFF0];
	p2 =	slt.u32 s31, $0x1F8;
	[tilespmem:s12+$0xFFFFFFE0] =	vst v39;
	v49 =	vmul.f32 v35, v35;
	vm2 =	vgt.f32 v47, $0.0e+00  }
0x9f: {  	v43 =	vnsel vm1, $0x0, v43;
	vm1 =	vgt.f32 v41, $0.0e+00;
	vm5 =	vmand vm5, vm0;
	v35 =	vld [tilespmem:s6+$0x0]  }
0xa0: {  	vm6 =	vgt.f32 v29, $0.0e+00;
	vm1 =	vmneg vm1;
	v45 =	vld [tilespmem:s5+$0xFFFFFFF0];
	[tilespmem:s12+$0xFFFFFFC0] =	vst v43;
	v41 =	vnsel vm5, $0x0, v49  }
0xa1: {  	v44 =	vsel vm1, $0x0, v44;
	vm1 =	vmand vm6, vm1;
	v47 =	vsub.f32 v47, v42;
	v26 =	vld [tilespmem:s5+$0x20];
	[tilespmem:s12+$0x20] =	vst v41  }
0xa2: {  	v29 =	vadd.f32 v48, v38;
	v38 =	vnsel vm1, $0x0, v31;
	v48 =	vshra.s32 v41, $0x14;
	v50 =	vld [tilespmem:s2+$0xFFFFFFF0]  }
0xa3: {  	v51 =	vshra.s32 v39, $0x14;
	v52 =	vmul.f32 v49, v25;
	v42 =	vshra.s32 v38, $0x14;
	[tilespmem:s12+$0x10] =	vst v38;
	v25 =	vld [tilespmem:s6+$0x20]  }
0xa4: {  	v36 =	vadd.f32 v36, v37;
	v34 =	vadd.f32 v34, v29;
	v29 =	vand.u32 $0xFFFFFFF0, v42;
	v53 =	vld [tilespmem:s2+$0xFFFFFFE0]  }
0xa5: {  	v37 =	vand.u32 $0xFFFFFFF0, v51;
	vm1 =	vgt.f32 v32, $0.0e+00;
	v51 =	vadd.s32 v18, v29;
	v42 =	vld [tilespmem:s5+$0x0]  }
0xa6: {  	v28 =	vadd.f32 v28, v36;
	v36 =	vadd.s32 v20, v46;
	v29 =	vshra.s32 v43, $0x14;
	v54 =	vld [tilespmem:s2+$0x0]  }
0xa7: {  	v37 =	vadd.s32 v19, v37;
	v48 =	vand.u32 $0xFFFFFFF0, v48;
	v46 =	vld [tilespmem:s6+$0xFFFFFFD0]  }
0xa8: {  	v28 =	vadd.f32 v30, v28;
	v48 =	vadd.s32 v19, v48;
	v29 =	vand.u32 $0xFFFFFFF0, v29;
	v55 =	vld [tilespmem:s2+$0xFFFFFFD0]  }
0xa9: {  	vm4 =	vmneg vm4;
	v57 =	vor.u32 v0, v29;
	v56 =	vld [tilespmem:s5+$0xFFFFFFD0]  }
0xaa: {  	vm3 =	vmand vm3, vm4;
	v28 =	vadd.f32 v31, v28;
	v58 =	vld [tilespmem:s6+$0xFFFFFFC0]  }
0xab: {  	v30 =	vnsel vm3, $0x0, v30;
	vm1 =	vmneg vm1;
	v31 =	vld [tilespmem:s5+$0xFFFFFFC0]  }
0xac: {  	v59 =	vshra.s32 v30, $0x14;
	vm3 =	vmand vm2, vm1;
	v28 =	vadd.f32 v49, v28;
	v29 =	vld [tilespmem:s5+$0x10];
	[tilespmem:s12+$0x0] =	vst v30  }
0xad: {  	v33 =	vsel vm4, $0x0, v33;
	v47 =	vmul.f32 v47, v47;
	v59 =	vand.u32 $0xFFFFFFF0, v59;
	v49 =	vld [tilespmem:s2+$0x10]  }
0xae: {  	v33 =	vadd.f32 v33, v34;
	v34 =	vor.u32 v0, v59;
	vm2 =	vgt.f32 v56, $0.0e+00;
	v60 =	vld [tilespmem:s6+$0xFFFFFFE0]  }
0xaf: {  	v59 =	vadd.f32 v47, v28;
	v28 =	vmul.f32 v47, v32;
	v32 =	vnsel vm3, $0x0, v47;
	[tilespmem:v57+s22+$0x0] =	vst.idx.add.f32.msk $0xffff, v17  }
0xb0: {  	v33 =	vadd.f32 v44, v33;
	v44 =	vsel vm0, $0x0, v52;
	v47 =	vshra.s32 v32, $0x14;
	[tilespmem:v51+s22+$0x0] =	vst.idx.add.f32.msk $0xffff, v17  }
0xb1: {  	v47 =	vand.u32 $0xFFFFFFF0, v47;
	vm0 =	vgt.f32 v58, $0.0e+00;
	vm4 =	vgt.f32 v31, $0.0e+00;
	[tilespmem:v37+s22+$0x0] =	vst.idx.add.f32.msk $0xffff, v17  }
0xb2: {  	v33 =	vadd.f32 v44, v33;
	v47 =	vadd.s32 v20, v47;
	v55 =	vsub.f32 v56, v55;
	v52 =	vld [tilespmem:s2+$0xFFFFFFC0];
	[tilespmem:s12+$0x30] =	vst v32;
	s12 =	smov.u32 s13  }
0xb3: {  	v28 =	vsel vm1, $0x0, v28;
	vm3 =	vmneg vm0;
	vm0 =	vgt.f32 v46, $0.0e+00;
	v56 =	vld [tilespmem:s5+$0xFFFFFFE0]  }
0xb4: {  	v33 =	vadd.f32 v28, v33;
	v55 =	vmul.f32 v55, v55;
	vm1 =	vmand vm4, vm3;
	[tilespmem:v51+s23+$0x0] =	vst.idx.add.f32.msk $0xffff, v38  }
0xb5: {  	vm4 =	vmneg vm0;
	[tilespmem:v57+s23+$0x0] =	vst.idx.add.f32.msk $0xffff, v43  }
0xb6: {  	vm0 =	vgt.f32 v25, $0.0e+00;
	v28 =	vmul.f32 v55, v46;
	vm2 =	vmand vm2, vm4;
	[tilespmem:v36+s22+$0x0] =	vst.idx.add.f32.msk $0xffff, v17  }
0xb7: {  	v31 =	vsub.f32 v31, v52;
	[tilespmem:v34+s22+$0x0] =	vst.idx.add.f32.msk $0xffff, v17  }
0xb8: {  	v44 =	vnsel vm2, $0x0, v55;
	v38 =	vsel vm4, $0x0, v28;
	v28 =	vsub.f32 v45, v50;
	[tilespmem:v47+s22+$0x0] =	vst.idx.add.f32.msk $0xffff, v17  }
0xb9: {  	vm4 =	vgt.f32 v56, $0.0e+00;
	v43 =	vmul.f32 v31, v31;
	v31 =	vsub.f32 v29, v49;
	[tilespmem:v34+s23+$0x0] =	vst.idx.add.f32.msk $0xffff, v30  }
0xba: {  	vm2 =	vgt.f32 v60, $0.0e+00;
	v28 =	vmul.f32 v28, v28;
	v30 =	vsub.f32 v42, v54;
	[tilespmem:v36+s23+$0x0] =	vst.idx.add.f32.msk $0xffff, v27  }
0xbb: {  	vm5 =	vgt.f32 v45, $0.0e+00;
	v34 =	vshra.s32 v44, $0x14;
	v27 =	vmul.f32 v43, v58;
	[tilespmem:v48+s22+$0x0] =	vst.idx.add.f32.msk $0xffff, v17  }
0xbc: {  	vm2 =	vmneg vm2;
	v45 =	vmul.f32 v28, v40;
	v34 =	vand.u32 $0xFFFFFFF0, v34;
	[tilespmem:v37+s23+$0x0] =	vst.idx.add.f32.msk $0xffff, v39  }
0xbd: {  	v36 =	vsub.f32 v56, v53;
	v27 =	vsel vm3, $0x0, v27;
	vm3 =	vgt.f32 v40, $0.0e+00;
	[tilespmem:v48+s23+$0x0] =	vst.idx.add.f32.msk $0xffff, v41  }
0xbe: {  	v39 =	vadd.s32 v18, v34;
	v27 =	vadd.f32 v27, v33;
	vm3 =	vmneg vm3;
	[tilespmem:v47+s23+$0x0] =	vst.idx.add.f32.msk $0xffff, v32  }
0xbf: {  	v36 =	vmul.f32 v36, v36;
	v32 =	vadd.f32 v43, v59;
	[tilespmem:s13+$0xFFFFFFD0] =	vst v44;
	v34 =	vsel vm3, $0x0, v45;
	v40 =	vld [tilespmem:s2+$0x20]  }
.Ltmp1:
0xc0: {  	v30 =	vmul.f32 v30, v30;
	vm3 =	vmand vm5, vm3;
	v38 =	vadd.f32 v38, v27;
	v41 =	vld [tilespmem:s6+$0x10];
	(pc) =	sbr.rel @p2 .LBB2_6-.Ltmp1, $4  }
0xc1: {  	v31 =	vmul.f32 v31, v31;
	v37 =	vadd.f32 v55, v32;
	v27 =	vnsel vm3, $0x0, v28;
	v47 =	vld [tilespmem:s5+$0x30]  }
0xc2: {  	v33 =	vmul.f32 v30, v35;
	v45 =	vmul.f32 v36, v60;
	vm3 =	vgt.f32 v42, $0.0e+00;
	[tilespmem:s13+$0xFFFFFFF0] =	vst v27;
	v42 =	vld [tilespmem:s2+$0x30]  }
0xc3: {  	vm6 =	vmand vm4, vm2;
	vm4 =	vgt.f32 v35, $0.0e+00;
	v32 =	vshra.s32 v27, $0x14;
	[tilespmem:v39+s22+$0x0] =	vst.idx.add.f32.msk $0xffff, v17  }
0xc4: {  	vm0 =	vmneg vm0;
	s5 =	sadd.s32 $0x80, s5;
	v46 =	vand.u32 $0xFFFFFFF0, v32;
	s2 =	sadd.s32 $0x80, s2;
	v35 =	vsub.f32 v26, v40;
	v32 =	vld [tilespmem:s6+$0x30];
	s6 =	sadd.s32 $0x80, s6  }
0xc5: {  	vm5 =	vgt.f32 v41, $0.0e+00  }
0xc6: {  	vm7 =	vgt.f32 v29, $0.0e+00;
	vm5 =	vmneg vm5  }
0xc7: {  	vm7 =	vmand vm7, vm5  }
0xc8: {  	v29 =	vnsel vm7, $0x0, v31  }
0xc9: {  	v40 =	vshra.s32 v29, $0x14  }
0xca: {  	v40 =	vand.u32 $0xFFFFFFF0, v40  }
0xcb: {  	v40 =	vadd.s32 v18, v40  }
0xcc: {  	v43 =	vnsel vm1, $0x0, v43;
	[tilespmem:v39+s23+$0x0] =	vst.idx.add.f32.msk $0xffff, v44  }
0xcd: {  	v56 =	vnsel vm6, $0x0, v36;
	[tilespmem:s12+$0xFFFFFFC0] =	vst v43  }
0xce: {  	vm4 =	vmneg vm4;
	v61 =	vadd.s32 v20, v46;
	v48 =	vshra.s32 v43, $0x14;
	[tilespmem:s12+$0xFFFFFFE0] =	vst v56  }
0xcf: {  	vm6 =	vgt.f32 v26, $0.0e+00;
	v57 =	vshra.s32 v56, $0x14;
	v48 =	vand.u32 $0xFFFFFFF0, v48;
	[tilespmem:s12+$0x10] =	vst v29  }
0xd0: {  	vm1 =	vmand vm3, vm4;
	v26 =	vand.u32 $0xFFFFFFF0, v57;
	v52 =	vor.u32 v0, v48;
	[tilespmem:v40+s22+$0x0] =	vst.idx.add.f32.msk $0xffff, v17  }
0xd1: {  	v53 =	vnsel vm1, $0x0, v30;
	v26 =	vadd.s32 v19, v26;
	[tilespmem:v40+s23+$0x0] =	vst.idx.add.f32.msk $0xffff, v29;
	v29 =	vsub.f32 v47, v42  }
0xd2: {  	vm3 =	vgt.f32 v47, $0.0e+00;
	v54 =	vshra.s32 v53, $0x14;
	[tilespmem:s12+$0x0] =	vst v53;
	vm1 =	vgt.f32 v32, $0.0e+00  }
0xd3: {  	v48 =	vand.u32 $0xFFFFFFF0, v54;
	vm1 =	vmneg vm1;
	[tilespmem:v61+s22+$0x0] =	vst.idx.add.f32.msk $0xffff, v17;
	v29 =	vmul.f32 v29, v29  }
0xd4: {  	v35 =	vmul.f32 v35, v35;
	v55 =	vor.u32 v0, v48;
	vm3 =	vmand vm3, vm1;
	[tilespmem:v61+s23+$0x0] =	vst.idx.add.f32.msk $0xffff, v27  }
0xd5: {  	[tilespmem:v52+s22+$0x0] =	vst.idx.add.f32.msk $0xffff, v17;
	v58 =	vnsel vm3, $0x0, v29;
	vm3 =	vmand vm6, vm0  }
0xd6: {  	[tilespmem:v26+s22+$0x0] =	vst.idx.add.f32.msk $0xffff, v17;
	v59 =	vshra.s32 v58, $0x14;
	v60 =	vnsel vm3, $0x0, v35  }
0xd7: {  	[tilespmem:v52+s23+$0x0] =	vst.idx.add.f32.msk $0xffff, v43;
	v43 =	vand.u32 $0xFFFFFFF0, v59;
	v62 =	vshra.s32 v60, $0x14  }
0xd8: {  	[tilespmem:v26+s23+$0x0] =	vst.idx.add.f32.msk $0xffff, v56;
	v43 =	vadd.s32 v20, v43;
	v46 =	vand.u32 $0xFFFFFFF0, v62  }
0xd9: {  	[tilespmem:v55+s22+$0x0] =	vst.idx.add.f32.msk $0xffff, v17;
	v46 =	vadd.s32 v19, v46  }
0xda: {  	[tilespmem:v55+s23+$0x0] =	vst.idx.add.f32.msk $0xffff, v53  }
0xdb: {  	[tilespmem:s12+$0x30] =	vst v58  }
0xdc: {  	[tilespmem:s12+$0x20] =	vst v60  }
0xdd: {  	[tilespmem:v43+s22+$0x0] =	vst.idx.add.f32.msk $0xffff, v17  }
0xde: {  	[tilespmem:v46+s22+$0x0] =	vst.idx.add.f32.msk $0xffff, v17  }
0xdf: {  	[tilespmem:v43+s23+$0x0] =	vst.idx.add.f32.msk $0xffff, v58  }
0xe0: {  	s2 =	sadd.s32 s9, s28;
	[tilespmem:v46+s23+$0x0] =	vst.idx.add.f32.msk $0xffff, v60  }
0xe1: {  	[hbm4b:s2+s7] =	stream.linear.scatter [tilespmem:s29], [sflag:$0x3], $0x2000, $0x200038;
	[tilespmem:$0x1A320] =	vst v63  }
0xe2: {  	_ =	swait.ge [sflag:s25], $0x2000  }
0xe3: {  	[sflag:s25] =	ssyncset.done $0x0  }
0xe4: {  	[sflag:s25] =	ssyncadd.s32 $0xFFFFE000  }
0xe5: {  	_ =	swait.ge [sflag:s25], $0x2000  }
0xe6: {  	[sflag:s25] =	ssyncset.done $0x0  }
0xe7: {  	p0 =	seq.s32 s10, $0x7;
	[sflag:s25] =	ssyncadd.s32 $0xFFFFE000  }
0xe8: {  	s2 =	sshrl.u32 @!p0 s17, $0x3;
	_ =	swait.ge [sflag:s25], $0x2000  }
0xe9: {  	s2 =	sadd.s32 @!p0 $0x800, s2;
	[sflag:s25] =	ssyncset.done $0x0  }
0xea: {  	s6 =	simm.s32 @!p0 $0x0;
	v27 =	vadd.f32 v36, v37;
	s5 =	sadd.s32 @!p0 s15, s2;
	[sflag:s25] =	ssyncadd.s32 $0xFFFFE000  }
0xeb: {  	v26 =	vsel vm2, $0x0, v45;
	[tilespmem:s6], [sflag:$0x1] =	stream.linear.gather @!p0 [hbm4b:s5+s6], $0x2000, $0x200038;
	[tilespmem:$0x1A320] =	vst v63  }
0xec: {  	v27 =	vadd.f32 v28, v27;
	v26 =	vadd.f32 v26, v38;
	s12 =	simm.s32 @!p0 $0x2000;
	s5 =	sadd.s32 @!p0 s1, s2  }
0xed: {  	[tilespmem:s12], [sflag:$0x1] =	stream.linear.gather @!p0 [hbm4b:s5+s6], $0x2000, $0x200038;
	[tilespmem:$0x1A320] =	vst v63  }
0xee: {  	p1 =	seq.s32 @!p0 s10, $0x0;
	v27 =	vadd.f32 v30, v27;
	v26 =	vadd.f32 v34, v26;
	s2 =	sadd.s32 @!p0 s3, s2;
	s5 =	simm.s32 @!p0 $0x4000  }
0xef: {  	v33 =	vsel vm4, $0x0, v33;
	v28 =	vmul.f32 v31, v41;
	[tilespmem:s5], [sflag:$0x1] =	stream.linear.gather @!p0 [hbm4b:s2+s6], $0x2000, $0x200038;
	[tilespmem:$0x1A320] =	vst v63  }
0xf0: {  	v27 =	vadd.f32 v31, v27;
	v26 =	vadd.f32 v33, v26;
	p0 =	por p0, !p1  }
0xf1: {  	v25 =	vmul.f32 v35, v25;
	v28 =	vsel vm5, $0x0, v28;
	_ =	swait.ge @p0 [sflag:s0], $0x2000  }
0xf2: {  	v27 =	vadd.f32 v35, v27;
	v26 =	vadd.f32 v28, v26;
	[sflag:s0] =	ssyncset.done @p0 $0x0  }
0xf3: {  	v25 =	vsel vm0, $0x0, v25;
	s17 =	simm.s32 $0xA040;
	[sflag:s0] =	ssyncadd.s32 @p0 $0xFFFFE000  }
0xf4: {  	s28 =	simm.s32 $0x8040;
	v25 =	vadd.f32 v25, v26;
	v26 =	vadd.f32 v29, v27;
	v27 =	vld [tilespmem:s17+$0xFFFFFFF0]  }
0xf5: {  	v28 =	vmul.f32 v29, v32;
	v29 =	vld [tilespmem:s28+$0xFFFFFFF0]  }
0xf6: {  	v63 =	vld [tilespmem:s17+$0x0]  }
0xf7: {  	v31 =	vld [tilespmem:s28+$0x0]  }
0xf8: {  	v45 =	vld [tilespmem:s28+$0xFFFFFFD0]  }
0xf9: {  	s31 =	simm.s32 $0xC040;
	v46 =	vld [tilespmem:s17+$0xFFFFFFD0]  }
0xfa: {  	v47 =	vld [tilespmem:s31+$0xFFFFFFD0]  }
0xfb: {  	v48 =	vld [tilespmem:s31+$0xFFFFFFC0]  }
0xfc: {  	v28 =	vsel vm1, $0x0, v28;
	v49 =	vld [tilespmem:s17+$0xFFFFFFC0]  }
0xfd: {  	v30 =	vadd.f32 v28, v25;
	v28 =	vld [tilespmem:s17+$0x10]  }
0xfe: {  	v50 =	vld [tilespmem:s28+$0xFFFFFFC0]  }
0xff: {  	v51 =	vld [tilespmem:s28+$0x10]  }
0x100: {  	v52 =	vld [tilespmem:s17+$0xFFFFFFE0]  }
0x101: {  	v55 =	vld [tilespmem:s28+$0xFFFFFFE0]  }
0x102: {  	v32 =	vsub.f32 v46, v45  }
0x103: {  	v25 =	vld [tilespmem:s31+$0x20];
	vm0 =	vgt.f32 v46, $0.0e+00;
	vm1 =	vgt.f32 v48, $0.0e+00;
	vm2 =	vgt.f32 v49, $0.0e+00  }
0x104: {  	vm4 =	vgt.f32 v47, $0.0e+00;
	v37 =	vsub.f32 v49, v50;
	v29 =	vsub.f32 v27, v29  }
0x105: {  	v54 =	vld [tilespmem:s31+$0xFFFFFFF0];
	v57 =	vsub.f32 v28, v51;
	v31 =	vsub.f32 v63, v31;
	vm5 =	vgt.f32 v27, $0.0e+00  }
0x106: {  	v34 =	vsub.f32 v52, v55;
	vm3 =	vmneg vm1;
	v32 =	vmul.f32 v32, v32  }
0x107: {  	v53 =	vld [tilespmem:s31+$0xFFFFFFE0];
	vm1 =	vmand vm2, vm3;
	vm2 =	vmneg vm4;
	v42 =	vmul.f32 v37, v37  }
0x108: {  	v29 =	vmul.f32 v29, v29;
	vm4 =	vmand vm0, vm2;
	vm0 =	vgt.f32 v25, $0.0e+00  }
0x109: {  	v62 =	vld [tilespmem:s28+$0x20];
	v35 =	vmul.f32 v32, v47;
	v44 =	vnsel vm4, $0x0, v32;
	vm4 =	vgt.f32 v52, $0.0e+00  }
0x10a: {  	v27 =	vld [tilespmem:s17+$0x20];
	v58 =	vmul.f32 v42, v48;
	v60 =	vmul.f32 v29, v54;
	v26 =	vadd.f32 v42, v26  }
0x10b: {  	v61 =	vld [tilespmem:s31+$0x0];
	vm0 =	vmneg vm0;
	v59 =	vshra.s32 v44, $0x14;
	v56 =	vsel vm2, $0x0, v35  }
0x10c: {  	vm2 =	vgt.f32 v53, $0.0e+00;
	v36 =	vand.u32 $0xFFFFFFF0, v59;
	v35 =	vsel vm3, $0x0, v58  }
0x10d: {  	vm3 =	vgt.f32 v54, $0.0e+00;
	v39 =	vadd.f32 v32, v26;
	vm2 =	vmneg vm2  }
0x10e: {  	v30 =	vadd.f32 v35, v30;
	v37 =	vadd.s32 v18, v36;
	vm3 =	vmneg vm3  }
0x10f: {  	v43 =	vld [tilespmem:s31+$0x10];
	v36 =	vmul.f32 v34, v34;
	v34 =	vsub.f32 v27, v62;
	v35 =	vsel vm3, $0x0, v60  }
0x110: {  	s13 =	simm.s32 $0xE040;
	v47 =	vld [tilespmem:s17+$0x30];
	vm3 =	vmand vm5, vm3;
	vm6 =	vmand vm4, vm2;
	vm4 =	vgt.f32 v61, $0.0e+00  }
0x111: {  	v41 =	vld [tilespmem:s28+$0x30];
	[tilespmem:s13+$0xFFFFFFD0] =	vst v44;
	v40 =	vadd.f32 v56, v30;
	v30 =	vmul.f32 v31, v31;
	v26 =	vnsel vm3, $0x0, v29  }
0x112: {  	s12 =	simm.s32 $0xE040;
	s2 =	simm.s32 $0x80C0;
	v33 =	vld [tilespmem:s31+$0x30];
	v31 =	vmul.f32 v57, v57;
	vm3 =	vgt.f32 v63, $0.0e+00;
	v63 =	vshra.s32 v26, $0x14;
	[tilespmem:s13+$0xFFFFFFF0] =	vst v26  }
0x113: {  	s5 =	simm.s32 $0xA0C0;
	s6 =	simm.s32 $0xC0C0;
	s17 =	simm.s32 $0x0;
	v45 =	vmul.f32 v36, v53;
	v32 =	vmul.f32 v30, v61;
	v46 =	vand.u32 $0xFFFFFFF0, v63;
	[tilespmem:v37+s22+$0x0] =	vst.idx.add.f32.msk $0xffff, v17  }
.LBB2_8:
0x114: {  	s17 =	sadd.s32 $0x8, s17;
	[tilespmem:v37+s23+$0x0] =	vst.idx.add.f32.msk $0xffff, v44;
	v37 =	vnsel vm6, $0x0, v36;
	v44 =	vmul.f32 v31, v43;
	vm5 =	vgt.f32 v27, $0.0e+00;
	s13 =	sadd.s32 $0x80, s13  }
0x115: {  	v48 =	vsel vm2, $0x0, v45;
	v38 =	vld [tilespmem:s6+$0xFFFFFFF0];
	p2 =	slt.u32 s17, $0x1F8;
	[tilespmem:s12+$0xFFFFFFE0] =	vst v37;
	v49 =	vmul.f32 v34, v34;
	vm2 =	vgt.f32 v47, $0.0e+00  }
0x116: {  	v42 =	vnsel vm1, $0x0, v42;
	vm1 =	vgt.f32 v43, $0.0e+00;
	vm5 =	vmand vm5, vm0;
	v34 =	vld [tilespmem:s6+$0x0]  }
0x117: {  	vm6 =	vgt.f32 v28, $0.0e+00;
	vm1 =	vmneg vm1;
	v45 =	vld [tilespmem:s5+$0xFFFFFFF0];
	[tilespmem:s12+$0xFFFFFFC0] =	vst v42;
	v43 =	vnsel vm5, $0x0, v49  }
0x118: {  	v44 =	vsel vm1, $0x0, v44;
	vm1 =	vmand vm6, vm1;
	v47 =	vsub.f32 v47, v41;
	v27 =	vld [tilespmem:s5+$0x20];
	[tilespmem:s12+$0x20] =	vst v43  }
0x119: {  	v28 =	vadd.f32 v48, v40;
	v40 =	vnsel vm1, $0x0, v31;
	v48 =	vshra.s32 v43, $0x14;
	v50 =	vld [tilespmem:s2+$0xFFFFFFF0]  }
0x11a: {  	v51 =	vshra.s32 v37, $0x14;
	v52 =	vmul.f32 v49, v25;
	v41 =	vshra.s32 v40, $0x14;
	[tilespmem:s12+$0x10] =	vst v40;
	v25 =	vld [tilespmem:s6+$0x20]  }
0x11b: {  	v36 =	vadd.f32 v36, v39;
	v35 =	vadd.f32 v35, v28;
	v28 =	vand.u32 $0xFFFFFFF0, v41;
	v53 =	vld [tilespmem:s2+$0xFFFFFFE0]  }
0x11c: {  	v39 =	vand.u32 $0xFFFFFFF0, v51;
	vm1 =	vgt.f32 v33, $0.0e+00;
	v51 =	vadd.s32 v18, v28;
	v41 =	vld [tilespmem:s5+$0x0]  }
0x11d: {  	v29 =	vadd.f32 v29, v36;
	v36 =	vadd.s32 v20, v46;
	v28 =	vshra.s32 v42, $0x14;
	v54 =	vld [tilespmem:s2+$0x0]  }
0x11e: {  	v39 =	vadd.s32 v19, v39;
	v48 =	vand.u32 $0xFFFFFFF0, v48;
	v46 =	vld [tilespmem:s6+$0xFFFFFFD0]  }
0x11f: {  	v29 =	vadd.f32 v30, v29;
	v48 =	vadd.s32 v19, v48;
	v28 =	vand.u32 $0xFFFFFFF0, v28;
	v55 =	vld [tilespmem:s2+$0xFFFFFFD0]  }
0x120: {  	vm4 =	vmneg vm4;
	v57 =	vor.u32 v0, v28;
	v56 =	vld [tilespmem:s5+$0xFFFFFFD0]  }
0x121: {  	vm3 =	vmand vm3, vm4;
	v29 =	vadd.f32 v31, v29;
	v58 =	vld [tilespmem:s6+$0xFFFFFFC0]  }
0x122: {  	v30 =	vnsel vm3, $0x0, v30;
	vm1 =	vmneg vm1;
	v31 =	vld [tilespmem:s5+$0xFFFFFFC0]  }
0x123: {  	v59 =	vshra.s32 v30, $0x14;
	vm3 =	vmand vm2, vm1;
	v29 =	vadd.f32 v49, v29;
	v28 =	vld [tilespmem:s5+$0x10];
	[tilespmem:s12+$0x0] =	vst v30  }
0x124: {  	v32 =	vsel vm4, $0x0, v32;
	v47 =	vmul.f32 v47, v47;
	v59 =	vand.u32 $0xFFFFFFF0, v59;
	v49 =	vld [tilespmem:s2+$0x10]  }
0x125: {  	v32 =	vadd.f32 v32, v35;
	v35 =	vor.u32 v0, v59;
	vm2 =	vgt.f32 v56, $0.0e+00;
	v60 =	vld [tilespmem:s6+$0xFFFFFFE0]  }
0x126: {  	v59 =	vadd.f32 v47, v29;
	v29 =	vmul.f32 v47, v33;
	v33 =	vnsel vm3, $0x0, v47;
	[tilespmem:v57+s22+$0x0] =	vst.idx.add.f32.msk $0xffff, v17  }
0x127: {  	v32 =	vadd.f32 v44, v32;
	v44 =	vsel vm0, $0x0, v52;
	v47 =	vshra.s32 v33, $0x14;
	[tilespmem:v51+s22+$0x0] =	vst.idx.add.f32.msk $0xffff, v17  }
0x128: {  	v47 =	vand.u32 $0xFFFFFFF0, v47;
	vm0 =	vgt.f32 v58, $0.0e+00;
	vm4 =	vgt.f32 v31, $0.0e+00;
	[tilespmem:v39+s22+$0x0] =	vst.idx.add.f32.msk $0xffff, v17  }
0x129: {  	v32 =	vadd.f32 v44, v32;
	v47 =	vadd.s32 v20, v47;
	v55 =	vsub.f32 v56, v55;
	v52 =	vld [tilespmem:s2+$0xFFFFFFC0];
	[tilespmem:s12+$0x30] =	vst v33;
	s12 =	smov.u32 s13  }
0x12a: {  	v29 =	vsel vm1, $0x0, v29;
	vm3 =	vmneg vm0;
	vm0 =	vgt.f32 v46, $0.0e+00;
	v56 =	vld [tilespmem:s5+$0xFFFFFFE0]  }
0x12b: {  	v32 =	vadd.f32 v29, v32;
	v55 =	vmul.f32 v55, v55;
	vm1 =	vmand vm4, vm3;
	[tilespmem:v51+s23+$0x0] =	vst.idx.add.f32.msk $0xffff, v40  }
0x12c: {  	vm4 =	vmneg vm0;
	[tilespmem:v57+s23+$0x0] =	vst.idx.add.f32.msk $0xffff, v42  }
0x12d: {  	vm0 =	vgt.f32 v25, $0.0e+00;
	v29 =	vmul.f32 v55, v46;
	vm2 =	vmand vm2, vm4;
	[tilespmem:v36+s22+$0x0] =	vst.idx.add.f32.msk $0xffff, v17  }
0x12e: {  	v31 =	vsub.f32 v31, v52;
	[tilespmem:v35+s22+$0x0] =	vst.idx.add.f32.msk $0xffff, v17  }
0x12f: {  	v44 =	vnsel vm2, $0x0, v55;
	v40 =	vsel vm4, $0x0, v29;
	v29 =	vsub.f32 v45, v50;
	[tilespmem:v47+s22+$0x0] =	vst.idx.add.f32.msk $0xffff, v17  }
0x130: {  	vm4 =	vgt.f32 v56, $0.0e+00;
	v42 =	vmul.f32 v31, v31;
	v31 =	vsub.f32 v28, v49;
	[tilespmem:v35+s23+$0x0] =	vst.idx.add.f32.msk $0xffff, v30  }
0x131: {  	vm2 =	vgt.f32 v60, $0.0e+00;
	v29 =	vmul.f32 v29, v29;
	v30 =	vsub.f32 v41, v54;
	[tilespmem:v36+s23+$0x0] =	vst.idx.add.f32.msk $0xffff, v26  }
0x132: {  	vm5 =	vgt.f32 v45, $0.0e+00;
	v35 =	vshra.s32 v44, $0x14;
	v26 =	vmul.f32 v42, v58;
	[tilespmem:v48+s22+$0x0] =	vst.idx.add.f32.msk $0xffff, v17  }
0x133: {  	vm2 =	vmneg vm2;
	v45 =	vmul.f32 v29, v38;
	v35 =	vand.u32 $0xFFFFFFF0, v35;
	[tilespmem:v39+s23+$0x0] =	vst.idx.add.f32.msk $0xffff, v37  }
0x134: {  	v36 =	vsub.f32 v56, v53;
	v26 =	vsel vm3, $0x0, v26;
	vm3 =	vgt.f32 v38, $0.0e+00;
	[tilespmem:v48+s23+$0x0] =	vst.idx.add.f32.msk $0xffff, v43  }
0x135: {  	v37 =	vadd.s32 v18, v35;
	v26 =	vadd.f32 v26, v32;
	vm3 =	vmneg vm3;
	[tilespmem:v47+s23+$0x0] =	vst.idx.add.f32.msk $0xffff, v33  }
0x136: {  	v36 =	vmul.f32 v36, v36;
	v32 =	vadd.f32 v42, v59;
	[tilespmem:s13+$0xFFFFFFD0] =	vst v44;
	v35 =	vsel vm3, $0x0, v45;
	v33 =	vld [tilespmem:s2+$0x20]  }
.Ltmp2:
0x137: {  	v30 =	vmul.f32 v30, v30;
	vm3 =	vmand vm5, vm3;
	v40 =	vadd.f32 v40, v26;
	v43 =	vld [tilespmem:s6+$0x10];
	(pc) =	sbr.rel @p2 .LBB2_8-.Ltmp2, $4  }
0x138: {  	v31 =	vmul.f32 v31, v31;
	v39 =	vadd.f32 v55, v32;
	v26 =	vnsel vm3, $0x0, v29;
	v47 =	vld [tilespmem:s5+$0x30]  }
0x139: {  	v45 =	vmul.f32 v36, v60;
	v32 =	vmul.f32 v30, v34;
	vm3 =	vgt.f32 v41, $0.0e+00;
	[tilespmem:s13+$0xFFFFFFF0] =	vst v26;
	v41 =	vld [tilespmem:s2+$0x30]  }
0x13a: {  	vm6 =	vmand vm4, vm2;
	vm4 =	vgt.f32 v34, $0.0e+00;
	v38 =	vshra.s32 v26, $0x14;
	[tilespmem:v37+s22+$0x0] =	vst.idx.add.f32.msk $0xffff, v17  }
0x13b: {  	vm0 =	vmneg vm0;
	s5 =	sadd.s32 $0x80, s5;
	v46 =	vand.u32 $0xFFFFFFF0, v38;
	s2 =	sadd.s32 $0x80, s2;
	v34 =	vsub.f32 v27, v33;
	v33 =	vld [tilespmem:s6+$0x30];
	s6 =	sadd.s32 $0x80, s6  }
0x13c: {  	_ = 	snop  }
0x13d: {  	vm5 =	vgt.f32 v43, $0.0e+00;
	vm7 =	vgt.f32 v28, $0.0e+00  }
0x13e: {  	v42 =	vnsel vm1, $0x0, v42;
	v54 =	vnsel vm6, $0x0, v36;
	vm10 =	vgt.f32 v27, $0.0e+00  }
0x13f: {  	vm4 =	vmneg vm4;
	v46 =	vadd.s32 v20, v46;
	vm5 =	vmneg vm5  }
0x140: {  	[tilespmem:v37+s23+$0x0] =	vst.idx.add.f32.msk $0xffff, v44;
	v48 =	vshra.s32 v42, $0x14;
	v34 =	vmul.f32 v34, v34;
	vm7 =	vmand vm7, vm5  }
0x141: {  	vm12 =	vmand vm3, vm4;
	[tilespmem:s12+$0xFFFFFFE0] =	vst v54;
	v27 =	vand.u32 $0xFFFFFFF0, v48;
	v28 =	vnsel vm7, $0x0, v31  }
0x142: {  	[tilespmem:s12+$0xFFFFFFC0] =	vst v42;
	v56 =	vnsel vm12, $0x0, v30;
	v27 =	vor.u32 v0, v27;
	v38 =	vshra.s32 v28, $0x14  }
0x143: {  	vm14 =	vmand vm10, vm0;
	v41 =	vsub.f32 v47, v41;
	[tilespmem:s12+$0x0] =	vst v56;
	v38 =	vand.u32 $0xFFFFFFF0, v38  }
0x144: {  	v58 =	vnsel vm14, $0x0, v34;
	[tilespmem:s12+$0x10] =	vst v28;
	vm13 =	vgt.f32 v33, $0.0e+00;
	v38 =	vadd.s32 v18, v38  }
0x145: {  	vm11 =	vgt.f32 v47, $0.0e+00;
	v57 =	vmul.f32 v41, v41;
	[tilespmem:s12+$0x20] =	vst v58;
	vm1 =	vmneg vm13  }
0x146: {  	v59 =	vshra.s32 v56, $0x14;
	[tilespmem:v46+s22+$0x0] =	vst.idx.add.f32.msk $0xffff, v17;
	vm15 =	vmand vm11, vm1  }
0x147: {  	v44 =	vand.u32 $0xFFFFFFF0, v59;
	v60 =	vnsel vm15, $0x0, v57;
	[tilespmem:v27+s22+$0x0] =	vst.idx.add.f32.msk $0xffff, v17  }
0x148: {  	v61 =	vor.u32 v0, v44;
	[tilespmem:v27+s23+$0x0] =	vst.idx.add.f32.msk $0xffff, v42;
	v27 =	vshra.s32 v60, $0x14  }
0x149: {  	v45 =	vsel vm2, $0x0, v45;
	v55 =	vshra.s32 v54, $0x14;
	v27 =	vand.u32 $0xFFFFFFF0, v27;
	[tilespmem:v38+s22+$0x0] =	vst.idx.add.f32.msk $0xffff, v17  }
0x14a: {  	v63 =	vadd.f32 v36, v39;
	v27 =	vadd.s32 v20, v27;
	[tilespmem:v38+s23+$0x0] =	vst.idx.add.f32.msk $0xffff, v28;
	v28 =	vand.u32 $0xFFFFFFF0, v55  }
0x14b: {  	v40 =	vadd.f32 v45, v40;
	[tilespmem:v46+s23+$0x0] =	vst.idx.add.f32.msk $0xffff, v26;
	v28 =	vadd.s32 v19, v28  }
0x14c: {  	v62 =	vshra.s32 v58, $0x14;
	[tilespmem:s12+$0x30] =	vst v60  }
0x14d: {  	v29 =	vadd.f32 v29, v63;
	v35 =	vadd.f32 v35, v40;
	v44 =	vand.u32 $0xFFFFFFF0, v62;
	[tilespmem:v61+s22+$0x0] =	vst.idx.add.f32.msk $0xffff, v17  }
0x14e: {  	v32 =	vsel vm4, $0x0, v32;
	v44 =	vadd.s32 v19, v44;
	v26 =	vmul.f32 v31, v43;
	[tilespmem:v61+s23+$0x0] =	vst.idx.add.f32.msk $0xffff, v56  }
0x14f: {  	s10 =	sadd.s32 $0x1, s10;
	v29 =	vadd.f32 v30, v29;
	v30 =	vadd.f32 v32, v35;
	[tilespmem:v27+s22+$0x0] =	vst.idx.add.f32.msk $0xffff, v17  }
0x150: {  	p0 =	sne.s32 s10, $0x8;
	v25 =	vmul.f32 v34, v25;
	v26 =	vsel vm5, $0x0, v26;
	[tilespmem:v28+s22+$0x0] =	vst.idx.add.f32.msk $0xffff, v17  }
.Ltmp3:
0x151: {  	v26 =	vadd.f32 v26, v30;
	[tilespmem:v28+s23+$0x0] =	vst.idx.add.f32.msk $0xffff, v54;
	v28 =	vadd.f32 v31, v29;
	(pc) =	sbr.rel @p0 .LBB2_5-.Ltmp3, $4  }
0x152: {  	v25 =	vsel vm0, $0x0, v25;
	[tilespmem:v27+s23+$0x0] =	vst.idx.add.f32.msk $0xffff, v60;
	v27 =	vmul.f32 v57, v33  }
0x153: {  	[tilespmem:v44+s22+$0x0] =	vst.idx.add.f32.msk $0xffff, v17;
	v25 =	vadd.f32 v25, v26;
	v28 =	vadd.f32 v34, v28  }
0x154: {  	s2 =	sadd.s32 s9, s14;
	[tilespmem:v44+s23+$0x0] =	vst.idx.add.f32.msk $0xffff, v58;
	v26 =	vsel vm1, $0x0, v27  }
0x155: {  	[hbm4b:s2+s7] =	stream.linear.scatter [tilespmem:s30], [sflag:$0x4], $0x2000, $0x200038;
	v30 =	vadd.f32 v26, v25;
	v27 =	vadd.f32 v57, v28;
	[tilespmem:$0x1A320] =	vst v63  }
0x156: {  	s0 =	simm.s32 $0x3  }
0x157: {  	_ =	swait.ge [sflag:s0], $0x2000  }
0x158: {  	[sflag:s0] =	ssyncset.done $0x0  }
0x159: {  	s2 =	simm.s32 $0x4;
	[sflag:s0] =	ssyncadd.s32 $0xFFFFE000  }
0x15a: {  	_ =	swait.ge [sflag:s2], $0x2000  }
0x15b: {  	[sflag:s2] =	ssyncset.done $0x0  }
0x15c: {  	[sflag:s2] =	ssyncadd.s32 $0xFFFFE000  }
0x15d: {  	[tilespmem:$0x10800] =	vst v30  }
0x15e: {  	s30 =	sadd.s32 s9, s4;
	[tilespmem:$0x10810] =	vst v27  }
0x15f: {  	_ =	strace $0x90000049;
	[dreg:$0x10] =	wrdreg s30  }
0x160: {  	[tilespmem:s7], [sflag:$0x1] =	stream.linear.gather [hbm4b:s30+s7], $0x2000, $0x38;
	[tilespmem:$0x1A320] =	vst v63  }
0x161: {  	s31 =	simm.s32 $0x10000;
	_ =	strace $0x8000004A  }
0x162: {  	v25 =	vld [tilespmem:s31+$0x70]  }
0x163: {  	v26 =	vld [tilespmem:s31+$0x1070]  }
0x164: {  	v27 =	vld [tilespmem:s31+$0x2070]  }
0x165: {  	v28 =	vld [tilespmem:s31+$0x3070]  }
0x166: {  	v29 =	vld [tilespmem:s31+$0x1000]  }
0x167: {  	v30 =	vld [tilespmem:s31+$0x2000]  }
0x168: {  	v31 =	vld [tilespmem:s31+$0x3000]  }
0x169: {  	v32 =	vld [tilespmem:s31+$0x10]  }
0x16a: {  	v33 =	vld [tilespmem:s31+$0x1010]  }
0x16b: {  	v34 =	vld [tilespmem:s31+$0x1020]  }
0x16c: {  	v38 =	vld [tilespmem:s31+$0x2020]  }
0x16d: {  	v39 =	vld [tilespmem:s31+$0x3020]  }
0x16e: {  	v40 =	vld [tilespmem:s31+$0x30]  }
0x16f: {  	v41 =	vld [tilespmem:s31+$0x1030]  }
0x170: {  	v42 =	vld [tilespmem:s31+$0x2030]  }
0x171: {  	v43 =	vld [tilespmem:s31+$0x3030]  }
0x172: {  	v44 =	vld [tilespmem:s31+$0x40]  }
0x173: {  	v45 =	vld [tilespmem:s31+$0x1040]  }
0x174: {  	v46 =	vld [tilespmem:s31+$0x2040]  }
0x175: {  	v47 =	vld [tilespmem:s31+$0x3040]  }
0x176: {  	v48 =	vld [tilespmem:s31+$0x50]  }
0x177: {  	v49 =	vld [tilespmem:s31+$0x1050]  }
0x178: {  	v50 =	vld [tilespmem:s31+$0x2050]  }
0x179: {  	v51 =	vld [tilespmem:s31+$0x3050]  }
0x17a: {  	v52 =	vld [tilespmem:s31+$0x3060]  }
0x17b: {  	v55 =	vld [tilespmem:s31+$0x0];
	v25 =	vadd.f32 v26, v25;
	v26 =	vadd.f32 v28, v27  }
0x17c: {  	v27 =	vld [tilespmem:s31+$0x2010]  }
0x17d: {  	v28 =	vld [tilespmem:s31+$0x3010];
	v25 =	vadd.f32 v26, v25  }
0x17e: {  	v32 =	vadd.f32 v33, v32;
	v33 =	vld [tilespmem:s31+$0x1060]  }
0x17f: {  	s10 =	simm.s32 $0x14000;
	v26 =	vld [tilespmem:s31+$0x20];
	[tilespmem:s31+$0x70] =	vst v25  }
0x180: {  	v30 =	vadd.f32 v31, v30;
	v29 =	vadd.f32 v29, v55;
	v25 =	vld [tilespmem:s10+$0x70]  }
0x181: {  	v35 =	vld [tilespmem:s10+$0x1070]  }
0x182: {  	v29 =	vadd.f32 v30, v29;
	v36 =	vld [tilespmem:s10+$0x2070]  }
0x183: {  	v37 =	vld [tilespmem:s10+$0x3070];
	v27 =	vadd.f32 v28, v27  }
0x184: {  	[tilespmem:s31+$0x0] =	vst v29;
	v28 =	vld [tilespmem:s31+$0x60]  }
0x185: {  	v60 =	vld [tilespmem:s10+$0x1000];
	v27 =	vadd.f32 v27, v32  }
0x186: {  	v58 =	vadd.f32 v45, v44;
	v45 =	vld [tilespmem:s10+$0x2000]  }
0x187: {  	v32 =	vld [tilespmem:s31+$0x2060];
	[tilespmem:s31+$0x10] =	vst v27  }
0x188: {  	v26 =	vadd.f32 v34, v26;
	v27 =	vadd.f32 v39, v38;
	v38 =	vld [tilespmem:s10+$0x10]  }
0x189: {  	v56 =	vld [tilespmem:s10+$0x2010]  }
0x18a: {  	v57 =	vld [tilespmem:s10+$0x3010];
	v26 =	vadd.f32 v27, v26  }
0x18b: {  	v27 =	vld [tilespmem:s10+$0x1010]  }
0x18c: {  	v59 =	vadd.f32 v47, v46;
	[tilespmem:s31+$0x20] =	vst v26;
	v26 =	vadd.f32 v43, v42;
	v43 =	vld [tilespmem:s10+$0x3000]  }
0x18d: {  	v31 =	vld [tilespmem:s10+$0x20]  }
0x18e: {  	v40 =	vadd.f32 v41, v40;
	v42 =	vadd.f32 v59, v58;
	v34 =	vld [tilespmem:s10+$0x1020]  }
0x18f: {  	v30 =	vld [tilespmem:s10+$0x2020]  }
0x190: {  	v26 =	vadd.f32 v26, v40;
	v40 =	vld [tilespmem:s10+$0x0];
	[tilespmem:s31+$0x40] =	vst v42  }
0x191: {  	v55 =	vld [tilespmem:s10+$0x40]  }
0x192: {  	v56 =	vadd.f32 v57, v56;
	v57 =	vld [tilespmem:s10+$0x1040]  }
0x193: {  	v61 =	vadd.f32 v49, v48;
	v62 =	vadd.f32 v51, v50;
	v58 =	vld [tilespmem:s10+$0x2040]  }
0x194: {  	[tilespmem:s31+$0x30] =	vst v26;
	v26 =	vld [tilespmem:s10+$0x3020]  }
0x195: {  	v53 =	vadd.f32 v62, v61;
	v25 =	vadd.f32 v35, v25;
	v29 =	vld [tilespmem:s10+$0x30]  }
0x196: {  	v36 =	vadd.f32 v37, v36;
	v28 =	vadd.f32 v33, v28;
	v63 =	vld [tilespmem:s10+$0x1030]  }
0x197: {  	v32 =	vadd.f32 v52, v32;
	v27 =	vadd.f32 v27, v38;
	v51 =	vld [tilespmem:s10+$0x2030]  }
0x198: {  	v25 =	vadd.f32 v36, v25;
	v54 =	vld [tilespmem:s10+$0x3030]  }
0x199: {  	[tilespmem:s31+$0x50] =	vst v53;
	v28 =	vadd.f32 v32, v28;
	v59 =	vld [tilespmem:s10+$0x3040];
	v27 =	vadd.f32 v56, v27  }
0x19a: {  	v62 =	vld [tilespmem:s10+$0x1050];
	v61 =	vadd.f32 v43, v45;
	v31 =	vadd.f32 v34, v31  }
0x19b: {  	[tilespmem:s10+$0x70] =	vst v25;
	v25 =	vld [tilespmem:s10+$0x2050];
	v60 =	vadd.f32 v60, v40;
	v26 =	vadd.f32 v26, v30  }
0x19c: {  	v33 =	vadd.f32 v57, v55;
	v30 =	vld [tilespmem:s10+$0x50];
	v29 =	vadd.f32 v63, v29  }
0x19d: {  	[tilespmem:s31+$0x60] =	vst v28;
	v35 =	vadd.f32 v54, v51;
	v28 =	vadd.f32 v26, v31;
	v26 =	vld [tilespmem:s10+$0x3050]  }
0x19e: {  	[tilespmem:s10+$0x10] =	vst v27;
	v27 =	vld [tilespmem:s10+$0x60];
	v32 =	vadd.f32 v59, v58;
	v31 =	vadd.f32 v61, v60  }
0x19f: {  	v63 =	vadd.f32 v35, v29;
	v29 =	vld [tilespmem:s10+$0x1060];
	[tilespmem:s10+$0x20] =	vst v28  }
0x1a0: {  	v32 =	vadd.f32 v32, v33;
	[tilespmem:s10+$0x0] =	vst v31;
	v28 =	vld [tilespmem:s10+$0x2060]  }
0x1a1: {  	s5 =	simm.s32 $0x10080;
	s2 =	simm.s32 $0x0;
	[tilespmem:s10+$0x30] =	vst v63;
	v31 =	vadd.f32 v62, v30;
	v30 =	vld [tilespmem:s10+$0x3060]  }
.LBB2_11:
0x1a2: {  	v33 =	vld [tilespmem:s5+$0x70];
	[tilespmem:s10+$0x40] =	vst v32;
	v25 =	vadd.f32 v26, v25  }
0x1a3: {  	v26 =	vld [tilespmem:s5+$0x1070]  }
0x1a4: {  	v32 =	vld [tilespmem:s5+$0x2070];
	v25 =	vadd.f32 v25, v31;
	v27 =	vadd.f32 v29, v27  }
0x1a5: {  	v29 =	vld [tilespmem:s5+$0x3070]  }
0x1a6: {  	v31 =	vld [tilespmem:s5+$0x1000];
	[tilespmem:s10+$0x50] =	vst v25;
	v25 =	vadd.f32 v30, v28  }
0x1a7: {  	v28 =	vld [tilespmem:s5+$0x2000]  }
0x1a8: {  	s2 =	sadd.s32 $0x8, s2;
	v30 =	vld [tilespmem:s5+$0x3000];
	v25 =	vadd.f32 v25, v27  }
0x1a9: {  	p2 =	slt.u32 s2, $0xF8;
	v27 =	vld [tilespmem:s5+$0x10]  }
0x1aa: {  	v26 =	vadd.f32 v26, v33;
	v34 =	vld [tilespmem:s5+$0x1010];
	v29 =	vadd.f32 v29, v32;
	[tilespmem:s10+$0x60] =	vst v25  }
0x1ab: {  	v25 =	vld [tilespmem:s5+$0x2010]  }
0x1ac: {  	v32 =	vld [tilespmem:s5+$0x3010];
	v26 =	vadd.f32 v29, v26  }
0x1ad: {  	v28 =	vadd.f32 v30, v28;
	v29 =	vld [tilespmem:s5+$0x20]  }
0x1ae: {  	s10 =	sadd.s32 $0x80, s10;
	v30 =	vld [tilespmem:s5+$0x1020];
	[tilespmem:s5+$0x70] =	vst v26  }
0x1af: {  	v26 =	vadd.f32 v34, v27;
	v27 =	vld [tilespmem:s10+$0x70]  }
0x1b0: {  	v33 =	vld [tilespmem:s10+$0x1070]  }
0x1b1: {  	v25 =	vadd.f32 v32, v25;
	v32 =	vld [tilespmem:s10+$0x2070]  }
0x1b2: {  	v34 =	vld [tilespmem:s10+$0x3070]  }
0x1b3: {  	v25 =	vadd.f32 v25, v26;
	v26 =	vadd.f32 v30, v29;
	v29 =	vld [tilespmem:s5+$0x2020]  }
0x1b4: {  	v30 =	vld [tilespmem:s5+$0x3020]  }
0x1b5: {  	[tilespmem:s5+$0x10] =	vst v25;
	v25 =	vld [tilespmem:s5+$0x30]  }
0x1b6: {  	v35 =	vld [tilespmem:s5+$0x1030]  }
0x1b7: {  	v27 =	vadd.f32 v33, v27;
	v36 =	vld [tilespmem:s5+$0x2030];
	v32 =	vadd.f32 v34, v32  }
0x1b8: {  	v33 =	vld [tilespmem:s5+$0x3030]  }
0x1b9: {  	v29 =	vadd.f32 v30, v29;
	v30 =	vld [tilespmem:s5+$0x40];
	v27 =	vadd.f32 v32, v27  }
0x1ba: {  	v32 =	vld [tilespmem:s5+$0x1040]  }
0x1bb: {  	v26 =	vadd.f32 v29, v26;
	v25 =	vadd.f32 v35, v25;
	v29 =	vld [tilespmem:s5+$0x2040];
	[tilespmem:s10+$0x70] =	vst v27  }
0x1bc: {  	v27 =	vld [tilespmem:s5+$0x3040]  }
0x1bd: {  	[tilespmem:s5+$0x20] =	vst v26;
	v26 =	vadd.f32 v33, v36;
	v33 =	vld [tilespmem:s5+$0x50]  }
0x1be: {  	v34 =	vld [tilespmem:s5+$0x1050]  }
0x1bf: {  	v25 =	vadd.f32 v26, v25;
	v26 =	vadd.f32 v32, v30;
	v30 =	vld [tilespmem:s5+$0x2050]  }
0x1c0: {  	v32 =	vld [tilespmem:s5+$0x3050]  }
0x1c1: {  	[tilespmem:s5+$0x30] =	vst v25;
	v25 =	vadd.f32 v27, v29;
	v27 =	vld [tilespmem:s5+$0x60]  }
0x1c2: {  	v29 =	vld [tilespmem:s5+$0x1060]  }
0x1c3: {  	v25 =	vadd.f32 v25, v26;
	v26 =	vadd.f32 v34, v33;
	v33 =	vld [tilespmem:s5+$0x2060]  }
0x1c4: {  	v34 =	vld [tilespmem:s5+$0x3060]  }
0x1c5: {  	v35 =	vld [tilespmem:s5+$0x0];
	[tilespmem:s5+$0x40] =	vst v25;
	v25 =	vadd.f32 v32, v30  }
0x1c6: {  	v30 =	vld [tilespmem:s10+$0x10]  }
0x1c7: {  	v32 =	vld [tilespmem:s10+$0x1010];
	v25 =	vadd.f32 v25, v26;
	v26 =	vadd.f32 v29, v27  }
0x1c8: {  	v27 =	vld [tilespmem:s10+$0x2010]  }
0x1c9: {  	v29 =	vld [tilespmem:s10+$0x3010];
	[tilespmem:s5+$0x50] =	vst v25;
	v25 =	vadd.f32 v34, v33  }
0x1ca: {  	v31 =	vadd.f32 v31, v35;
	v33 =	vld [tilespmem:s10+$0x20]  }
0x1cb: {  	v34 =	vld [tilespmem:s10+$0x1020];
	v25 =	vadd.f32 v25, v26  }
0x1cc: {  	v26 =	vadd.f32 v28, v31;
	v28 =	vadd.f32 v32, v30;
	v30 =	vld [tilespmem:s10+$0x2020]  }
0x1cd: {  	v31 =	vld [tilespmem:s10+$0x3020];
	[tilespmem:s5+$0x60] =	vst v25  }
0x1ce: {  	[tilespmem:s5+$0x0] =	vst v26;
	v25 =	vadd.f32 v29, v27;
	v26 =	vld [tilespmem:s10+$0x30]  }
0x1cf: {  	v27 =	vld [tilespmem:s10+$0x0]  }
0x1d0: {  	v29 =	vld [tilespmem:s10+$0x1000];
	v25 =	vadd.f32 v25, v28;
	v28 =	vadd.f32 v34, v33  }
0x1d1: {  	v32 =	vld [tilespmem:s10+$0x2000]  }
0x1d2: {  	v33 =	vld [tilespmem:s10+$0x3000];
	[tilespmem:s10+$0x10] =	vst v25;
	v25 =	vadd.f32 v31, v30  }
0x1d3: {  	v30 =	vld [tilespmem:s10+$0x1030]  }
0x1d4: {  	v25 =	vadd.f32 v25, v28;
	v28 =	vld [tilespmem:s10+$0x2030]  }
0x1d5: {  	v27 =	vadd.f32 v29, v27;
	v29 =	vld [tilespmem:s10+$0x3030]  }
0x1d6: {  	[tilespmem:s10+$0x20] =	vst v25;
	v25 =	vld [tilespmem:s10+$0x40]  }
0x1d7: {  	v31 =	vadd.f32 v33, v32;
	v32 =	vld [tilespmem:s10+$0x1040]  }
0x1d8: {  	v26 =	vadd.f32 v30, v26;
	v30 =	vld [tilespmem:s10+$0x2040]  }
0x1d9: {  	v27 =	vadd.f32 v31, v27;
	v31 =	vld [tilespmem:s10+$0x3040]  }
0x1da: {  	v28 =	vadd.f32 v29, v28;
	v33 =	vld [tilespmem:s10+$0x50]  }
0x1db: {  	[tilespmem:s10+$0x0] =	vst v27;
	v34 =	vld [tilespmem:s10+$0x1050]  }
0x1dc: {  	v27 =	vadd.f32 v28, v26;
	v28 =	vadd.f32 v32, v25;
	v25 =	vld [tilespmem:s10+$0x2050]  }
.Ltmp4:
0x1dd: {  	v26 =	vld [tilespmem:s10+$0x3050];
	(pc) =	sbr.rel @p2 .LBB2_11-.Ltmp4, $4  }
0x1de: {  	[tilespmem:s10+$0x30] =	vst v27;
	v30 =	vadd.f32 v31, v30;
	v27 =	vld [tilespmem:s10+$0x60]  }
0x1df: {  	v29 =	vld [tilespmem:s10+$0x1060]  }
0x1e0: {  	v32 =	vadd.f32 v30, v28;
	v31 =	vadd.f32 v34, v33;
	v28 =	vld [tilespmem:s10+$0x2060]  }
0x1e1: {  	s5 =	sadd.s32 $0x80, s5;
	v30 =	vld [tilespmem:s10+$0x3060]  }
0x1e2: {  	_ =	sdelay $0x2  }
0x1e3: {  	v25 =	vadd.f32 v26, v25  }
0x1e4: {  	v26 =	vadd.f32 v29, v27;
	v27 =	vadd.f32 v30, v28  }
0x1e5: {  	v25 =	vadd.f32 v25, v31  }
0x1e6: {  	[tilespmem:s10+$0x40] =	vst v32;
	v26 =	vadd.f32 v27, v26  }
0x1e7: {  	[tilespmem:s10+$0x50] =	vst v25  }
0x1e8: {  	s2 =	simm.s32 $0x80;
	s4 =	simm.s32 $0x1A020;
	s0 =	simm.s32 $0x5;
	[tilespmem:s10+$0x60] =	vst v26  }
0x1e9: {  	[spmem:s20] =	stream.indirect.scatter.add.f32 [tilespmem:s22], [sflag:$0x5], $0x10, s4, s2, $0x2000b8;
	[tilespmem:$0x1A320] =	vst v63  }
0x1ea: {  	_ =	swait.ge [sflag:s0], $0x800  }
0x1eb: {  	[sflag:s0] =	ssyncset.done $0x0  }
0x1ec: {  	s5 =	simm.s32 $0x1A0A0;
	s6 =	simm.s32 $0x10800;
	[sflag:s0] =	ssyncadd.s32 $0xFFFFF800  }
0x1ed: {  	[spmem:s20] =	stream.indirect.scatter.add.f32 [tilespmem:s6], [sflag:$0x5], $0x10, s5, s2, $0x2000b8;
	[tilespmem:$0x1A320] =	vst v63  }
0x1ee: {  	_ =	swait.ge [sflag:s0], $0x800  }
0x1ef: {  	[sflag:s0] =	ssyncset.done $0x0  }
0x1f0: {  	[sflag:s0] =	ssyncadd.s32 $0xFFFFF800  }
0x1f1: {  	[spmem:s21] =	stream.indirect.scatter.add.f32 [tilespmem:s23], [sflag:$0x5], $0x10, s4, s2, $0x2000b8;
	[tilespmem:$0x1A320] =	vst v63  }
0x1f2: {  	_ =	swait.ge [sflag:s0], $0x800  }
0x1f3: {  	[sflag:s0] =	ssyncset.done $0x0  }
0x1f4: {  	s12 =	simm.s32 $0x14800;
	[sflag:s0] =	ssyncadd.s32 $0xFFFFF800  }
0x1f5: {  	[spmem:s21] =	stream.indirect.scatter.add.f32 [tilespmem:s12], [sflag:$0x5], $0x10, s5, s2, $0x2000b8;
	[tilespmem:$0x1A320] =	vst v63  }
0x1f6: {  	_ =	swait.ge [sflag:s0], $0x800  }
0x1f7: {  	[sflag:s0] =	ssyncset.done $0x0  }
0x1f8: {  	[sflag:s0] =	ssyncadd.s32 $0xFFFFF800  }
0x1f9: {  	s13 =	simm.s32 $0x18000;
	[bflag:$0x0] =	sbarrier.arrive $0xFFFF  }
0x1fa: {  	[tilespmem:s13], [sflag:$0x5] =	stream.linear.gather [spmem:s20], $0x1000, $0x200038;
	[tilespmem:$0x1A320] =	vst v63  }
0x1fb: {  	_ =	swait.ge [sflag:s0], $0x1000  }
0x1fc: {  	[sflag:s0] =	ssyncset.done $0x0  }
0x1fd: {  	s14 =	simm.s32 $0x19000;
	[sflag:s0] =	ssyncadd.s32 $0xFFFFF000  }
0x1fe: {  	[tilespmem:s14], [sflag:$0x5] =	stream.linear.gather [spmem:s21], $0x1000, $0x200038;
	[tilespmem:$0x1A320] =	vst v63  }
0x1ff: {  	_ =	swait.ge [sflag:s0], $0x1000  }
0x200: {  	[sflag:s0] =	ssyncset.done $0x0  }
0x201: {  	[sflag:s0] =	ssyncadd.s32 $0xFFFFF000  }
0x202: {  	_ =	strace $0x9000004A  }
0x203: {  	s15 =	simm.s32 $0x187F0;
	_ =	strace $0x8000004B  }
0x204: {  	v25 =	vld [tilespmem:s15+$0x0];
	_ =	sdelay $0x4  }
0x205: {  	(xrf2) =	vadd.scan.msk.f32 $0xffff, v25;
	_ =	sdelay $0x3  }
0x206: {  	s17 =	simm.s32 $0x197F0  }
0x207: {  	v25 =	vld [tilespmem:s17+$0x0];
	_ =	sdelay $0x2  }
0x208: {  	s20 =	simm.s32 $0x187E0  }
0x209: {  	s21 =	simm.s32 $0x197E0;
	v26 =	vld [tilespmem:s20+$0x0]  }
0x20a: {  	v27 =	vld [tilespmem:s21+$0x0];
	v62, _, _ =	vpop (xrf2);
	(xrf2) =	vadd.scan.msk.f32 $0xffff, v25;
	_ =	sdelay $0x3  }
0x20b: {  	(xrf2) =	vadd.scan.msk.f32 $0xffff, v26  }
0x20c: {  	s24 =	simm.s32 $0x187D0;
	(xrf2) =	vadd.scan.msk.f32 $0xffff, v27  }
0x20d: {  	v63 =	vld [tilespmem:s24+$0x0];
	(v2sf) =	vpush v62, $0xF;
	_ =	sdelay $0x3  }
0x20e: {  	s26 =	simm.s32 $0x197D0;
	v27, _, _ =	vpop (xrf2)  }
0x20f: {  	v25 =	vld [tilespmem:s26+$0x0];
	(xrf2) =	vadd.scan.msk.f32 $0xffff, v63;
	(v2sf) =	vpush v27, $0xF;
	_ =	sdelay $0x2  }
0x210: {  	v27, _, _ =	vpop (xrf2)  }
0x211: {  	s29 =	simm.s32 $0x187C0;
	(v2sf) =	vpush v27, $0xF;
	v27, _, _ =	vpop (xrf2)  }
0x212: {  	p2 =	por $0x0, $0x0;
	v26 =	vld [tilespmem:s29+$0x0];
	(xrf2) =	vadd.scan.msk.f32 $0xffff, v25;
	(v2sf) =	vpush v27, $0xF  }
0x213: {  	s30 =	simm.s32 $0x197C0;
	s31 =	simm.f32 $0.0e+00;
	s28 =	simm.f32 $0.0e+00  }
0x214: {  	p3 =	por !p2, !p2;
	s10 =	simm.s32 $0xFFFFFFFF;
	s6 =	simm.s32 $0x7D  }
0x215: {  	s4 =	simm.s32 $0x187B0;
	s12 =	simm.s32 $0x7E;
	s5 =	simm.s32 $0x7C;
	v25 =	vld [tilespmem:s30+$0x0]  }
0x216: {  	s2 =	simm.s32 $0x7B;
	s13 =	simm.s32 $0x7F;
	s17 =	simm.f32 $0.0e+00  }
0x217: {  	s20 =	simm.s32 $0x7A;
	s14 =	ssub.f32 s8, s17;
	(xrf2) =	vadd.scan.msk.f32 $0xffff, v26;
	v26, _, _ =	vpop (xrf2);
	s21 =	spop (v2sf)  }
.LBB2_13:
0x218: {  	s24 =	smov.u32 s17  }
0x219: {  	p0 =	sne.s32 s20, $0x0;
	s31 =	sadd.f32 s21, s31;
	s21 =	smov.u32 s13  }
0x21a: {  	s13 =	smov.u32 s12;
	s12 =	smov.u32 s6;
	s6 =	smov.u32 s5;
	v27 =	vld [tilespmem:s4+$0x0];
	(xrf2) =	vadd.scan.msk.f32 $0xffff, v25;
	(v2sf) =	vpush v26, $0xF  }
0x21b: {  	s5 =	smov.u32 s2;
	s2 =	smov.u32 s20  }
0x21c: {  	s30 =	sadd.s32 $0xFFFFFFF0, s30;
	p1 =	sge.f32 s31, s8;
	v26, _, _ =	vpop (xrf2);
	s17 =	spop (v2sf)  }
.Ltmp5:
0x21d: {  	v25 =	vld [tilespmem:s30+$0x0];
	(v2sf) =	vpush v26, $0xF;
	s17 =	sadd.f32 s17, s24;
	(pc) =	sbr.rel @p0 .LBB2_13-.Ltmp5, $4  }
0x21e: {  	s26 =	ssub.f32 s8, s31;
	p4 =	por !p1, !p3;
	p2 =	por p2, p1  }
0x21f: {  	p3 =	por !p2, !p2;
	p1 =	por !p4, !p4;
	(xrf2) =	vadd.scan.msk.f32 $0xffff, v27;
	s17 =	smov.u32 @p2 s24  }
0x220: {  	s10 =	smov.u32 @p1 s21;
	s28 =	smov.u32 @p1 s14;
	s14 =	smov.u32 s26  }
0x221: {  	s20 =	sadd.s32 $0xFFFFFFFF, s20;
	s4 =	sadd.s32 $0xFFFFFFF0, s4;
	v26, _, _ =	vpop (xrf2);
	s21 =	spop (v2sf)  }
0x222: {  	v27 =	vld [tilespmem:s4+$0x0];
	s24 =	sadd.s32 $0xFFFFFFF0, s30  }
0x223: {  	v28 =	vld [tilespmem:s24+$0x0];
	_ =	sdelay $0x2  }
0x224: {  	(xrf2) =	vadd.scan.msk.f32 $0xffff, v25  }
0x225: {  	(xrf2) =	vadd.scan.msk.f32 $0xffff, v27  }
0x226: {  	(xrf2) =	vadd.scan.msk.f32 $0xffff, v28;
	_ =	sdelay $0x5  }
0x227: {  	(v2sf) =	vpush v26, $0xF;
	v25, _, _ =	vpop (xrf2)  }
0x228: {  	(v2sf) =	vpush v25, $0xF;
	v26, _, _ =	vpop (xrf2)  }
0x229: {  	(v2sf) =	vpush v26, $0xF;
	v25, _, _ =	vpop (xrf2)  }
0x22a: {  	(v2sf) =	vpush v25, $0xF;
	v25, _, _ =	vpop (xrf2)  }
0x22b: {  	(v2sf) =	vpush v25, $0xF;
	v25, _, _ =	vpop (xrf2)  }
0x22c: {  	(v2sf) =	vpush v25, $0xF;
	_ =	sdelay $0x6  }
0x22d: {  	s4 =	spop (v2sf)  }
0x22e: {  	s20 =	spop (v2sf)  }
0x22f: {  	s24 =	spop (v2sf)  }
0x230: {  	s26 =	spop (v2sf)  }
0x231: {  	s15 =	spop (v2sf)  }
0x232: {  	s21 =	sadd.f32 s21, s31;
	s29 =	spop (v2sf)  }
0x233: {  	s31 =	spop (v2sf)  }
0x234: {  	p0 =	sge.f32 s21, s8;
	s0 =	spop (v2sf)  }
0x235: {  	s4 =	sadd.f32 s4, s17;
	s30 =	spop (v2sf)  }
0x236: {  	p1 =	por !p0, !p3;
	p0 =	por p2, p0;
	_ =	strace $0x9000004B  }
0x237: {  	s4 =	smov.u32 @p0 s17;
	s17 =	sadd.f32 s20, s21;
	v25 =	vld [tilespmem:$0x18800]  }
0x238: {  	p1 =	por !p1, !p1;
	p2 =	por !p0, !p0;
	v26 =	vld [tilespmem:$0x18810];
	_ =	strace $0x8000004C  }
0x239: {  	s20 =	simm.s32 $0x10040;
	p6 =	sge.f32 s17, s8;
	[bflag:$0x0] =	sbarrier.arrive $0xFFFF  }
0x23a: {  	s10 =	smov.u32 @p1 s13;
	s28 =	smov.u32 @p1 s14;
	s14 =	sadd.f32 s24, s4;
	[tilespmem:s20+$0xFFFFFFD0] =	vst v16  }
0x23b: {  	s13 =	simm.s32 $0x14040;
	p0 =	por p0, p6;
	s26 =	sadd.f32 s26, s17;
	[tilespmem:s20+$0xFFFFFFE0] =	vst v16  }
0x23c: {  	p4 =	por !p6, !p2;
	s14 =	smov.u32 @p0 s4;
	s4 =	ssub.f32 s8, s21;
	[tilespmem:s20+$0xFFFFFFF0] =	vst v16  }
0x23d: {  	p1 =	por !p4, !p4;
	p3 =	por !p0, !p0;
	p6 =	sge.f32 s26, s8;
	[tilespmem:s20+$0x0] =	vst v16  }
0x23e: {  	s10 =	smov.u32 @p1 s12;
	s28 =	smov.u32 @p1 s4;
	s4 =	sadd.f32 s15, s14;
	[tilespmem:s20+$0x10] =	vst v16  }
0x23f: {  	p0 =	por p0, p6;
	p1 =	por !p6, !p3;
	s29 =	sadd.f32 s29, s26;
	[tilespmem:s20+$0x20] =	vst v16  }
0x240: {  	s15 =	ssub.f32 s8, s26;
	s4 =	smov.u32 @p0 s14;
	p1 =	por !p1, !p1;
	[tilespmem:s20+$0x30] =	vst v16  }
0x241: {  	s10 =	smov.u32 @p1 s6;
	p4 =	sge.f32 s29, s8;
	s6 =	sadd.f32 s31, s4;
	[tilespmem:s13+$0xFFFFFFD0] =	vst v16  }
0x242: {  	s0 =	sadd.f32 s0, s29;
	[tilespmem:s13+$0xFFFFFFE0] =	vst v16  }
0x243: {  	s14 =	ssub.f32 s8, s17;
	p6 =	por !p0, !p0;
	p0 =	por p0, p4;
	[tilespmem:s13+$0xFFFFFFF0] =	vst v16  }
0x244: {  	p3 =	por !p4, !p6;
	s6 =	smov.u32 @p0 s4;
	p2 =	sge.f32 s0, s8;
	[tilespmem:s13+$0x0] =	vst v16  }
0x245: {  	s28 =	smov.u32 @p1 s14;
	p1 =	por !p3, !p3;
	s4 =	sadd.f32 s30, s6;
	[tilespmem:s13+$0x10] =	vst v16  }
0x246: {  	p4 =	por !p0, !p0;
	s10 =	smov.u32 @p1 s5;
	p0 =	por p0, p2;
	[tilespmem:s13+$0x20] =	vst v16  }
0x247: {  	s0 =	ssub.f32 s8, s29;
	p6 =	por !p2, !p4;
	[tilespmem:s13+$0x30] =	vst v16;
	s4 =	smov.u32 @p0 s6  }
0x248: {  	s28 =	smov.u32 @p1 s15;
	p1 =	por !p6, !p6;
	[dreg:$0xd] =	wrdreg s4  }
0x249: {  	s10 =	smov.u32 @p1 s2;
	[tilespmem:s20+$0xFFFFFFC0] =	vst v16  }
0x24a: {  	s28 =	smov.u32 @p1 s0;
	s2 =	simm.s32 $0x0;
	s4 =	simm.s32 $0x100C0;
	[tilespmem:s13+$0xFFFFFFC0] =	vst v16  }
.LBB2_15:
0x24b: {  	[tilespmem:s4+$0xFFFFFFD0] =	vst v16;
	s13 =	sadd.s32 $0x80, s13  }
0x24c: {  	[tilespmem:s13+$0xFFFFFFD0] =	vst v16  }
0x24d: {  	[tilespmem:s4+$0xFFFFFFE0] =	vst v16  }
0x24e: {  	[tilespmem:s13+$0xFFFFFFE0] =	vst v16  }
0x24f: {  	[tilespmem:s4+$0xFFFFFFF0] =	vst v16  }
0x250: {  	[tilespmem:s13+$0xFFFFFFF0] =	vst v16  }
0x251: {  	[tilespmem:s4+$0x0] =	vst v16  }
0x252: {  	[tilespmem:s13+$0x0] =	vst v16  }
0x253: {  	[tilespmem:s4+$0x10] =	vst v16  }
0x254: {  	s2 =	sadd.s32 $0x8, s2;
	[tilespmem:s13+$0x10] =	vst v16  }
0x255: {  	p0 =	slt.u32 s2, $0x3F8;
	[tilespmem:s4+$0x20] =	vst v16  }
.Ltmp6:
0x256: {  	[tilespmem:s13+$0x20] =	vst v16;
	(pc) =	sbr.rel @p0 .LBB2_15-.Ltmp6, $4  }
0x257: {  	[tilespmem:s4+$0x30] =	vst v16  }
0x258: {  	[tilespmem:s13+$0x30] =	vst v16  }
0x259: {  	[tilespmem:s4+$0xFFFFFFC0] =	vst v16  }
0x25a: {  	s4 =	sadd.s32 $0x80, s4;
	[tilespmem:s13+$0xFFFFFFC0] =	vst v16  }
0x25b: {  	(xrf2) =	vadd.scan.msk.f32 $0xffff, v25;
	_ =	sdelay $0x9  }
0x25c: {  	v25, _, _ =	vpop (xrf2)  }
0x25d: {  	(v2sf) =	vpush v25, $0xF;
	_ =	sdelay $0x5  }
0x25e: {  	(xrf2) =	vadd.scan.msk.f32 $0xffff, v26;
	_ =	sdelay $0x6  }
0x25f: {  	s0 =	simm.s32 @!p5 $0x10000;
	s8 =	rddreg [dreg:$0x5]  }
0x260: {  	[spmem:s8] =	stream.linear.scatter @!p5 [tilespmem:s0], [sflag:$0x5], $0x1000, $0x200038;
	[tilespmem:$0x1A320] =	vst v63  }
0x261: {  	s31 =	spop (v2sf)  }
0x262: {  	s0 =	simm.s32 @!p5 $0x5;
	v25, _, _ =	vpop (xrf2);
	[dreg:$0xe] =	wrdreg s31  }
0x263: {  	_ =	swait.ge @!p5 [sflag:s0], $0x1000  }
0x264: {  	[sflag:s0] =	ssyncset.done @!p5 $0x0  }
0x265: {  	[sflag:s0] =	ssyncadd.s32 @!p5 $0xFFFFF000  }
0x266: {  	s2 =	simm.s32 @!p5 $0x14000;
	s12 =	rddreg [dreg:$0x6]  }
0x267: {  	[spmem:s12] =	stream.linear.scatter @!p5 [tilespmem:s2], [sflag:$0x5], $0x1000, $0x200038;
	[tilespmem:$0x1A320] =	vst v63  }
0x268: {  	_ =	swait.ge @!p5 [sflag:s0], $0x1000  }
0x269: {  	[sflag:s0] =	ssyncset.done @!p5 $0x0  }
0x26a: {  	[sflag:s0] =	ssyncadd.s32 @!p5 $0xFFFFF000  }
0x26b: {  	[bflag:$0x0] =	sbarrier.arrive $0xFFFF  }
0x26c: {  	_ =	strace $0x9000004C  }
0x26d: {  	s14 =	simm.s32 $0x0;
	v26 =	vmov s10;
	_ =	strace $0x8000004D  }
.LBB2_17:
0x26e: {  	s0 =	sshll.u32 s14, $0xE  }
0x26f: {  	_ =	swait.ge [sflag:s18], $0x2000;
	s2 =	sadd.s32 s16, s0  }
0x270: {  	[sflag:s18] =	ssyncset.done $0x0;
	s0 =	sshrl.u32 s2, $0x3  }
0x271: {  	s31 =	simm.s32 $0x40;
	[sflag:s18] =	ssyncadd.s32 $0xFFFFE000;
	s0 =	sadd.s32 s0, s11  }
0x272: {  	[tilespmem:s19], [sflag:$0x2] =	stream.linear.gather [hbm4b:s0+s7], $0x2000, $0x200038;
	[tilespmem:$0x1A320] =	vst v63  }
0x273: {  	v29 =	vld [tilespmem:s31+$0x20]  }
0x274: {  	v27 =	vld [tilespmem:s31+$0xFFFFFFD0]  }
0x275: {  	v28 =	vld [tilespmem:s31+$0xFFFFFFE0]  }
0x276: {  	v31 =	vld [tilespmem:s31+$0xFFFFFFF0]  }
0x277: {  	v34 =	vld [tilespmem:s31+$0x10];
	_ =	sdelay $0x2  }
0x278: {  	v33 =	vshrl.u32 v29, $0xC  }
0x279: {  	v32 =	vshrl.u32 v31, $0xC;
	v30 =	vshrl.u32 v28, $0xC;
	v35 =	vshra.s32 v31, $0x18  }
0x27a: {  	v36 =	vshra.s32 v27, $0x18;
	v37 =	vshrl.u32 v34, $0xC;
	v61 =	vshra.s32 v34, $0x18  }
0x27b: {  	v38 =	vshrl.u32 v27, $0xC;
	v39 =	vshra.s32 v28, $0x18;
	v40 =	vshra.s32 v29, $0x18  }
0x27c: {  	v30 =	vand.u32 $0xFF0, v30;
	vm1 =	veq.s32 v36, v26;
	v38 =	vand.u32 $0xFF0, v38  }
0x27d: {  	v41 =	vand.u32 $0xFF0, v32;
	vm4 =	veq.s32 v61, v26;
	v62 =	vand.u32 $0xFF0, v37  }
0x27e: {  	vm2 =	veq.s32 v35, v26;
	v36 =	vld [tilespmem:s31+$0xFFFFFFC0];
	vm0 =	veq.s32 v39, v26;
	v39 =	vor.u32 v18, v62  }
0x27f: {  	v63 =	vand.u32 $0xFF0, v33;
	v35 =	vld [tilespmem:s31+$0x30];
	vm3 =	veq.s32 v40, v26;
	v30 =	vor.u32 v19, v30  }
0x280: {  	s5 =	simm.s32 $0x0;
	s6 =	simm.s32 $0xC0;
	v33 =	vld [tilespmem:s31+$0x0];
	v32 =	vor.u32 v18, v38;
	v37 =	vor.u32 v20, v41;
	v38 =	vor.u32 v19, v63  }
.LBB2_18:
0x281: {  	v40 =	vld [tilespmem:s6+$0x20];
	s5 =	sadd.s32 $0x8, s5  }
0x282: {  	v41 =	vld [tilespmem:s6+$0xFFFFFFD0];
	p2 =	slt.u32 s5, $0x1F8  }
0x283: {  	v42 =	vshra.s32 v36, $0x18;
	v43 =	vshrl.u32 v36, $0xC;
	[tilespmem:v39+s22+$0x0] =	vst.idx.add.f32.msk vm4, v17  }
0x284: {  	vm5 =	veq.s32 v42, v26;
	[tilespmem:v39+s23+$0x0] =	vst.idx.add.f32.msk vm4, v34;
	v34 =	vshra.s32 v35, $0x18;
	v39 =	vshrl.u32 v35, $0xC  }
0x285: {  	v42 =	vand.u32 $0xFF0, v43;
	[tilespmem:v37+s22+$0x0] =	vst.idx.add.f32.msk vm2, v17;
	vm4 =	veq.s32 v34, v26;
	v34 =	vand.u32 $0xFF0, v39  }
0x286: {  	v39 =	vor.u32 v0, v42;
	[tilespmem:v37+s23+$0x0] =	vst.idx.add.f32.msk vm2, v31;
	v37 =	vshra.s32 v33, $0x18;
	v42 =	vor.u32 v20, v34  }
0x287: {  	v43 =	vshrl.u32 v40, $0xC;
	v31 =	vshrl.u32 v33, $0xC;
	[tilespmem:v38+s22+$0x0] =	vst.idx.add.f32.msk vm3, v17  }
0x288: {  	v44 =	vand.u32 $0xFF0, v31;
	[tilespmem:v38+s23+$0x0] =	vst.idx.add.f32.msk vm3, v29;
	v29 =	vmov v40  }
0x289: {  	v38 =	vld [tilespmem:s6+$0xFFFFFFE0]  }
0x28a: {  	v31 =	vld [tilespmem:s6+$0xFFFFFFF0]  }
0x28b: {  	[tilespmem:v32+s22+$0x0] =	vst.idx.add.f32.msk vm1, v17  }
0x28c: {  	vm2 =	veq.s32 v37, v26;
	v34 =	vld [tilespmem:s6+$0x10]  }
0x28d: {  	v37 =	vor.u32 v0, v44;
	[tilespmem:v39+s22+$0x0] =	vst.idx.add.f32.msk vm5, v17  }
0x28e: {  	[tilespmem:v39+s23+$0x0] =	vst.idx.add.f32.msk vm5, v36  }
0x28f: {  	v36 =	vshrl.u32 v31, $0xC;
	[tilespmem:v32+s23+$0x0] =	vst.idx.add.f32.msk vm1, v27;
	v27 =	vmov v41  }
0x290: {  	v32 =	vshrl.u32 v38, $0xC;
	v39 =	vshra.s32 v31, $0x18;
	[tilespmem:v42+s22+$0x0] =	vst.idx.add.f32.msk vm4, v17  }
0x291: {  	v40 =	vshra.s32 v27, $0x18;
	v32 =	vand.u32 $0xFF0, v32;
	v41 =	vshrl.u32 v34, $0xC;
	[tilespmem:v42+s23+$0x0] =	vst.idx.add.f32.msk vm4, v35  }
0x292: {  	vm1 =	veq.s32 v40, v26;
	v40 =	vor.u32 v19, v32;
	v32 =	vshra.s32 v34, $0x18;
	[tilespmem:v37+s22+$0x0] =	vst.idx.add.f32.msk vm2, v17  }
0x293: {  	v44 =	vshra.s32 v29, $0x18;
	v35 =	vshrl.u32 v27, $0xC;
	v42 =	vshra.s32 v38, $0x18;
	[tilespmem:v37+s23+$0x0] =	vst.idx.add.f32.msk vm2, v33  }
.Ltmp7:
0x294: {  	vm4 =	veq.s32 v32, v26;
	v33 =	vand.u32 $0xFF0, v35;
	v35 =	vand.u32 $0xFF0, v36;
	[tilespmem:v30+s22+$0x0] =	vst.idx.add.f32.msk vm0, v17;
	(pc) =	sbr.rel @p2 .LBB2_18-.Ltmp7, $4  }
0x295: {  	vm2 =	veq.s32 v39, v26;
	v32 =	vor.u32 v18, v33;
	v33 =	vand.u32 $0xFF0, v41;
	[tilespmem:v30+s23+$0x0] =	vst.idx.add.f32.msk vm0, v28  }
0x296: {  	v37 =	vor.u32 v20, v35;
	vm0 =	veq.s32 v42, v26;
	v39 =	vor.u32 v18, v33;
	v28 =	vmovc v38;
	v36 =	vld [tilespmem:s6+$0xFFFFFFC0]  }
0x297: {  	vm3 =	veq.s32 v44, v26;
	v38 =	vand.u32 $0xFF0, v43;
	v30 =	vmov v40;
	v35 =	vld [tilespmem:s6+$0x30]  }
0x298: {  	v38 =	vor.u32 v19, v38;
	v33 =	vld [tilespmem:s6+$0x0];
	s6 =	sadd.s32 $0x80, s6  }
0x299: {  	_ =	sdelay $0x4  }
0x29a: {  	[tilespmem:v39+s22+$0x0] =	vst.idx.add.f32.msk vm4, v17  }
0x29b: {  	[tilespmem:v37+s22+$0x0] =	vst.idx.add.f32.msk vm2, v17  }
0x29c: {  	[tilespmem:v38+s22+$0x0] =	vst.idx.add.f32.msk vm3, v17  }
0x29d: {  	[tilespmem:v32+s22+$0x0] =	vst.idx.add.f32.msk vm1, v17;
	v40 =	vshra.s32 v36, $0x18;
	v41 =	vshrl.u32 v36, $0xC  }
0x29e: {  	[tilespmem:v30+s22+$0x0] =	vst.idx.add.f32.msk vm0, v17;
	vm5 =	veq.s32 v40, v26;
	v47 =	vand.u32 $0xFF0, v41  }
0x29f: {  	[tilespmem:v39+s23+$0x0] =	vst.idx.add.f32.msk vm4, v34;
	v48 =	vshra.s32 v35, $0x18;
	v49 =	vshrl.u32 v35, $0xC;
	v34 =	vor.u32 v0, v47  }
0x2a0: {  	[tilespmem:v37+s23+$0x0] =	vst.idx.add.f32.msk vm2, v31;
	vm2 =	veq.s32 v48, v26;
	v31 =	vand.u32 $0xFF0, v49  }
0x2a1: {  	[tilespmem:v38+s23+$0x0] =	vst.idx.add.f32.msk vm3, v29;
	v50 =	vshra.s32 v33, $0x18;
	v51 =	vshrl.u32 v33, $0xC;
	v31 =	vor.u32 v20, v31  }
0x2a2: {  	[tilespmem:v32+s23+$0x0] =	vst.idx.add.f32.msk vm1, v27;
	v29 =	vand.u32 $0xFF0, v51;
	vm3 =	veq.s32 v50, v26  }
0x2a3: {  	[tilespmem:v30+s23+$0x0] =	vst.idx.add.f32.msk vm0, v28;
	v29 =	vor.u32 v0, v29  }
0x2a4: {  	[tilespmem:v34+s22+$0x0] =	vst.idx.add.f32.msk vm5, v17  }
0x2a5: {  	[tilespmem:v34+s23+$0x0] =	vst.idx.add.f32.msk vm5, v36  }
0x2a6: {  	[tilespmem:v31+s22+$0x0] =	vst.idx.add.f32.msk vm2, v17  }
0x2a7: {  	[tilespmem:v31+s23+$0x0] =	vst.idx.add.f32.msk vm2, v35  }
0x2a8: {  	[tilespmem:v29+s22+$0x0] =	vst.idx.add.f32.msk vm3, v17  }
0x2a9: {  	p0 =	seq.s32 s14, $0x7;
	[tilespmem:v29+s23+$0x0] =	vst.idx.add.f32.msk vm3, v33  }
0x2aa: {  	s0 =	sshrl.u32 @!p0 s2, $0x3;
	_ =	swait.ge [sflag:s25], $0x2000  }
0x2ab: {  	s31 =	simm.s32 $0x8040;
	s0 =	sadd.s32 @!p0 s9, s0;
	[sflag:s25] =	ssyncset.done $0x0  }
0x2ac: {  	s2 =	simm.s32 @!p0 $0x0;
	s0 =	sadd.s32 @!p0 $0x800, s0;
	[sflag:s25] =	ssyncadd.s32 $0xFFFFE000  }
0x2ad: {  	[tilespmem:s2], [sflag:$0x1] =	stream.linear.gather @!p0 [hbm4b:s0+s2], $0x2000, $0x200038;
	[tilespmem:$0x1A320] =	vst v63  }
0x2ae: {  	v29 =	vld [tilespmem:s31+$0x20]  }
0x2af: {  	v28 =	vld [tilespmem:s31+$0xFFFFFFD0]  }
0x2b0: {  	v27 =	vld [tilespmem:s31+$0xFFFFFFE0]  }
0x2b1: {  	v31 =	vld [tilespmem:s31+$0xFFFFFFF0]  }
0x2b2: {  	v34 =	vld [tilespmem:s31+$0x10];
	_ =	sdelay $0x2  }
0x2b3: {  	v52 =	vshrl.u32 v29, $0xC  }
0x2b4: {  	v53 =	vshrl.u32 v31, $0xC;
	v30 =	vshrl.u32 v27, $0xC;
	v54 =	vshra.s32 v31, $0x18  }
0x2b5: {  	v55 =	vshra.s32 v28, $0x18;
	v56 =	vshrl.u32 v34, $0xC;
	v57 =	vshra.s32 v34, $0x18  }
0x2b6: {  	v58 =	vshrl.u32 v28, $0xC;
	v59 =	vshra.s32 v27, $0x18;
	v60 =	vshra.s32 v29, $0x18  }
0x2b7: {  	v30 =	vand.u32 $0xFF0, v30;
	vm1 =	veq.s32 v55, v26;
	v38 =	vand.u32 $0xFF0, v58  }
0x2b8: {  	v61 =	vand.u32 $0xFF0, v53;
	vm4 =	veq.s32 v57, v26;
	v62 =	vand.u32 $0xFF0, v56  }
0x2b9: {  	v36 =	vld [tilespmem:s31+$0xFFFFFFC0];
	vm2 =	veq.s32 v54, v26;
	vm0 =	veq.s32 v59, v26;
	v39 =	vor.u32 v18, v62  }
0x2ba: {  	v35 =	vld [tilespmem:s31+$0x30];
	v63 =	vand.u32 $0xFF0, v52;
	vm3 =	veq.s32 v60, v26;
	v30 =	vor.u32 v19, v30  }
0x2bb: {  	s5 =	simm.s32 $0x80C0;
	s2 =	simm.s32 $0x0;
	v33 =	vld [tilespmem:s31+$0x0];
	v32 =	vor.u32 v18, v38;
	v37 =	vor.u32 v20, v61;
	v38 =	vor.u32 v19, v63  }
.LBB2_20:
0x2bc: {  	v40 =	vld [tilespmem:s5+$0x20];
	s2 =	sadd.s32 $0x8, s2  }
0x2bd: {  	v41 =	vld [tilespmem:s5+$0xFFFFFFD0];
	p2 =	slt.u32 s2, $0x1F8  }
0x2be: {  	v42 =	vshra.s32 v36, $0x18;
	v43 =	vshrl.u32 v36, $0xC;
	[tilespmem:v39+s22+$0x0] =	vst.idx.add.f32.msk vm4, v17  }
0x2bf: {  	vm5 =	veq.s32 v42, v26;
	[tilespmem:v39+s23+$0x0] =	vst.idx.add.f32.msk vm4, v34;
	v34 =	vshra.s32 v35, $0x18;
	v39 =	vshrl.u32 v35, $0xC  }
0x2c0: {  	v42 =	vand.u32 $0xFF0, v43;
	[tilespmem:v37+s22+$0x0] =	vst.idx.add.f32.msk vm2, v17;
	vm4 =	veq.s32 v34, v26;
	v34 =	vand.u32 $0xFF0, v39  }
0x2c1: {  	v39 =	vor.u32 v0, v42;
	[tilespmem:v37+s23+$0x0] =	vst.idx.add.f32.msk vm2, v31;
	v37 =	vshra.s32 v33, $0x18;
	v42 =	vor.u32 v20, v34  }
0x2c2: {  	v43 =	vshrl.u32 v40, $0xC;
	v31 =	vshrl.u32 v33, $0xC;
	[tilespmem:v38+s22+$0x0] =	vst.idx.add.f32.msk vm3, v17  }
0x2c3: {  	v44 =	vand.u32 $0xFF0, v31;
	[tilespmem:v38+s23+$0x0] =	vst.idx.add.f32.msk vm3, v29;
	v29 =	vmov v40  }
0x2c4: {  	v38 =	vld [tilespmem:s5+$0xFFFFFFE0]  }
0x2c5: {  	v31 =	vld [tilespmem:s5+$0xFFFFFFF0]  }
0x2c6: {  	[tilespmem:v32+s22+$0x0] =	vst.idx.add.f32.msk vm1, v17  }
0x2c7: {  	vm2 =	veq.s32 v37, v26;
	v34 =	vld [tilespmem:s5+$0x10]  }
0x2c8: {  	v37 =	vor.u32 v0, v44;
	[tilespmem:v39+s22+$0x0] =	vst.idx.add.f32.msk vm5, v17  }
0x2c9: {  	[tilespmem:v39+s23+$0x0] =	vst.idx.add.f32.msk vm5, v36  }
0x2ca: {  	v36 =	vshrl.u32 v31, $0xC;
	[tilespmem:v32+s23+$0x0] =	vst.idx.add.f32.msk vm1, v28;
	v28 =	vmov v41  }
0x2cb: {  	v32 =	vshrl.u32 v38, $0xC;
	v39 =	vshra.s32 v31, $0x18;
	[tilespmem:v42+s22+$0x0] =	vst.idx.add.f32.msk vm4, v17  }
0x2cc: {  	v40 =	vshra.s32 v28, $0x18;
	v32 =	vand.u32 $0xFF0, v32;
	v41 =	vshrl.u32 v34, $0xC;
	[tilespmem:v42+s23+$0x0] =	vst.idx.add.f32.msk vm4, v35  }
0x2cd: {  	vm1 =	veq.s32 v40, v26;
	v40 =	vor.u32 v19, v32;
	v32 =	vshra.s32 v34, $0x18;
	[tilespmem:v37+s22+$0x0] =	vst.idx.add.f32.msk vm2, v17  }
0x2ce: {  	v44 =	vshra.s32 v29, $0x18;
	v35 =	vshrl.u32 v28, $0xC;
	v42 =	vshra.s32 v38, $0x18;
	[tilespmem:v37+s23+$0x0] =	vst.idx.add.f32.msk vm2, v33  }
.Ltmp8:
0x2cf: {  	vm4 =	veq.s32 v32, v26;
	v33 =	vand.u32 $0xFF0, v35;
	v35 =	vand.u32 $0xFF0, v36;
	[tilespmem:v30+s22+$0x0] =	vst.idx.add.f32.msk vm0, v17;
	(pc) =	sbr.rel @p2 .LBB2_20-.Ltmp8, $4  }
0x2d0: {  	vm2 =	veq.s32 v39, v26;
	v32 =	vor.u32 v18, v33;
	v33 =	vand.u32 $0xFF0, v41;
	[tilespmem:v30+s23+$0x0] =	vst.idx.add.f32.msk vm0, v27  }
0x2d1: {  	v37 =	vor.u32 v20, v35;
	vm0 =	veq.s32 v42, v26;
	v39 =	vor.u32 v18, v33;
	v27 =	vmovc v38;
	v36 =	vld [tilespmem:s5+$0xFFFFFFC0]  }
0x2d2: {  	vm3 =	veq.s32 v44, v26;
	v38 =	vand.u32 $0xFF0, v43;
	v30 =	vmov v40;
	v35 =	vld [tilespmem:s5+$0x30]  }
0x2d3: {  	v38 =	vor.u32 v19, v38;
	v33 =	vld [tilespmem:s5+$0x0];
	s5 =	sadd.s32 $0x80, s5  }
0x2d4: {  	_ =	sdelay $0x4  }
0x2d5: {  	[tilespmem:v39+s22+$0x0] =	vst.idx.add.f32.msk vm4, v17  }
0x2d6: {  	[tilespmem:v37+s22+$0x0] =	vst.idx.add.f32.msk vm2, v17  }
0x2d7: {  	[tilespmem:v38+s22+$0x0] =	vst.idx.add.f32.msk vm3, v17  }
0x2d8: {  	[tilespmem:v32+s22+$0x0] =	vst.idx.add.f32.msk vm1, v17;
	v40 =	vshra.s32 v36, $0x18;
	v41 =	vshrl.u32 v36, $0xC  }
0x2d9: {  	[tilespmem:v30+s22+$0x0] =	vst.idx.add.f32.msk vm0, v17;
	vm5 =	veq.s32 v40, v26;
	v57 =	vand.u32 $0xFF0, v41  }
0x2da: {  	[tilespmem:v39+s23+$0x0] =	vst.idx.add.f32.msk vm4, v34;
	v58 =	vshra.s32 v35, $0x18;
	v59 =	vshrl.u32 v35, $0xC;
	v34 =	vor.u32 v0, v57  }
0x2db: {  	[tilespmem:v37+s23+$0x0] =	vst.idx.add.f32.msk vm2, v31;
	vm14 =	veq.s32 v58, v26;
	v60 =	vand.u32 $0xFF0, v59  }
0x2dc: {  	[tilespmem:v38+s23+$0x0] =	vst.idx.add.f32.msk vm3, v29;
	v61 =	vshra.s32 v33, $0x18;
	v62 =	vshrl.u32 v33, $0xC;
	v31 =	vor.u32 v20, v60  }
0x2dd: {  	[tilespmem:v32+s23+$0x0] =	vst.idx.add.f32.msk vm1, v28;
	v63 =	vand.u32 $0xFF0, v62;
	vm15 =	veq.s32 v61, v26  }
0x2de: {  	s14 =	sadd.s32 $0x1, s14;
	[tilespmem:v30+s23+$0x0] =	vst.idx.add.f32.msk vm0, v27;
	v29 =	vor.u32 v0, v63  }
0x2df: {  	p0 =	sne.s32 s14, $0x8;
	[tilespmem:v34+s22+$0x0] =	vst.idx.add.f32.msk vm5, v17  }
.Ltmp9:
0x2e0: {  	[tilespmem:v34+s23+$0x0] =	vst.idx.add.f32.msk vm5, v36;
	(pc) =	sbr.rel @p0 .LBB2_17-.Ltmp9, $4  }
0x2e1: {  	[tilespmem:v31+s22+$0x0] =	vst.idx.add.f32.msk vm14, v17  }
0x2e2: {  	[tilespmem:v31+s23+$0x0] =	vst.idx.add.f32.msk vm14, v35  }
0x2e3: {  	[tilespmem:v29+s22+$0x0] =	vst.idx.add.f32.msk vm15, v17  }
0x2e4: {  	[tilespmem:v29+s23+$0x0] =	vst.idx.add.f32.msk vm15, v33  }
0x2e5: {  	_ =	strace $0x9000004D  }
0x2e6: {  	s0 =	rddreg [dreg:$0x10]  }
0x2e7: {  	[tilespmem:s7], [sflag:$0x1] =	stream.linear.gather [hbm4b:s0+s7], $0x2000, $0x38;
	[tilespmem:$0x1A320] =	vst v63  }
0x2e8: {  	s2 =	simm.s32 $0x10000;
	_ =	strace $0x8000004E  }
0x2e9: {  	v26 =	vld [tilespmem:s2+$0x70]  }
0x2ea: {  	v27 =	vld [tilespmem:s2+$0x1070]  }
0x2eb: {  	v28 =	vld [tilespmem:s2+$0x2070]  }
0x2ec: {  	v29 =	vld [tilespmem:s2+$0x3070]  }
0x2ed: {  	v30 =	vld [tilespmem:s2+$0x1000]  }
0x2ee: {  	v31 =	vld [tilespmem:s2+$0x2000]  }
0x2ef: {  	v32 =	vld [tilespmem:s2+$0x3000]  }
0x2f0: {  	v33 =	vld [tilespmem:s2+$0x10]  }
0x2f1: {  	v34 =	vld [tilespmem:s2+$0x1010]  }
0x2f2: {  	v35 =	vld [tilespmem:s2+$0x1020]  }
0x2f3: {  	v39 =	vld [tilespmem:s2+$0x2020]  }
0x2f4: {  	v40 =	vld [tilespmem:s2+$0x3020]  }
0x2f5: {  	v41 =	vld [tilespmem:s2+$0x30]  }
0x2f6: {  	v42 =	vld [tilespmem:s2+$0x1030]  }
0x2f7: {  	v43 =	vld [tilespmem:s2+$0x2030]  }
0x2f8: {  	v44 =	vld [tilespmem:s2+$0x3030]  }
0x2f9: {  	v45 =	vld [tilespmem:s2+$0x40]  }
0x2fa: {  	v46 =	vld [tilespmem:s2+$0x1040]  }
0x2fb: {  	v47 =	vld [tilespmem:s2+$0x2040]  }
0x2fc: {  	v48 =	vld [tilespmem:s2+$0x3040]  }
0x2fd: {  	v49 =	vld [tilespmem:s2+$0x50]  }
0x2fe: {  	v50 =	vld [tilespmem:s2+$0x1050]  }
0x2ff: {  	v51 =	vld [tilespmem:s2+$0x2050]  }
0x300: {  	v52 =	vld [tilespmem:s2+$0x3050]  }
0x301: {  	v53 =	vld [tilespmem:s2+$0x3060]  }
0x302: {  	v54 =	vld [tilespmem:s2+$0x0];
	v26 =	vadd.f32 v27, v26;
	v27 =	vadd.f32 v29, v28  }
0x303: {  	v28 =	vld [tilespmem:s2+$0x2010]  }
0x304: {  	v29 =	vld [tilespmem:s2+$0x3010];
	v26 =	vadd.f32 v27, v26  }
0x305: {  	v33 =	vadd.f32 v34, v33;
	v34 =	vld [tilespmem:s2+$0x1060]  }
0x306: {  	s4 =	simm.s32 $0x14000;
	v27 =	vld [tilespmem:s2+$0x20];
	[tilespmem:s2+$0x70] =	vst v26  }
0x307: {  	v31 =	vadd.f32 v32, v31;
	v30 =	vadd.f32 v30, v54;
	v26 =	vld [tilespmem:s4+$0x70]  }
0x308: {  	v36 =	vld [tilespmem:s4+$0x1070]  }
0x309: {  	v30 =	vadd.f32 v31, v30;
	v37 =	vld [tilespmem:s4+$0x2070]  }
0x30a: {  	v38 =	vld [tilespmem:s4+$0x3070]  }
0x30b: {  	[tilespmem:s2+$0x0] =	vst v30;
	v28 =	vadd.f32 v29, v28;
	v29 =	vld [tilespmem:s2+$0x60]  }
0x30c: {  	v59 =	vld [tilespmem:s4+$0x1000]  }
0x30d: {  	v57 =	vadd.f32 v46, v45;
	v46 =	vld [tilespmem:s4+$0x2000];
	v28 =	vadd.f32 v28, v33  }
0x30e: {  	v60 =	vld [tilespmem:s4+$0x3000]  }
0x30f: {  	v33 =	vld [tilespmem:s2+$0x2060];
	v27 =	vadd.f32 v35, v27;
	[tilespmem:s2+$0x10] =	vst v28;
	v28 =	vadd.f32 v40, v39  }
0x310: {  	v39 =	vld [tilespmem:s4+$0x10]  }
0x311: {  	v55 =	vld [tilespmem:s4+$0x2010];
	v27 =	vadd.f32 v28, v27  }
0x312: {  	v56 =	vld [tilespmem:s4+$0x3010]  }
0x313: {  	v58 =	vadd.f32 v48, v47;
	v28 =	vld [tilespmem:s4+$0x1010];
	[tilespmem:s2+$0x20] =	vst v27  }
0x314: {  	v41 =	vadd.f32 v42, v41;
	v32 =	vld [tilespmem:s4+$0x20]  }
0x315: {  	v27 =	vadd.f32 v44, v43;
	v43 =	vadd.f32 v58, v57;
	v35 =	vld [tilespmem:s4+$0x1020]  }
0x316: {  	v31 =	vld [tilespmem:s4+$0x2020]  }
0x317: {  	v27 =	vadd.f32 v27, v41;
	v41 =	vld [tilespmem:s4+$0x0];
	[tilespmem:s2+$0x40] =	vst v43  }
0x318: {  	v54 =	vld [tilespmem:s4+$0x40]  }
0x319: {  	v55 =	vadd.f32 v56, v55;
	v56 =	vld [tilespmem:s4+$0x1040]  }
0x31a: {  	v61 =	vadd.f32 v50, v49;
	v62 =	vadd.f32 v52, v51;
	v57 =	vld [tilespmem:s4+$0x2040]  }
0x31b: {  	[tilespmem:s2+$0x30] =	vst v27;
	v27 =	vld [tilespmem:s4+$0x3020]  }
0x31c: {  	v51 =	vadd.f32 v62, v61;
	v30 =	vld [tilespmem:s4+$0x30]  }
0x31d: {  	v26 =	vadd.f32 v36, v26;
	v37 =	vadd.f32 v38, v37;
	v63 =	vld [tilespmem:s4+$0x1030]  }
0x31e: {  	v29 =	vadd.f32 v34, v29;
	v33 =	vadd.f32 v53, v33;
	v50 =	vld [tilespmem:s4+$0x2030]  }
0x31f: {  	v60 =	vadd.f32 v60, v46;
	v28 =	vadd.f32 v28, v39;
	v52 =	vld [tilespmem:s4+$0x3030]  }
0x320: {  	[tilespmem:s2+$0x50] =	vst v51;
	v26 =	vadd.f32 v37, v26;
	v29 =	vadd.f32 v33, v29;
	v58 =	vld [tilespmem:s4+$0x3040]  }
0x321: {  	v61 =	vld [tilespmem:s4+$0x1050];
	v28 =	vadd.f32 v55, v28;
	v59 =	vadd.f32 v59, v41  }
0x322: {  	[tilespmem:s4+$0x70] =	vst v26;
	v26 =	vld [tilespmem:s4+$0x2050];
	v32 =	vadd.f32 v35, v32;
	v27 =	vadd.f32 v27, v31  }
0x323: {  	v31 =	vld [tilespmem:s4+$0x50];
	v62 =	vadd.f32 v60, v59;
	v30 =	vadd.f32 v63, v30  }
0x324: {  	[tilespmem:s2+$0x60] =	vst v29;
	v36 =	vadd.f32 v52, v50;
	v29 =	vadd.f32 v27, v32;
	v27 =	vld [tilespmem:s4+$0x3050]  }
0x325: {  	[tilespmem:s4+$0x10] =	vst v28;
	v28 =	vld [tilespmem:s4+$0x60];
	v34 =	vadd.f32 v56, v54;
	v33 =	vadd.f32 v58, v57  }
0x326: {  	[tilespmem:s4+$0x0] =	vst v62;
	v63 =	vadd.f32 v36, v30;
	v30 =	vld [tilespmem:s4+$0x1060]  }
0x327: {  	v33 =	vadd.f32 v33, v34;
	[tilespmem:s4+$0x20] =	vst v29;
	v29 =	vld [tilespmem:s4+$0x2060]  }
0x328: {  	s5 =	simm.s32 $0x10080;
	s2 =	simm.s32 $0x0;
	[tilespmem:s4+$0x30] =	vst v63;
	v32 =	vadd.f32 v61, v31;
	v31 =	vld [tilespmem:s4+$0x3060]  }
.LBB2_23:
0x329: {  	v34 =	vld [tilespmem:s5+$0x70];
	[tilespmem:s4+$0x40] =	vst v33;
	v26 =	vadd.f32 v27, v26  }
0x32a: {  	v27 =	vld [tilespmem:s5+$0x1070]  }
0x32b: {  	v33 =	vld [tilespmem:s5+$0x2070];
	v26 =	vadd.f32 v26, v32;
	v28 =	vadd.f32 v30, v28  }
0x32c: {  	v30 =	vld [tilespmem:s5+$0x3070]  }
0x32d: {  	v32 =	vld [tilespmem:s5+$0x1000];
	[tilespmem:s4+$0x50] =	vst v26;
	v26 =	vadd.f32 v31, v29  }
0x32e: {  	v29 =	vld [tilespmem:s5+$0x2000]  }
0x32f: {  	s2 =	sadd.s32 $0x8, s2;
	v31 =	vld [tilespmem:s5+$0x3000];
	v26 =	vadd.f32 v26, v28  }
0x330: {  	p2 =	slt.u32 s2, $0xF8;
	v28 =	vld [tilespmem:s5+$0x10]  }
0x331: {  	v27 =	vadd.f32 v27, v34;
	v35 =	vld [tilespmem:s5+$0x1010];
	v30 =	vadd.f32 v30, v33;
	[tilespmem:s4+$0x60] =	vst v26  }
0x332: {  	v26 =	vld [tilespmem:s5+$0x2010]  }
0x333: {  	v33 =	vld [tilespmem:s5+$0x3010];
	v27 =	vadd.f32 v30, v27  }
0x334: {  	v29 =	vadd.f32 v31, v29;
	v30 =	vld [tilespmem:s5+$0x20]  }
0x335: {  	s4 =	sadd.s32 $0x80, s4;
	v31 =	vld [tilespmem:s5+$0x1020];
	[tilespmem:s5+$0x70] =	vst v27  }
0x336: {  	v27 =	vadd.f32 v35, v28;
	v28 =	vld [tilespmem:s4+$0x70]  }
0x337: {  	v34 =	vld [tilespmem:s4+$0x1070]  }
0x338: {  	v26 =	vadd.f32 v33, v26;
	v33 =	vld [tilespmem:s4+$0x2070]  }
0x339: {  	v35 =	vld [tilespmem:s4+$0x3070]  }
0x33a: {  	v26 =	vadd.f32 v26, v27;
	v27 =	vadd.f32 v31, v30;
	v30 =	vld [tilespmem:s5+$0x2020]  }
0x33b: {  	v31 =	vld [tilespmem:s5+$0x3020]  }
0x33c: {  	[tilespmem:s5+$0x10] =	vst v26;
	v26 =	vld [tilespmem:s5+$0x30]  }
0x33d: {  	v36 =	vld [tilespmem:s5+$0x1030]  }
0x33e: {  	v28 =	vadd.f32 v34, v28;
	v37 =	vld [tilespmem:s5+$0x2030];
	v33 =	vadd.f32 v35, v33  }
0x33f: {  	v34 =	vld [tilespmem:s5+$0x3030]  }
0x340: {  	v30 =	vadd.f32 v31, v30;
	v31 =	vld [tilespmem:s5+$0x40];
	v28 =	vadd.f32 v33, v28  }
0x341: {  	v33 =	vld [tilespmem:s5+$0x1040]  }
0x342: {  	v27 =	vadd.f32 v30, v27;
	v26 =	vadd.f32 v36, v26;
	v30 =	vld [tilespmem:s5+$0x2040];
	[tilespmem:s4+$0x70] =	vst v28  }
0x343: {  	v28 =	vld [tilespmem:s5+$0x3040]  }
0x344: {  	[tilespmem:s5+$0x20] =	vst v27;
	v27 =	vadd.f32 v34, v37;
	v34 =	vld [tilespmem:s5+$0x50]  }
0x345: {  	v35 =	vld [tilespmem:s5+$0x1050]  }
0x346: {  	v26 =	vadd.f32 v27, v26;
	v27 =	vadd.f32 v33, v31;
	v31 =	vld [tilespmem:s5+$0x2050]  }
0x347: {  	v33 =	vld [tilespmem:s5+$0x3050]  }
0x348: {  	[tilespmem:s5+$0x30] =	vst v26;
	v26 =	vadd.f32 v28, v30;
	v28 =	vld [tilespmem:s5+$0x60]  }
0x349: {  	v30 =	vld [tilespmem:s5+$0x1060]  }
0x34a: {  	v26 =	vadd.f32 v26, v27;
	v27 =	vadd.f32 v35, v34;
	v34 =	vld [tilespmem:s5+$0x2060]  }
0x34b: {  	v35 =	vld [tilespmem:s5+$0x3060]  }
0x34c: {  	v36 =	vld [tilespmem:s5+$0x0];
	[tilespmem:s5+$0x40] =	vst v26;
	v26 =	vadd.f32 v33, v31  }
0x34d: {  	v31 =	vld [tilespmem:s4+$0x10]  }
0x34e: {  	v33 =	vld [tilespmem:s4+$0x1010];
	v26 =	vadd.f32 v26, v27;
	v27 =	vadd.f32 v30, v28  }
0x34f: {  	v28 =	vld [tilespmem:s4+$0x2010]  }
0x350: {  	v30 =	vld [tilespmem:s4+$0x3010];
	[tilespmem:s5+$0x50] =	vst v26;
	v26 =	vadd.f32 v35, v34  }
0x351: {  	v32 =	vadd.f32 v32, v36;
	v34 =	vld [tilespmem:s4+$0x20]  }
0x352: {  	v35 =	vld [tilespmem:s4+$0x1020];
	v26 =	vadd.f32 v26, v27  }
0x353: {  	v27 =	vadd.f32 v29, v32;
	v29 =	vadd.f32 v33, v31;
	v31 =	vld [tilespmem:s4+$0x2020]  }
0x354: {  	v32 =	vld [tilespmem:s4+$0x3020];
	[tilespmem:s5+$0x60] =	vst v26  }
0x355: {  	[tilespmem:s5+$0x0] =	vst v27;
	v26 =	vadd.f32 v30, v28;
	v27 =	vld [tilespmem:s4+$0x30]  }
0x356: {  	v28 =	vld [tilespmem:s4+$0x0]  }
0x357: {  	v30 =	vld [tilespmem:s4+$0x1000];
	v26 =	vadd.f32 v26, v29;
	v29 =	vadd.f32 v35, v34  }
0x358: {  	v33 =	vld [tilespmem:s4+$0x2000]  }
0x359: {  	v34 =	vld [tilespmem:s4+$0x3000];
	[tilespmem:s4+$0x10] =	vst v26;
	v26 =	vadd.f32 v32, v31  }
0x35a: {  	v31 =	vld [tilespmem:s4+$0x1030]  }
0x35b: {  	v26 =	vadd.f32 v26, v29;
	v29 =	vld [tilespmem:s4+$0x2030]  }
0x35c: {  	v28 =	vadd.f32 v30, v28;
	v30 =	vld [tilespmem:s4+$0x3030]  }
0x35d: {  	[tilespmem:s4+$0x20] =	vst v26;
	v26 =	vld [tilespmem:s4+$0x40]  }
0x35e: {  	v32 =	vadd.f32 v34, v33;
	v33 =	vld [tilespmem:s4+$0x1040]  }
0x35f: {  	v27 =	vadd.f32 v31, v27;
	v31 =	vld [tilespmem:s4+$0x2040]  }
0x360: {  	v28 =	vadd.f32 v32, v28;
	v32 =	vld [tilespmem:s4+$0x3040]  }
0x361: {  	v29 =	vadd.f32 v30, v29;
	v34 =	vld [tilespmem:s4+$0x50]  }
0x362: {  	[tilespmem:s4+$0x0] =	vst v28;
	v35 =	vld [tilespmem:s4+$0x1050]  }
0x363: {  	v28 =	vadd.f32 v29, v27;
	v29 =	vadd.f32 v33, v26;
	v26 =	vld [tilespmem:s4+$0x2050]  }
.Ltmp10:
0x364: {  	v27 =	vld [tilespmem:s4+$0x3050];
	(pc) =	sbr.rel @p2 .LBB2_23-.Ltmp10, $4  }
0x365: {  	[tilespmem:s4+$0x30] =	vst v28;
	v31 =	vadd.f32 v32, v31;
	v28 =	vld [tilespmem:s4+$0x60]  }
0x366: {  	v30 =	vld [tilespmem:s4+$0x1060]  }
0x367: {  	v33 =	vadd.f32 v31, v29;
	v32 =	vadd.f32 v35, v34;
	v29 =	vld [tilespmem:s4+$0x2060]  }
0x368: {  	s5 =	sadd.s32 $0x80, s5;
	v31 =	vld [tilespmem:s4+$0x3060]  }
0x369: {  	_ =	sdelay $0x2  }
0x36a: {  	v26 =	vadd.f32 v27, v26  }
0x36b: {  	v27 =	vadd.f32 v30, v28;
	v28 =	vadd.f32 v31, v29  }
0x36c: {  	v26 =	vadd.f32 v26, v32  }
0x36d: {  	[tilespmem:s4+$0x40] =	vst v33;
	v27 =	vadd.f32 v28, v27  }
0x36e: {  	[tilespmem:s4+$0x50] =	vst v26  }
0x36f: {  	s2 =	simm.s32 $0x80;
	s29 =	simm.s32 $0x1A020;
	s0 =	simm.s32 $0x5;
	[tilespmem:s4+$0x60] =	vst v27  }
0x370: {  	[spmem:s8] =	stream.indirect.scatter.add.f32 [tilespmem:s22], [sflag:$0x5], $0x10, s29, s2, $0x2000b8;
	[tilespmem:$0x1A320] =	vst v63  }
0x371: {  	_ =	swait.ge [sflag:s0], $0x800  }
0x372: {  	[sflag:s0] =	ssyncset.done $0x0  }
0x373: {  	s5 =	simm.s32 $0x1A0A0;
	s6 =	simm.s32 $0x10800;
	[sflag:s0] =	ssyncadd.s32 $0xFFFFF800  }
0x374: {  	[spmem:s8] =	stream.indirect.scatter.add.f32 [tilespmem:s6], [sflag:$0x5], $0x10, s5, s2, $0x2000b8;
	[tilespmem:$0x1A320] =	vst v63  }
0x375: {  	_ =	swait.ge [sflag:s0], $0x800  }
0x376: {  	[sflag:s0] =	ssyncset.done $0x0  }
0x377: {  	[sflag:s0] =	ssyncadd.s32 $0xFFFFF800  }
0x378: {  	[spmem:s12] =	stream.indirect.scatter.add.f32 [tilespmem:s23], [sflag:$0x5], $0x10, s29, s2, $0x2000b8;
	[tilespmem:$0x1A320] =	vst v63  }
0x379: {  	_ =	swait.ge [sflag:s0], $0x800  }
0x37a: {  	[sflag:s0] =	ssyncset.done $0x0  }
0x37b: {  	s6 =	simm.s32 $0x14800;
	[sflag:s0] =	ssyncadd.s32 $0xFFFFF800  }
0x37c: {  	[spmem:s12] =	stream.indirect.scatter.add.f32 [tilespmem:s6], [sflag:$0x5], $0x10, s5, s2, $0x2000b8;
	[tilespmem:$0x1A320] =	vst v63  }
0x37d: {  	_ =	swait.ge [sflag:s0], $0x800  }
0x37e: {  	[sflag:s0] =	ssyncset.done $0x0  }
0x37f: {  	[sflag:s0] =	ssyncadd.s32 $0xFFFFF800  }
0x380: {  	s13 =	simm.s32 $0x18000;
	[bflag:$0x0] =	sbarrier.arrive $0xFFFF  }
0x381: {  	[tilespmem:s13], [sflag:$0x5] =	stream.linear.gather [spmem:s8], $0x1000, $0x200038;
	[tilespmem:$0x1A320] =	vst v63  }
0x382: {  	_ =	swait.ge [sflag:s0], $0x1000  }
0x383: {  	[sflag:s0] =	ssyncset.done $0x0  }
0x384: {  	s14 =	simm.s32 $0x19000;
	[sflag:s0] =	ssyncadd.s32 $0xFFFFF000  }
0x385: {  	[tilespmem:s14], [sflag:$0x5] =	stream.linear.gather [spmem:s12], $0x1000, $0x200038;
	[tilespmem:$0x1A320] =	vst v63  }
0x386: {  	_ =	swait.ge [sflag:s0], $0x1000  }
0x387: {  	[sflag:s0] =	ssyncset.done $0x0  }
0x388: {  	[sflag:s0] =	ssyncadd.s32 $0xFFFFF000  }
0x389: {  	_ =	strace $0x9000004E  }
0x38a: {  	s15 =	simm.s32 $0x18FF0;
	_ =	strace $0x8000004F  }
0x38b: {  	v26 =	vld [tilespmem:s15+$0x0];
	_ =	sdelay $0x4  }
0x38c: {  	(xrf2) =	vadd.scan.msk.f32 $0xffff, v26;
	_ =	sdelay $0x3  }
0x38d: {  	s17 =	simm.s32 $0x19FF0  }
0x38e: {  	v26 =	vld [tilespmem:s17+$0x0];
	_ =	sdelay $0x2  }
0x38f: {  	s20 =	simm.s32 $0x18FE0  }
0x390: {  	s21 =	simm.s32 $0x19FE0;
	v27 =	vld [tilespmem:s20+$0x0]  }
0x391: {  	v28 =	vld [tilespmem:s21+$0x0];
	v29, _, _ =	vpop (xrf2);
	(xrf2) =	vadd.scan.msk.f32 $0xffff, v26;
	_ =	sdelay $0x3  }
0x392: {  	(xrf2) =	vadd.scan.msk.f32 $0xffff, v27  }
0x393: {  	s24 =	simm.s32 $0x18FD0;
	(xrf2) =	vadd.scan.msk.f32 $0xffff, v28  }
0x394: {  	v63 =	vld [tilespmem:s24+$0x0];
	(v2sf) =	vpush v29, $0xF;
	_ =	sdelay $0x3  }
0x395: {  	s26 =	simm.s32 $0x19FD0;
	v28, _, _ =	vpop (xrf2)  }
0x396: {  	v26 =	vld [tilespmem:s26+$0x0];
	(xrf2) =	vadd.scan.msk.f32 $0xffff, v63;
	(v2sf) =	vpush v28, $0xF;
	_ =	sdelay $0x2  }
0x397: {  	v28, _, _ =	vpop (xrf2)  }
0x398: {  	s29 =	simm.s32 $0x18FC0;
	(v2sf) =	vpush v28, $0xF;
	v28, _, _ =	vpop (xrf2)  }
0x399: {  	p2 =	por $0x0, $0x0;
	v27 =	vld [tilespmem:s29+$0x0];
	(xrf2) =	vadd.scan.msk.f32 $0xffff, v26;
	(v2sf) =	vpush v28, $0xF  }
0x39a: {  	s30 =	simm.f32 $0.0e+00;
	p3 =	por !p2, !p2;
	s4 =	simm.f32 $0.0e+00  }
0x39b: {  	s6 =	simm.s32 $0xFD;
	s5 =	simm.s32 $0xFC;
	s17 =	simm.s32 $0x19FC0  }
0x39c: {  	s2 =	simm.s32 $0xFB;
	s8 =	simm.f32 $0.0e+00;
	s13 =	simm.s32 $0xFE;
	v26 =	vld [tilespmem:s17+$0x0]  }
0x39d: {  	s31 =	ssub.f32 s28, s8;
	s12 =	simm.s32 $0xFFFFFFFF;
	s14 =	simm.s32 $0xFF  }
0x39e: {  	s21 =	simm.s32 $0xFA;
	s20 =	simm.s32 $0x18FB0;
	(xrf2) =	vadd.scan.msk.f32 $0xffff, v27;
	v27, _, _ =	vpop (xrf2);
	s24 =	spop (v2sf)  }
.LBB2_25:
0x39f: {  	s0 =	smov.u32 s8  }
0x3a0: {  	p0 =	sne.s32 s21, $0x0;
	s30 =	sadd.f32 s24, s30;
	s15 =	smov.u32 s14  }
0x3a1: {  	s14 =	smov.u32 s13;
	s13 =	smov.u32 s6;
	s6 =	smov.u32 s5;
	v28 =	vld [tilespmem:s20+$0x0];
	(xrf2) =	vadd.scan.msk.f32 $0xffff, v26;
	(v2sf) =	vpush v27, $0xF  }
0x3a2: {  	s5 =	smov.u32 s2;
	s2 =	smov.u32 s21  }
0x3a3: {  	s17 =	sadd.s32 $0xFFFFFFF0, s17;
	p1 =	sge.f32 s30, s28;
	v27, _, _ =	vpop (xrf2);
	s8 =	spop (v2sf)  }
.Ltmp11:
0x3a4: {  	v26 =	vld [tilespmem:s17+$0x0];
	(v2sf) =	vpush v27, $0xF;
	s8 =	sadd.f32 s8, s0;
	(pc) =	sbr.rel @p0 .LBB2_25-.Ltmp11, $4  }
0x3a5: {  	s24 =	ssub.f32 s28, s30;
	p4 =	por !p1, !p3;
	p2 =	por p2, p1  }
0x3a6: {  	p3 =	por !p2, !p2;
	p1 =	por !p4, !p4;
	(xrf2) =	vadd.scan.msk.f32 $0xffff, v28;
	s8 =	smov.u32 @p2 s0  }
0x3a7: {  	s12 =	smov.u32 @p1 s15;
	s4 =	smov.u32 @p1 s31;
	s31 =	smov.u32 s24  }
0x3a8: {  	s21 =	sadd.s32 $0xFFFFFFFF, s21;
	s20 =	sadd.s32 $0xFFFFFFF0, s20;
	v27, _, _ =	vpop (xrf2);
	s24 =	spop (v2sf)  }
0x3a9: {  	v28 =	vld [tilespmem:s20+$0x0];
	s0 =	sadd.s32 $0xFFFFFFF0, s17  }
0x3aa: {  	v29 =	vld [tilespmem:s0+$0x0];
	_ =	sdelay $0x2  }
0x3ab: {  	(xrf2) =	vadd.scan.msk.f32 $0xffff, v26  }
0x3ac: {  	(xrf2) =	vadd.scan.msk.f32 $0xffff, v28  }
0x3ad: {  	(xrf2) =	vadd.scan.msk.f32 $0xffff, v29;
	_ =	sdelay $0x5  }
0x3ae: {  	(v2sf) =	vpush v27, $0xF;
	v26, _, _ =	vpop (xrf2)  }
0x3af: {  	(v2sf) =	vpush v26, $0xF;
	v27, _, _ =	vpop (xrf2)  }
0x3b0: {  	(v2sf) =	vpush v27, $0xF;
	v26, _, _ =	vpop (xrf2)  }
0x3b1: {  	(v2sf) =	vpush v26, $0xF;
	v26, _, _ =	vpop (xrf2)  }
0x3b2: {  	(v2sf) =	vpush v26, $0xF;
	v26, _, _ =	vpop (xrf2)  }
0x3b3: {  	(v2sf) =	vpush v26, $0xF;
	_ =	sdelay $0x6  }
0x3b4: {  	s29 =	spop (v2sf)  }
0x3b5: {  	s15 =	spop (v2sf)  }
0x3b6: {  	s17 =	spop (v2sf)  }
0x3b7: {  	s21 =	sadd.f32 s24, s30;
	s20 =	spop (v2sf)  }
0x3b8: {  	s24 =	spop (v2sf)  }
0x3b9: {  	p1 =	sge.f32 s21, s28;
	s26 =	spop (v2sf)  }
0x3ba: {  	s0 =	sadd.f32 s29, s8;
	s29 =	spop (v2sf)  }
0x3bb: {  	p0 =	por p2, p1;
	s30 =	spop (v2sf)  }
0x3bc: {  	p1 =	por !p1, !p3;
	s0 =	smov.u32 @p0 s8;
	s8 =	spop (v2sf)  }
0x3bd: {  	p1 =	por !p1, !p1;
	s15 =	sadd.f32 s15, s21;
	_ =	strace $0x9000004F  }
0x3be: {  	s12 =	smov.u32 @p1 s14;
	_ =	strace $0x80000050  }
0x3bf: {  	s14 =	simm.s32 $0x10040;
	p6 =	sge.f32 s15, s28;
	[bflag:$0x0] =	sbarrier.arrive $0xFFFF  }
0x3c0: {  	p2 =	por !p0, !p0;
	s4 =	smov.u32 @p1 s31;
	s17 =	sadd.f32 s17, s0;
	[tilespmem:s14+$0xFFFFFFD0] =	vst v16  }
0x3c1: {  	p4 =	por !p6, !p2;
	p0 =	por p0, p6;
	s20 =	sadd.f32 s20, s15;
	[tilespmem:s14+$0xFFFFFFE0] =	vst v16  }
0x3c2: {  	s17 =	smov.u32 @p0 s0;
	s0 =	ssub.f32 s28, s21;
	p1 =	por !p4, !p4;
	[tilespmem:s14+$0xFFFFFFF0] =	vst v16  }
0x3c3: {  	p3 =	por !p0, !p0;
	s15 =	ssub.f32 s28, s15;
	p6 =	sge.f32 s20, s28;
	[tilespmem:s14+$0x0] =	vst v16  }
0x3c4: {  	s12 =	smov.u32 @p1 s13;
	s4 =	smov.u32 @p1 s0;
	s0 =	sadd.f32 s24, s17;
	[tilespmem:s14+$0x10] =	vst v16  }
0x3c5: {  	p0 =	por p0, p6;
	p1 =	por !p6, !p3;
	s26 =	sadd.f32 s26, s20;
	[tilespmem:s14+$0x20] =	vst v16  }
0x3c6: {  	s31 =	simm.s32 $0x14040;
	s0 =	smov.u32 @p0 s17;
	p1 =	por !p1, !p1;
	[tilespmem:s14+$0x30] =	vst v16  }
0x3c7: {  	s4 =	smov.u32 @p1 s15;
	p4 =	sge.f32 s26, s28;
	s15 =	sadd.f32 s29, s0;
	[tilespmem:s31+$0xFFFFFFD0] =	vst v16  }
0x3c8: {  	s30 =	sadd.f32 s30, s26;
	[tilespmem:s31+$0xFFFFFFE0] =	vst v16  }
0x3c9: {  	s17 =	ssub.f32 s28, s20;
	p6 =	por !p0, !p0;
	p0 =	por p0, p4;
	[tilespmem:s31+$0xFFFFFFF0] =	vst v16  }
0x3ca: {  	p3 =	por !p4, !p6;
	s15 =	smov.u32 @p0 s0;
	p2 =	sge.f32 s30, s28;
	[tilespmem:s31+$0x0] =	vst v16  }
0x3cb: {  	s12 =	smov.u32 @p1 s6;
	p1 =	por !p3, !p3;
	s0 =	sadd.f32 s8, s15;
	[tilespmem:s31+$0x10] =	vst v16  }
0x3cc: {  	p4 =	por !p0, !p0;
	s12 =	smov.u32 @p1 s5;
	p0 =	por p0, p2;
	[tilespmem:s31+$0x20] =	vst v16  }
0x3cd: {  	s5 =	ssub.f32 s28, s26;
	p6 =	por !p2, !p4;
	[tilespmem:s31+$0x30] =	vst v16;
	s0 =	smov.u32 @p0 s15  }
0x3ce: {  	s4 =	smov.u32 @p1 s17;
	p1 =	por !p6, !p6;
	[dreg:$0xf] =	wrdreg s0  }
0x3cf: {  	s12 =	smov.u32 @p1 s2;
	[tilespmem:s14+$0xFFFFFFC0] =	vst v16  }
0x3d0: {  	s4 =	smov.u32 @p1 s5;
	s2 =	simm.s32 $0x0;
	s5 =	simm.s32 $0x100C0;
	[tilespmem:s31+$0xFFFFFFC0] =	vst v16  }
.LBB2_27:
0x3d1: {  	[tilespmem:s5+$0xFFFFFFD0] =	vst v16;
	s31 =	sadd.s32 $0x80, s31  }
0x3d2: {  	[tilespmem:s31+$0xFFFFFFD0] =	vst v16  }
0x3d3: {  	[tilespmem:s5+$0xFFFFFFE0] =	vst v16  }
0x3d4: {  	[tilespmem:s31+$0xFFFFFFE0] =	vst v16  }
0x3d5: {  	[tilespmem:s5+$0xFFFFFFF0] =	vst v16  }
0x3d6: {  	[tilespmem:s31+$0xFFFFFFF0] =	vst v16  }
0x3d7: {  	[tilespmem:s5+$0x0] =	vst v16  }
0x3d8: {  	[tilespmem:s31+$0x0] =	vst v16  }
0x3d9: {  	[tilespmem:s5+$0x10] =	vst v16  }
0x3da: {  	s2 =	sadd.s32 $0x8, s2;
	[tilespmem:s31+$0x10] =	vst v16  }
0x3db: {  	p0 =	slt.u32 s2, $0x3F8;
	[tilespmem:s5+$0x20] =	vst v16  }
.Ltmp12:
0x3dc: {  	[tilespmem:s31+$0x20] =	vst v16;
	(pc) =	sbr.rel @p0 .LBB2_27-.Ltmp12, $4  }
0x3dd: {  	[tilespmem:s5+$0x30] =	vst v16  }
0x3de: {  	[tilespmem:s31+$0x30] =	vst v16  }
0x3df: {  	[tilespmem:s5+$0xFFFFFFC0] =	vst v16  }
0x3e0: {  	s5 =	sadd.s32 $0x80, s5;
	[tilespmem:s31+$0xFFFFFFC0] =	vst v16  }
0x3e1: {  	s2 =	simm.s32 @!p5 $0x10000;
	s0 =	rddreg [dreg:$0x5]  }
0x3e2: {  	[spmem:s0] =	stream.linear.scatter @!p5 [tilespmem:s2], [sflag:$0x5], $0x1000, $0x200038;
	[tilespmem:$0x1A320] =	vst v63  }
0x3e3: {  	s2 =	simm.s32 @!p5 $0x5  }
0x3e4: {  	_ =	swait.ge @!p5 [sflag:s2], $0x1000  }
0x3e5: {  	[sflag:s2] =	ssyncset.done @!p5 $0x0  }
0x3e6: {  	[sflag:s2] =	ssyncadd.s32 @!p5 $0xFFFFF000  }
0x3e7: {  	s5 =	simm.s32 @!p5 $0x14000;
	s8 =	rddreg [dreg:$0x6]  }
0x3e8: {  	[spmem:s8] =	stream.linear.scatter @!p5 [tilespmem:s5], [sflag:$0x5], $0x1000, $0x200038;
	[tilespmem:$0x1A320] =	vst v63  }
0x3e9: {  	_ =	swait.ge @!p5 [sflag:s2], $0x1000  }
0x3ea: {  	[sflag:s2] =	ssyncset.done @!p5 $0x0  }
0x3eb: {  	[sflag:s2] =	ssyncadd.s32 @!p5 $0xFFFFF000  }
0x3ec: {  	s31 =	sshll.u32 s10, $0x8;
	[bflag:$0x0] =	sbarrier.arrive $0xFFFF  }
0x3ed: {  	s2 =	sor.u32 s31, s12;
	_ =	strace $0x90000050  }
0x3ee: {  	s10 =	simm.s32 $0x0;
	v26 =	vmov s2;
	_ =	strace $0x80000051  }
.LBB2_29:
0x3ef: {  	s2 =	sshll.u32 s10, $0xE  }
0x3f0: {  	_ =	swait.ge [sflag:s18], $0x2000;
	s2 =	sadd.s32 s16, s2  }
0x3f1: {  	[sflag:s18] =	ssyncset.done $0x0;
	s5 =	sshrl.u32 s2, $0x3  }
0x3f2: {  	s6 =	simm.s32 $0x40;
	[sflag:s18] =	ssyncadd.s32 $0xFFFFE000;
	s5 =	sadd.s32 s5, s11  }
0x3f3: {  	[tilespmem:s19], [sflag:$0x2] =	stream.linear.gather [hbm4b:s5+s7], $0x2000, $0x200038;
	[tilespmem:$0x1A320] =	vst v63  }
0x3f4: {  	v29 =	vld [tilespmem:s6+$0x20]  }
0x3f5: {  	v27 =	vld [tilespmem:s6+$0xFFFFFFD0]  }
0x3f6: {  	v28 =	vld [tilespmem:s6+$0xFFFFFFE0]  }
0x3f7: {  	v31 =	vld [tilespmem:s6+$0xFFFFFFF0]  }
0x3f8: {  	v34 =	vld [tilespmem:s6+$0x10];
	_ =	sdelay $0x2  }
0x3f9: {  	v33 =	vshrl.u32 v29, $0x4  }
0x3fa: {  	v32 =	vshrl.u32 v31, $0x4;
	v30 =	vshrl.u32 v28, $0x4;
	v35 =	vshra.s32 v31, $0x10  }
0x3fb: {  	v36 =	vshra.s32 v27, $0x10;
	v37 =	vshrl.u32 v34, $0x4;
	v61 =	vshra.s32 v34, $0x10  }
0x3fc: {  	v38 =	vshrl.u32 v27, $0x4;
	v39 =	vshra.s32 v28, $0x10;
	v40 =	vshra.s32 v29, $0x10  }
0x3fd: {  	v30 =	vand.u32 $0xFF0, v30;
	vm1 =	veq.s32 v36, v26;
	v38 =	vand.u32 $0xFF0, v38  }
0x3fe: {  	v41 =	vand.u32 $0xFF0, v32;
	vm4 =	veq.s32 v61, v26;
	v62 =	vand.u32 $0xFF0, v37  }
0x3ff: {  	vm2 =	veq.s32 v35, v26;
	v36 =	vld [tilespmem:s6+$0xFFFFFFC0];
	vm0 =	veq.s32 v39, v26;
	v39 =	vor.u32 v18, v62  }
0x400: {  	v63 =	vand.u32 $0xFF0, v33;
	v35 =	vld [tilespmem:s6+$0x30];
	vm3 =	veq.s32 v40, v26;
	v30 =	vor.u32 v19, v30  }
0x401: {  	s5 =	simm.s32 $0x0;
	v33 =	vld [tilespmem:s6+$0x0];
	s6 =	simm.s32 $0xC0;
	v32 =	vor.u32 v18, v38;
	v37 =	vor.u32 v20, v41;
	v38 =	vor.u32 v19, v63  }
.LBB2_30:
0x402: {  	v40 =	vld [tilespmem:s6+$0x20];
	s5 =	sadd.s32 $0x8, s5  }
0x403: {  	v41 =	vld [tilespmem:s6+$0xFFFFFFD0];
	p2 =	slt.u32 s5, $0x1F8  }
0x404: {  	v42 =	vshra.s32 v36, $0x10;
	v43 =	vshrl.u32 v36, $0x4;
	[tilespmem:v39+s22+$0x0] =	vst.idx.add.f32.msk vm4, v17  }
0x405: {  	vm5 =	veq.s32 v42, v26;
	[tilespmem:v39+s23+$0x0] =	vst.idx.add.f32.msk vm4, v34;
	v34 =	vshra.s32 v35, $0x10;
	v39 =	vshrl.u32 v35, $0x4  }
0x406: {  	v42 =	vand.u32 $0xFF0, v43;
	[tilespmem:v37+s22+$0x0] =	vst.idx.add.f32.msk vm2, v17;
	vm4 =	veq.s32 v34, v26;
	v34 =	vand.u32 $0xFF0, v39  }
0x407: {  	v39 =	vor.u32 v0, v42;
	[tilespmem:v37+s23+$0x0] =	vst.idx.add.f32.msk vm2, v31;
	v37 =	vshra.s32 v33, $0x10;
	v42 =	vor.u32 v20, v34  }
0x408: {  	v43 =	vshrl.u32 v40, $0x4;
	v31 =	vshrl.u32 v33, $0x4;
	[tilespmem:v38+s22+$0x0] =	vst.idx.add.f32.msk vm3, v17  }
0x409: {  	v44 =	vand.u32 $0xFF0, v31;
	[tilespmem:v38+s23+$0x0] =	vst.idx.add.f32.msk vm3, v29;
	v29 =	vmov v40  }
0x40a: {  	v38 =	vld [tilespmem:s6+$0xFFFFFFE0]  }
0x40b: {  	v31 =	vld [tilespmem:s6+$0xFFFFFFF0]  }
0x40c: {  	[tilespmem:v32+s22+$0x0] =	vst.idx.add.f32.msk vm1, v17  }
0x40d: {  	vm2 =	veq.s32 v37, v26;
	v34 =	vld [tilespmem:s6+$0x10]  }
0x40e: {  	v37 =	vor.u32 v0, v44;
	[tilespmem:v39+s22+$0x0] =	vst.idx.add.f32.msk vm5, v17  }
0x40f: {  	[tilespmem:v39+s23+$0x0] =	vst.idx.add.f32.msk vm5, v36  }
0x410: {  	v36 =	vshrl.u32 v31, $0x4;
	[tilespmem:v32+s23+$0x0] =	vst.idx.add.f32.msk vm1, v27;
	v27 =	vmov v41  }
0x411: {  	v32 =	vshrl.u32 v38, $0x4;
	v39 =	vshra.s32 v31, $0x10;
	[tilespmem:v42+s22+$0x0] =	vst.idx.add.f32.msk vm4, v17  }
0x412: {  	v40 =	vshra.s32 v27, $0x10;
	v32 =	vand.u32 $0xFF0, v32;
	v41 =	vshrl.u32 v34, $0x4;
	[tilespmem:v42+s23+$0x0] =	vst.idx.add.f32.msk vm4, v35  }
0x413: {  	vm1 =	veq.s32 v40, v26;
	v40 =	vor.u32 v19, v32;
	v32 =	vshra.s32 v34, $0x10;
	[tilespmem:v37+s22+$0x0] =	vst.idx.add.f32.msk vm2, v17  }
0x414: {  	v44 =	vshra.s32 v29, $0x10;
	v35 =	vshrl.u32 v27, $0x4;
	v42 =	vshra.s32 v38, $0x10;
	[tilespmem:v37+s23+$0x0] =	vst.idx.add.f32.msk vm2, v33  }
.Ltmp13:
0x415: {  	vm4 =	veq.s32 v32, v26;
	v33 =	vand.u32 $0xFF0, v35;
	v35 =	vand.u32 $0xFF0, v36;
	[tilespmem:v30+s22+$0x0] =	vst.idx.add.f32.msk vm0, v17;
	(pc) =	sbr.rel @p2 .LBB2_30-.Ltmp13, $4  }
0x416: {  	vm2 =	veq.s32 v39, v26;
	v32 =	vor.u32 v18, v33;
	v33 =	vand.u32 $0xFF0, v41;
	[tilespmem:v30+s23+$0x0] =	vst.idx.add.f32.msk vm0, v28  }
0x417: {  	v37 =	vor.u32 v20, v35;
	vm0 =	veq.s32 v42, v26;
	v39 =	vor.u32 v18, v33;
	v28 =	vmovc v38;
	v36 =	vld [tilespmem:s6+$0xFFFFFFC0]  }
0x418: {  	vm3 =	veq.s32 v44, v26;
	v38 =	vand.u32 $0xFF0, v43;
	v30 =	vmov v40;
	v35 =	vld [tilespmem:s6+$0x30]  }
0x419: {  	v38 =	vor.u32 v19, v38;
	v33 =	vld [tilespmem:s6+$0x0];
	s6 =	sadd.s32 $0x80, s6  }
0x41a: {  	_ =	sdelay $0x4  }
0x41b: {  	[tilespmem:v39+s22+$0x0] =	vst.idx.add.f32.msk vm4, v17  }
0x41c: {  	[tilespmem:v37+s22+$0x0] =	vst.idx.add.f32.msk vm2, v17  }
0x41d: {  	[tilespmem:v38+s22+$0x0] =	vst.idx.add.f32.msk vm3, v17  }
0x41e: {  	[tilespmem:v32+s22+$0x0] =	vst.idx.add.f32.msk vm1, v17;
	v40 =	vshra.s32 v36, $0x10;
	v41 =	vshrl.u32 v36, $0x4  }
0x41f: {  	[tilespmem:v30+s22+$0x0] =	vst.idx.add.f32.msk vm0, v17;
	vm5 =	veq.s32 v40, v26;
	v47 =	vand.u32 $0xFF0, v41  }
0x420: {  	[tilespmem:v39+s23+$0x0] =	vst.idx.add.f32.msk vm4, v34;
	v48 =	vshra.s32 v35, $0x10;
	v49 =	vshrl.u32 v35, $0x4;
	v34 =	vor.u32 v0, v47  }
0x421: {  	[tilespmem:v37+s23+$0x0] =	vst.idx.add.f32.msk vm2, v31;
	vm2 =	veq.s32 v48, v26;
	v31 =	vand.u32 $0xFF0, v49  }
0x422: {  	[tilespmem:v38+s23+$0x0] =	vst.idx.add.f32.msk vm3, v29;
	v50 =	vshra.s32 v33, $0x10;
	v51 =	vshrl.u32 v33, $0x4;
	v31 =	vor.u32 v20, v31  }
0x423: {  	[tilespmem:v32+s23+$0x0] =	vst.idx.add.f32.msk vm1, v27;
	v29 =	vand.u32 $0xFF0, v51;
	vm3 =	veq.s32 v50, v26  }
0x424: {  	[tilespmem:v30+s23+$0x0] =	vst.idx.add.f32.msk vm0, v28;
	v29 =	vor.u32 v0, v29  }
0x425: {  	[tilespmem:v34+s22+$0x0] =	vst.idx.add.f32.msk vm5, v17  }
0x426: {  	[tilespmem:v34+s23+$0x0] =	vst.idx.add.f32.msk vm5, v36  }
0x427: {  	[tilespmem:v31+s22+$0x0] =	vst.idx.add.f32.msk vm2, v17  }
0x428: {  	[tilespmem:v31+s23+$0x0] =	vst.idx.add.f32.msk vm2, v35  }
0x429: {  	[tilespmem:v29+s22+$0x0] =	vst.idx.add.f32.msk vm3, v17  }
0x42a: {  	p0 =	seq.s32 s10, $0x7;
	[tilespmem:v29+s23+$0x0] =	vst.idx.add.f32.msk vm3, v33  }
0x42b: {  	s2 =	sshrl.u32 @!p0 s2, $0x3;
	_ =	swait.ge [sflag:s25], $0x2000  }
0x42c: {  	s31 =	simm.s32 $0x8040;
	s2 =	sadd.s32 @!p0 s9, s2;
	[sflag:s25] =	ssyncset.done $0x0  }
0x42d: {  	s5 =	simm.s32 @!p0 $0x0;
	s2 =	sadd.s32 @!p0 $0x800, s2;
	[sflag:s25] =	ssyncadd.s32 $0xFFFFE000  }
0x42e: {  	[tilespmem:s5], [sflag:$0x1] =	stream.linear.gather @!p0 [hbm4b:s2+s5], $0x2000, $0x200038;
	[tilespmem:$0x1A320] =	vst v63  }
0x42f: {  	v29 =	vld [tilespmem:s31+$0x20]  }
0x430: {  	v28 =	vld [tilespmem:s31+$0xFFFFFFD0]  }
0x431: {  	v27 =	vld [tilespmem:s31+$0xFFFFFFE0]  }
0x432: {  	v31 =	vld [tilespmem:s31+$0xFFFFFFF0]  }
0x433: {  	v34 =	vld [tilespmem:s31+$0x10];
	_ =	sdelay $0x2  }
0x434: {  	v52 =	vshrl.u32 v29, $0x4  }
0x435: {  	v53 =	vshrl.u32 v31, $0x4;
	v30 =	vshrl.u32 v27, $0x4;
	v54 =	vshra.s32 v31, $0x10  }
0x436: {  	v55 =	vshra.s32 v28, $0x10;
	v56 =	vshrl.u32 v34, $0x4;
	v57 =	vshra.s32 v34, $0x10  }
0x437: {  	v58 =	vshrl.u32 v28, $0x4;
	v59 =	vshra.s32 v27, $0x10;
	v60 =	vshra.s32 v29, $0x10  }
0x438: {  	v30 =	vand.u32 $0xFF0, v30;
	vm1 =	veq.s32 v55, v26;
	v38 =	vand.u32 $0xFF0, v58  }
0x439: {  	v61 =	vand.u32 $0xFF0, v53;
	vm4 =	veq.s32 v57, v26;
	v62 =	vand.u32 $0xFF0, v56  }
0x43a: {  	v36 =	vld [tilespmem:s31+$0xFFFFFFC0];
	vm2 =	veq.s32 v54, v26;
	vm0 =	veq.s32 v59, v26;
	v39 =	vor.u32 v18, v62  }
0x43b: {  	v35 =	vld [tilespmem:s31+$0x30];
	v63 =	vand.u32 $0xFF0, v52;
	vm3 =	veq.s32 v60, v26;
	v30 =	vor.u32 v19, v30  }
0x43c: {  	s2 =	simm.s32 $0x0;
	s5 =	simm.s32 $0x80C0;
	v33 =	vld [tilespmem:s31+$0x0];
	v32 =	vor.u32 v18, v38;
	v37 =	vor.u32 v20, v61;
	v38 =	vor.u32 v19, v63  }
.LBB2_32:
0x43d: {  	v40 =	vld [tilespmem:s5+$0x20];
	s2 =	sadd.s32 $0x8, s2  }
0x43e: {  	v41 =	vld [tilespmem:s5+$0xFFFFFFD0];
	p2 =	slt.u32 s2, $0x1F8  }
0x43f: {  	v42 =	vshra.s32 v36, $0x10;
	v43 =	vshrl.u32 v36, $0x4;
	[tilespmem:v39+s22+$0x0] =	vst.idx.add.f32.msk vm4, v17  }
0x440: {  	vm5 =	veq.s32 v42, v26;
	[tilespmem:v39+s23+$0x0] =	vst.idx.add.f32.msk vm4, v34;
	v34 =	vshra.s32 v35, $0x10;
	v39 =	vshrl.u32 v35, $0x4  }
0x441: {  	v42 =	vand.u32 $0xFF0, v43;
	[tilespmem:v37+s22+$0x0] =	vst.idx.add.f32.msk vm2, v17;
	vm4 =	veq.s32 v34, v26;
	v34 =	vand.u32 $0xFF0, v39  }
0x442: {  	v39 =	vor.u32 v0, v42;
	[tilespmem:v37+s23+$0x0] =	vst.idx.add.f32.msk vm2, v31;
	v37 =	vshra.s32 v33, $0x10;
	v42 =	vor.u32 v20, v34  }
0x443: {  	v43 =	vshrl.u32 v40, $0x4;
	v31 =	vshrl.u32 v33, $0x4;
	[tilespmem:v38+s22+$0x0] =	vst.idx.add.f32.msk vm3, v17  }
0x444: {  	v44 =	vand.u32 $0xFF0, v31;
	[tilespmem:v38+s23+$0x0] =	vst.idx.add.f32.msk vm3, v29;
	v29 =	vmov v40  }
0x445: {  	v38 =	vld [tilespmem:s5+$0xFFFFFFE0]  }
0x446: {  	v31 =	vld [tilespmem:s5+$0xFFFFFFF0]  }
0x447: {  	[tilespmem:v32+s22+$0x0] =	vst.idx.add.f32.msk vm1, v17  }
0x448: {  	vm2 =	veq.s32 v37, v26;
	v34 =	vld [tilespmem:s5+$0x10]  }
0x449: {  	v37 =	vor.u32 v0, v44;
	[tilespmem:v39+s22+$0x0] =	vst.idx.add.f32.msk vm5, v17  }
0x44a: {  	[tilespmem:v39+s23+$0x0] =	vst.idx.add.f32.msk vm5, v36  }
0x44b: {  	v36 =	vshrl.u32 v31, $0x4;
	[tilespmem:v32+s23+$0x0] =	vst.idx.add.f32.msk vm1, v28;
	v28 =	vmov v41  }
0x44c: {  	v32 =	vshrl.u32 v38, $0x4;
	v39 =	vshra.s32 v31, $0x10;
	[tilespmem:v42+s22+$0x0] =	vst.idx.add.f32.msk vm4, v17  }
0x44d: {  	v40 =	vshra.s32 v28, $0x10;
	v32 =	vand.u32 $0xFF0, v32;
	v41 =	vshrl.u32 v34, $0x4;
	[tilespmem:v42+s23+$0x0] =	vst.idx.add.f32.msk vm4, v35  }
0x44e: {  	vm1 =	veq.s32 v40, v26;
	v40 =	vor.u32 v19, v32;
	v32 =	vshra.s32 v34, $0x10;
	[tilespmem:v37+s22+$0x0] =	vst.idx.add.f32.msk vm2, v17  }
0x44f: {  	v44 =	vshra.s32 v29, $0x10;
	v35 =	vshrl.u32 v28, $0x4;
	v42 =	vshra.s32 v38, $0x10;
	[tilespmem:v37+s23+$0x0] =	vst.idx.add.f32.msk vm2, v33  }
.Ltmp14:
0x450: {  	vm4 =	veq.s32 v32, v26;
	v33 =	vand.u32 $0xFF0, v35;
	v35 =	vand.u32 $0xFF0, v36;
	[tilespmem:v30+s22+$0x0] =	vst.idx.add.f32.msk vm0, v17;
	(pc) =	sbr.rel @p2 .LBB2_32-.Ltmp14, $4  }
0x451: {  	vm2 =	veq.s32 v39, v26;
	v32 =	vor.u32 v18, v33;
	v33 =	vand.u32 $0xFF0, v41;
	[tilespmem:v30+s23+$0x0] =	vst.idx.add.f32.msk vm0, v27  }
0x452: {  	v37 =	vor.u32 v20, v35;
	vm0 =	veq.s32 v42, v26;
	v39 =	vor.u32 v18, v33;
	v27 =	vmovc v38;
	v36 =	vld [tilespmem:s5+$0xFFFFFFC0]  }
0x453: {  	vm3 =	veq.s32 v44, v26;
	v38 =	vand.u32 $0xFF0, v43;
	v30 =	vmov v40;
	v35 =	vld [tilespmem:s5+$0x30]  }
0x454: {  	v38 =	vor.u32 v19, v38;
	v33 =	vld [tilespmem:s5+$0x0];
	s5 =	sadd.s32 $0x80, s5  }
0x455: {  	_ =	sdelay $0x4  }
0x456: {  	[tilespmem:v39+s22+$0x0] =	vst.idx.add.f32.msk vm4, v17  }
0x457: {  	[tilespmem:v37+s22+$0x0] =	vst.idx.add.f32.msk vm2, v17  }
0x458: {  	[tilespmem:v38+s22+$0x0] =	vst.idx.add.f32.msk vm3, v17  }
0x459: {  	[tilespmem:v32+s22+$0x0] =	vst.idx.add.f32.msk vm1, v17;
	v40 =	vshra.s32 v36, $0x10;
	v41 =	vshrl.u32 v36, $0x4  }
0x45a: {  	[tilespmem:v30+s22+$0x0] =	vst.idx.add.f32.msk vm0, v17;
	vm5 =	veq.s32 v40, v26;
	v57 =	vand.u32 $0xFF0, v41  }
0x45b: {  	[tilespmem:v39+s23+$0x0] =	vst.idx.add.f32.msk vm4, v34;
	v58 =	vshra.s32 v35, $0x10;
	v59 =	vshrl.u32 v35, $0x4;
	v34 =	vor.u32 v0, v57  }
0x45c: {  	[tilespmem:v37+s23+$0x0] =	vst.idx.add.f32.msk vm2, v31;
	vm14 =	veq.s32 v58, v26;
	v60 =	vand.u32 $0xFF0, v59  }
0x45d: {  	[tilespmem:v38+s23+$0x0] =	vst.idx.add.f32.msk vm3, v29;
	v61 =	vshra.s32 v33, $0x10;
	v62 =	vshrl.u32 v33, $0x4;
	v31 =	vor.u32 v20, v60  }
0x45e: {  	[tilespmem:v32+s23+$0x0] =	vst.idx.add.f32.msk vm1, v28;
	v63 =	vand.u32 $0xFF0, v62;
	vm15 =	veq.s32 v61, v26  }
0x45f: {  	s10 =	sadd.s32 $0x1, s10;
	[tilespmem:v30+s23+$0x0] =	vst.idx.add.f32.msk vm0, v27;
	v29 =	vor.u32 v0, v63  }
0x460: {  	p0 =	sne.s32 s10, $0x8;
	[tilespmem:v34+s22+$0x0] =	vst.idx.add.f32.msk vm5, v17  }
.Ltmp15:
0x461: {  	[tilespmem:v34+s23+$0x0] =	vst.idx.add.f32.msk vm5, v36;
	(pc) =	sbr.rel @p0 .LBB2_29-.Ltmp15, $4  }
0x462: {  	[tilespmem:v31+s22+$0x0] =	vst.idx.add.f32.msk vm14, v17  }
0x463: {  	[tilespmem:v31+s23+$0x0] =	vst.idx.add.f32.msk vm14, v35  }
0x464: {  	[tilespmem:v29+s22+$0x0] =	vst.idx.add.f32.msk vm15, v17  }
0x465: {  	[tilespmem:v29+s23+$0x0] =	vst.idx.add.f32.msk vm15, v33  }
0x466: {  	_ =	strace $0x90000051  }
0x467: {  	s2 =	simm.s32 $0x10000;
	_ =	strace $0x80000052  }
0x468: {  	v26 =	vld [tilespmem:s2+$0x70]  }
0x469: {  	v27 =	vld [tilespmem:s2+$0x1070]  }
0x46a: {  	v28 =	vld [tilespmem:s2+$0x2070]  }
0x46b: {  	v29 =	vld [tilespmem:s2+$0x3070]  }
0x46c: {  	v30 =	vld [tilespmem:s2+$0x1000]  }
0x46d: {  	v31 =	vld [tilespmem:s2+$0x2000]  }
0x46e: {  	v32 =	vld [tilespmem:s2+$0x3000]  }
0x46f: {  	v33 =	vld [tilespmem:s2+$0x10]  }
0x470: {  	v34 =	vld [tilespmem:s2+$0x1010]  }
0x471: {  	v35 =	vld [tilespmem:s2+$0x1020]  }
0x472: {  	v39 =	vld [tilespmem:s2+$0x2020]  }
0x473: {  	v40 =	vld [tilespmem:s2+$0x3020]  }
0x474: {  	v41 =	vld [tilespmem:s2+$0x30]  }
0x475: {  	v42 =	vld [tilespmem:s2+$0x1030]  }
0x476: {  	v43 =	vld [tilespmem:s2+$0x2030]  }
0x477: {  	v44 =	vld [tilespmem:s2+$0x3030]  }
0x478: {  	v45 =	vld [tilespmem:s2+$0x40]  }
0x479: {  	v46 =	vld [tilespmem:s2+$0x1040]  }
0x47a: {  	v47 =	vld [tilespmem:s2+$0x2040]  }
0x47b: {  	v48 =	vld [tilespmem:s2+$0x3040]  }
0x47c: {  	v49 =	vld [tilespmem:s2+$0x50]  }
0x47d: {  	v50 =	vld [tilespmem:s2+$0x1050]  }
0x47e: {  	v51 =	vld [tilespmem:s2+$0x2050]  }
0x47f: {  	v52 =	vld [tilespmem:s2+$0x3050]  }
0x480: {  	v53 =	vld [tilespmem:s2+$0x3060]  }
0x481: {  	v54 =	vld [tilespmem:s2+$0x0];
	v26 =	vadd.f32 v27, v26;
	v27 =	vadd.f32 v29, v28  }
0x482: {  	v28 =	vld [tilespmem:s2+$0x2010]  }
0x483: {  	v29 =	vld [tilespmem:s2+$0x3010];
	v26 =	vadd.f32 v27, v26  }
0x484: {  	v33 =	vadd.f32 v34, v33;
	v34 =	vld [tilespmem:s2+$0x1060]  }
0x485: {  	s10 =	simm.s32 $0x14000;
	v27 =	vld [tilespmem:s2+$0x20];
	[tilespmem:s2+$0x70] =	vst v26  }
0x486: {  	v31 =	vadd.f32 v32, v31;
	v30 =	vadd.f32 v30, v54;
	v26 =	vld [tilespmem:s10+$0x70]  }
0x487: {  	v36 =	vld [tilespmem:s10+$0x1070]  }
0x488: {  	v30 =	vadd.f32 v31, v30;
	v37 =	vld [tilespmem:s10+$0x2070]  }
0x489: {  	v38 =	vld [tilespmem:s10+$0x3070]  }
0x48a: {  	[tilespmem:s2+$0x0] =	vst v30;
	v28 =	vadd.f32 v29, v28;
	v29 =	vld [tilespmem:s2+$0x60]  }
0x48b: {  	v59 =	vld [tilespmem:s10+$0x1000]  }
0x48c: {  	v57 =	vadd.f32 v46, v45;
	v46 =	vld [tilespmem:s10+$0x2000];
	v28 =	vadd.f32 v28, v33  }
0x48d: {  	v60 =	vld [tilespmem:s10+$0x3000]  }
0x48e: {  	v33 =	vld [tilespmem:s2+$0x2060];
	v27 =	vadd.f32 v35, v27;
	[tilespmem:s2+$0x10] =	vst v28;
	v28 =	vadd.f32 v40, v39  }
0x48f: {  	v39 =	vld [tilespmem:s10+$0x10]  }
0x490: {  	v55 =	vld [tilespmem:s10+$0x2010];
	v27 =	vadd.f32 v28, v27  }
0x491: {  	v56 =	vld [tilespmem:s10+$0x3010]  }
0x492: {  	v58 =	vadd.f32 v48, v47;
	v28 =	vld [tilespmem:s10+$0x1010];
	[tilespmem:s2+$0x20] =	vst v27  }
0x493: {  	v41 =	vadd.f32 v42, v41;
	v32 =	vld [tilespmem:s10+$0x20]  }
0x494: {  	v27 =	vadd.f32 v44, v43;
	v43 =	vadd.f32 v58, v57;
	v35 =	vld [tilespmem:s10+$0x1020]  }
0x495: {  	v31 =	vld [tilespmem:s10+$0x2020]  }
0x496: {  	v27 =	vadd.f32 v27, v41;
	v41 =	vld [tilespmem:s10+$0x0];
	[tilespmem:s2+$0x40] =	vst v43  }
0x497: {  	v54 =	vld [tilespmem:s10+$0x40]  }
0x498: {  	v55 =	vadd.f32 v56, v55;
	v56 =	vld [tilespmem:s10+$0x1040]  }
0x499: {  	v61 =	vadd.f32 v50, v49;
	v62 =	vadd.f32 v52, v51;
	v57 =	vld [tilespmem:s10+$0x2040]  }
0x49a: {  	[tilespmem:s2+$0x30] =	vst v27;
	v27 =	vld [tilespmem:s10+$0x3020]  }
0x49b: {  	v51 =	vadd.f32 v62, v61;
	v30 =	vld [tilespmem:s10+$0x30]  }
0x49c: {  	v26 =	vadd.f32 v36, v26;
	v37 =	vadd.f32 v38, v37;
	v63 =	vld [tilespmem:s10+$0x1030]  }
0x49d: {  	v29 =	vadd.f32 v34, v29;
	v33 =	vadd.f32 v53, v33;
	v50 =	vld [tilespmem:s10+$0x2030]  }
0x49e: {  	v60 =	vadd.f32 v60, v46;
	v28 =	vadd.f32 v28, v39;
	v52 =	vld [tilespmem:s10+$0x3030]  }
0x49f: {  	[tilespmem:s2+$0x50] =	vst v51;
	v26 =	vadd.f32 v37, v26;
	v29 =	vadd.f32 v33, v29;
	v58 =	vld [tilespmem:s10+$0x3040]  }
0x4a0: {  	v61 =	vld [tilespmem:s10+$0x1050];
	v28 =	vadd.f32 v55, v28;
	v59 =	vadd.f32 v59, v41  }
0x4a1: {  	[tilespmem:s10+$0x70] =	vst v26;
	v26 =	vld [tilespmem:s10+$0x2050];
	v32 =	vadd.f32 v35, v32;
	v27 =	vadd.f32 v27, v31  }
0x4a2: {  	v31 =	vld [tilespmem:s10+$0x50];
	v62 =	vadd.f32 v60, v59;
	v30 =	vadd.f32 v63, v30  }
0x4a3: {  	[tilespmem:s2+$0x60] =	vst v29;
	v36 =	vadd.f32 v52, v50;
	v29 =	vadd.f32 v27, v32;
	v27 =	vld [tilespmem:s10+$0x3050]  }
0x4a4: {  	[tilespmem:s10+$0x10] =	vst v28;
	v28 =	vld [tilespmem:s10+$0x60];
	v34 =	vadd.f32 v56, v54;
	v33 =	vadd.f32 v58, v57  }
0x4a5: {  	[tilespmem:s10+$0x0] =	vst v62;
	v63 =	vadd.f32 v36, v30;
	v30 =	vld [tilespmem:s10+$0x1060]  }
0x4a6: {  	v33 =	vadd.f32 v33, v34;
	[tilespmem:s10+$0x20] =	vst v29;
	v29 =	vld [tilespmem:s10+$0x2060]  }
0x4a7: {  	s5 =	simm.s32 $0x10080;
	s2 =	simm.s32 $0x0;
	[tilespmem:s10+$0x30] =	vst v63;
	v32 =	vadd.f32 v61, v31;
	v31 =	vld [tilespmem:s10+$0x3060]  }
.LBB2_35:
0x4a8: {  	v34 =	vld [tilespmem:s5+$0x70];
	[tilespmem:s10+$0x40] =	vst v33;
	v26 =	vadd.f32 v27, v26  }
0x4a9: {  	v27 =	vld [tilespmem:s5+$0x1070]  }
0x4aa: {  	v33 =	vld [tilespmem:s5+$0x2070];
	v26 =	vadd.f32 v26, v32;
	v28 =	vadd.f32 v30, v28  }
0x4ab: {  	v30 =	vld [tilespmem:s5+$0x3070]  }
0x4ac: {  	v32 =	vld [tilespmem:s5+$0x1000];
	[tilespmem:s10+$0x50] =	vst v26;
	v26 =	vadd.f32 v31, v29  }
0x4ad: {  	v29 =	vld [tilespmem:s5+$0x2000]  }
0x4ae: {  	s2 =	sadd.s32 $0x8, s2;
	v31 =	vld [tilespmem:s5+$0x3000];
	v26 =	vadd.f32 v26, v28  }
0x4af: {  	p2 =	slt.u32 s2, $0xF8;
	v28 =	vld [tilespmem:s5+$0x10]  }
0x4b0: {  	v27 =	vadd.f32 v27, v34;
	v35 =	vld [tilespmem:s5+$0x1010];
	v30 =	vadd.f32 v30, v33;
	[tilespmem:s10+$0x60] =	vst v26  }
0x4b1: {  	v26 =	vld [tilespmem:s5+$0x2010]  }
0x4b2: {  	v33 =	vld [tilespmem:s5+$0x3010];
	v27 =	vadd.f32 v30, v27  }
0x4b3: {  	v29 =	vadd.f32 v31, v29;
	v30 =	vld [tilespmem:s5+$0x20]  }
0x4b4: {  	s10 =	sadd.s32 $0x80, s10;
	v31 =	vld [tilespmem:s5+$0x1020];
	[tilespmem:s5+$0x70] =	vst v27  }
0x4b5: {  	v27 =	vadd.f32 v35, v28;
	v28 =	vld [tilespmem:s10+$0x70]  }
0x4b6: {  	v34 =	vld [tilespmem:s10+$0x1070]  }
0x4b7: {  	v26 =	vadd.f32 v33, v26;
	v33 =	vld [tilespmem:s10+$0x2070]  }
0x4b8: {  	v35 =	vld [tilespmem:s10+$0x3070]  }
0x4b9: {  	v26 =	vadd.f32 v26, v27;
	v27 =	vadd.f32 v31, v30;
	v30 =	vld [tilespmem:s5+$0x2020]  }
0x4ba: {  	v31 =	vld [tilespmem:s5+$0x3020]  }
0x4bb: {  	[tilespmem:s5+$0x10] =	vst v26;
	v26 =	vld [tilespmem:s5+$0x30]  }
0x4bc: {  	v36 =	vld [tilespmem:s5+$0x1030]  }
0x4bd: {  	v28 =	vadd.f32 v34, v28;
	v37 =	vld [tilespmem:s5+$0x2030];
	v33 =	vadd.f32 v35, v33  }
0x4be: {  	v34 =	vld [tilespmem:s5+$0x3030]  }
0x4bf: {  	v30 =	vadd.f32 v31, v30;
	v31 =	vld [tilespmem:s5+$0x40];
	v28 =	vadd.f32 v33, v28  }
0x4c0: {  	v33 =	vld [tilespmem:s5+$0x1040]  }
0x4c1: {  	v27 =	vadd.f32 v30, v27;
	v26 =	vadd.f32 v36, v26;
	v30 =	vld [tilespmem:s5+$0x2040];
	[tilespmem:s10+$0x70] =	vst v28  }
0x4c2: {  	v28 =	vld [tilespmem:s5+$0x3040]  }
0x4c3: {  	[tilespmem:s5+$0x20] =	vst v27;
	v27 =	vadd.f32 v34, v37;
	v34 =	vld [tilespmem:s5+$0x50]  }
0x4c4: {  	v35 =	vld [tilespmem:s5+$0x1050]  }
0x4c5: {  	v26 =	vadd.f32 v27, v26;
	v27 =	vadd.f32 v33, v31;
	v31 =	vld [tilespmem:s5+$0x2050]  }
0x4c6: {  	v33 =	vld [tilespmem:s5+$0x3050]  }
0x4c7: {  	[tilespmem:s5+$0x30] =	vst v26;
	v26 =	vadd.f32 v28, v30;
	v28 =	vld [tilespmem:s5+$0x60]  }
0x4c8: {  	v30 =	vld [tilespmem:s5+$0x1060]  }
0x4c9: {  	v26 =	vadd.f32 v26, v27;
	v27 =	vadd.f32 v35, v34;
	v34 =	vld [tilespmem:s5+$0x2060]  }
0x4ca: {  	v35 =	vld [tilespmem:s5+$0x3060]  }
0x4cb: {  	v36 =	vld [tilespmem:s5+$0x0];
	[tilespmem:s5+$0x40] =	vst v26;
	v26 =	vadd.f32 v33, v31  }
0x4cc: {  	v31 =	vld [tilespmem:s10+$0x10]  }
0x4cd: {  	v33 =	vld [tilespmem:s10+$0x1010];
	v26 =	vadd.f32 v26, v27;
	v27 =	vadd.f32 v30, v28  }
0x4ce: {  	v28 =	vld [tilespmem:s10+$0x2010]  }
0x4cf: {  	v30 =	vld [tilespmem:s10+$0x3010];
	[tilespmem:s5+$0x50] =	vst v26;
	v26 =	vadd.f32 v35, v34  }
0x4d0: {  	v32 =	vadd.f32 v32, v36;
	v34 =	vld [tilespmem:s10+$0x20]  }
0x4d1: {  	v35 =	vld [tilespmem:s10+$0x1020];
	v26 =	vadd.f32 v26, v27  }
0x4d2: {  	v27 =	vadd.f32 v29, v32;
	v29 =	vadd.f32 v33, v31;
	v31 =	vld [tilespmem:s10+$0x2020]  }
0x4d3: {  	v32 =	vld [tilespmem:s10+$0x3020];
	[tilespmem:s5+$0x60] =	vst v26  }
0x4d4: {  	[tilespmem:s5+$0x0] =	vst v27;
	v26 =	vadd.f32 v30, v28;
	v27 =	vld [tilespmem:s10+$0x30]  }
0x4d5: {  	v28 =	vld [tilespmem:s10+$0x0]  }
0x4d6: {  	v30 =	vld [tilespmem:s10+$0x1000];
	v26 =	vadd.f32 v26, v29;
	v29 =	vadd.f32 v35, v34  }
0x4d7: {  	v33 =	vld [tilespmem:s10+$0x2000]  }
0x4d8: {  	v34 =	vld [tilespmem:s10+$0x3000];
	[tilespmem:s10+$0x10] =	vst v26;
	v26 =	vadd.f32 v32, v31  }
0x4d9: {  	v31 =	vld [tilespmem:s10+$0x1030]  }
0x4da: {  	v26 =	vadd.f32 v26, v29;
	v29 =	vld [tilespmem:s10+$0x2030]  }
0x4db: {  	v28 =	vadd.f32 v30, v28;
	v30 =	vld [tilespmem:s10+$0x3030]  }
0x4dc: {  	[tilespmem:s10+$0x20] =	vst v26;
	v26 =	vld [tilespmem:s10+$0x40]  }
0x4dd: {  	v32 =	vadd.f32 v34, v33;
	v33 =	vld [tilespmem:s10+$0x1040]  }
0x4de: {  	v27 =	vadd.f32 v31, v27;
	v31 =	vld [tilespmem:s10+$0x2040]  }
0x4df: {  	v28 =	vadd.f32 v32, v28;
	v32 =	vld [tilespmem:s10+$0x3040]  }
0x4e0: {  	v29 =	vadd.f32 v30, v29;
	v34 =	vld [tilespmem:s10+$0x50]  }
0x4e1: {  	[tilespmem:s10+$0x0] =	vst v28;
	v35 =	vld [tilespmem:s10+$0x1050]  }
0x4e2: {  	v28 =	vadd.f32 v29, v27;
	v29 =	vadd.f32 v33, v26;
	v26 =	vld [tilespmem:s10+$0x2050]  }
.Ltmp16:
0x4e3: {  	v27 =	vld [tilespmem:s10+$0x3050];
	(pc) =	sbr.rel @p2 .LBB2_35-.Ltmp16, $4  }
0x4e4: {  	[tilespmem:s10+$0x30] =	vst v28;
	v31 =	vadd.f32 v32, v31;
	v28 =	vld [tilespmem:s10+$0x60]  }
0x4e5: {  	v30 =	vld [tilespmem:s10+$0x1060]  }
0x4e6: {  	v33 =	vadd.f32 v31, v29;
	v32 =	vadd.f32 v35, v34;
	v29 =	vld [tilespmem:s10+$0x2060]  }
0x4e7: {  	s5 =	sadd.s32 $0x80, s5;
	v31 =	vld [tilespmem:s10+$0x3060]  }
0x4e8: {  	_ =	sdelay $0x2  }
0x4e9: {  	v26 =	vadd.f32 v27, v26  }
0x4ea: {  	v27 =	vadd.f32 v30, v28;
	v55 =	vadd.f32 v31, v29  }
0x4eb: {  	v26 =	vadd.f32 v26, v32  }
0x4ec: {  	[tilespmem:s10+$0x40] =	vst v33;
	v27 =	vadd.f32 v55, v27  }
0x4ed: {  	[tilespmem:s10+$0x50] =	vst v26  }
0x4ee: {  	s5 =	simm.s32 $0x80;
	s6 =	simm.s32 $0x1A020;
	s2 =	simm.s32 $0x5;
	[tilespmem:s10+$0x60] =	vst v27  }
0x4ef: {  	[spmem:s0] =	stream.indirect.scatter.add.f32 [tilespmem:s22], [sflag:$0x5], $0x10, s6, s5, $0x2000b8;
	[tilespmem:$0x1A320] =	vst v63  }
0x4f0: {  	_ =	swait.ge [sflag:s2], $0x800  }
0x4f1: {  	[sflag:s2] =	ssyncset.done $0x0  }
0x4f2: {  	s17 =	simm.s32 $0x1A0A0;
	s12 =	simm.s32 $0x10800;
	[sflag:s2] =	ssyncadd.s32 $0xFFFFF800  }
0x4f3: {  	[spmem:s0] =	stream.indirect.scatter.add.f32 [tilespmem:s12], [sflag:$0x5], $0x10, s17, s5, $0x2000b8;
	[tilespmem:$0x1A320] =	vst v63  }
0x4f4: {  	_ =	swait.ge [sflag:s2], $0x800  }
0x4f5: {  	[sflag:s2] =	ssyncset.done $0x0  }
0x4f6: {  	[sflag:s2] =	ssyncadd.s32 $0xFFFFF800  }
0x4f7: {  	[spmem:s8] =	stream.indirect.scatter.add.f32 [tilespmem:s23], [sflag:$0x5], $0x10, s6, s5, $0x2000b8;
	[tilespmem:$0x1A320] =	vst v63  }
0x4f8: {  	_ =	swait.ge [sflag:s2], $0x800  }
0x4f9: {  	[sflag:s2] =	ssyncset.done $0x0  }
0x4fa: {  	s20 =	simm.s32 $0x14800;
	[sflag:s2] =	ssyncadd.s32 $0xFFFFF800  }
0x4fb: {  	[spmem:s8] =	stream.indirect.scatter.add.f32 [tilespmem:s20], [sflag:$0x5], $0x10, s17, s5, $0x2000b8;
	[tilespmem:$0x1A320] =	vst v63  }
0x4fc: {  	_ =	swait.ge [sflag:s2], $0x800  }
0x4fd: {  	[sflag:s2] =	ssyncset.done $0x0  }
0x4fe: {  	[sflag:s2] =	ssyncadd.s32 $0xFFFFF800  }
0x4ff: {  	s21 =	simm.s32 $0x18000;
	[bflag:$0x0] =	sbarrier.arrive $0xFFFF  }
0x500: {  	[tilespmem:s21], [sflag:$0x5] =	stream.linear.gather [spmem:s0], $0x1000, $0x200038;
	[tilespmem:$0x1A320] =	vst v63  }
0x501: {  	_ =	swait.ge [sflag:s2], $0x1000  }
0x502: {  	[sflag:s2] =	ssyncset.done $0x0  }
0x503: {  	s24 =	simm.s32 $0x19000;
	[sflag:s2] =	ssyncadd.s32 $0xFFFFF000  }
0x504: {  	[tilespmem:s24], [sflag:$0x5] =	stream.linear.gather [spmem:s8], $0x1000, $0x200038;
	[tilespmem:$0x1A320] =	vst v63  }
0x505: {  	_ =	swait.ge [sflag:s2], $0x1000  }
0x506: {  	[sflag:s2] =	ssyncset.done $0x0  }
0x507: {  	[sflag:s2] =	ssyncadd.s32 $0xFFFFF000  }
0x508: {  	_ =	strace $0x90000052  }
0x509: {  	s26 =	simm.s32 $0xFF0;
	_ =	strace $0x80000053  }
0x50a: {  	v26 =	vld [tilespmem:s26+$0x18000];
	_ =	sdelay $0x4  }
0x50b: {  	(xrf2) =	vadd.scan.msk.f32 $0xffff, v26;
	_ =	sdelay $0x4  }
0x50c: {  	v26 =	vld [tilespmem:s26+$0x19000];
	_ =	sdelay $0x1  }
0x50d: {  	s28 =	simm.s32 $0xFE0  }
0x50e: {  	v27 =	vld [tilespmem:s28+$0x18000]  }
0x50f: {  	s29 =	simm.s32 $0xFD0;
	v56 =	vld [tilespmem:s28+$0x19000]  }
0x510: {  	v58 =	vld [tilespmem:s29+$0x18000];
	v57, _, _ =	vpop (xrf2);
	(xrf2) =	vadd.scan.msk.f32 $0xffff, v26  }
0x511: {  	v59 =	vld [tilespmem:s29+$0x19000];
	(v2sf) =	vpush v57, $0xF;
	_ =	sdelay $0x1  }
0x512: {  	(xrf2) =	vadd.scan.msk.f32 $0xffff, v27  }
0x513: {  	(xrf2) =	vadd.scan.msk.f32 $0xffff, v56  }
0x514: {  	(xrf2) =	vadd.scan.msk.f32 $0xffff, v58  }
0x515: {  	(xrf2) =	vadd.scan.msk.f32 $0xffff, v59;
	_ =	sdelay $0x2  }
0x516: {  	s30 =	simm.s32 $0xFC0  }
0x517: {  	v26 =	vld [tilespmem:s30+$0x18000];
	v60, _, _ =	vpop (xrf2)  }
0x518: {  	v27 =	vld [tilespmem:s30+$0x19000];
	(v2sf) =	vpush v60, $0xF;
	_ =	sdelay $0x1  }
0x519: {  	v62, _, _ =	vpop (xrf2)  }
0x51a: {  	(v2sf) =	vpush v62, $0xF;
	v63, _, _ =	vpop (xrf2)  }
0x51b: {  	(xrf2) =	vadd.scan.msk.f32 $0xffff, v26;
	(v2sf) =	vpush v63, $0xF;
	v26, _, _ =	vpop (xrf2)  }
0x51c: {  	s31 =	simm.s32 $0xFB0;
	(xrf2) =	vadd.scan.msk.f32 $0xffff, v27;
	v27, _, _ =	vpop (xrf2);
	s16 =	spop (v2sf);
	(v2sf) =	vpush v26, $0xF  }
0x51d: {  	v61 =	vld [tilespmem:s31+$0x18000];
	(v2sf) =	vpush v27, $0xF;
	_ =	sdelay $0x3  }
0x51e: {  	s12 =	simm.f32 $0.0e+00  }
0x51f: {  	p2 =	por $0x0, $0x0;
	s13 =	simm.f32 $0.0e+00;
	s6 =	ssub.f32 s4, s12;
	(xrf2) =	vadd.scan.msk.f32 $0xffff, v61  }
0x520: {  	p3 =	por !p2, !p2;
	s17 =	simm.s32 $0xFA0;
	v26 =	vld [tilespmem:s31+$0x19000];
	s10 =	sadd.f32 s16, s12  }
0x521: {  	s5 =	simm.f32 $0.0e+00;
	s8 =	simm.s32 $0x3E40;
	s2 =	simm.f32 $0.0e+00  }
.LBB2_37:
0x522: {  	s14 =	smov.u32 s12;
	p1 =	sge.f32 s10, s4  }
0x523: {  	p0 =	sne.s32 s8, $0x0;
	s20 =	ssub.f32 s4, s10;
	s15 =	spop (v2sf)  }
0x524: {  	v27 =	vld [tilespmem:s17+$0x18000];
	s12 =	sadd.f32 s15, s12  }
.Ltmp17:
0x525: {  	p4 =	por !p1, !p3;
	p2 =	por p2, p1;
	(xrf2) =	vadd.scan.msk.f32 $0xffff, v26;
	v26, _, _ =	vpop (xrf2);
	(pc) =	sbr.rel @p0 .LBB2_37-.Ltmp17, $4  }
0x526: {  	p3 =	por !p2, !p2;
	p1 =	por !p4, !p4;
	(v2sf) =	vpush v26, $0xF;
	s12 =	smov.u32 @p2 s14  }
0x527: {  	s2 =	smov.u32 @p1 s6;
	s6 =	smov.u32 s20;
	v26 =	vld [tilespmem:s17+$0x19000];
	s14 =	spop (v2sf)  }
0x528: {  	s13 =	smov.u32 @p1 s16;
	v28, _, _ =	vpop (xrf2);
	s10 =	sadd.f32 s14, s10;
	s16 =	smov.u32 s14  }
0x529: {  	s5 =	smov.u32 @p1 s15;
	s17 =	sshra.s32 s8, $0x2;
	s8 =	sadd.s32 $0xFFFFFFC0, s8;
	(xrf2) =	vadd.scan.msk.f32 $0xffff, v27;
	(v2sf) =	vpush v28, $0xF  }
0x52a: {  	_ =	sdelay $0x1  }
0x52b: {  	v27 =	vld [tilespmem:s17+$0x18000];
	_ =	sdelay $0x3  }
0x52c: {  	(xrf2) =	vadd.scan.msk.f32 $0xffff, v26  }
0x52d: {  	v54, _, _ =	vpop (xrf2);
	(xrf2) =	vadd.scan.msk.f32 $0xffff, v27  }
0x52e: {  	(v2sf) =	vpush v54, $0xF;
	v56, _, _ =	vpop (xrf2)  }
0x52f: {  	(v2sf) =	vpush v56, $0xF;
	v57, _, _ =	vpop (xrf2)  }
0x530: {  	(v2sf) =	vpush v57, $0xF;
	_ =	sdelay $0x1  }
0x531: {  	v55 =	vld [tilespmem:s17+$0x19000];
	_ =	sdelay $0x1  }
0x532: {  	s30 =	spop (v2sf);
	p1 =	sge.f32 s10, s4  }
0x533: {  	s14 =	spop (v2sf)  }
0x534: {  	s17 =	sadd.f32 s14, s10;
	p4 =	por p2, p1;
	v58, _, _ =	vpop (xrf2)  }
0x535: {  	s8 =	spop (v2sf);
	p1 =	por !p1, !p3;
	s0 =	simm.s32 @!p4 $0x0;
	(xrf2) =	vadd.scan.msk.f32 $0xffff, v55;
	(v2sf) =	vpush v58, $0xF;
	v59, _, _ =	vpop (xrf2)  }
0x536: {  	p2 =	por !p4, !p4;
	p3 =	por !p1, !p1;
	s0 =	simm.s32 @p4 $0x1;
	(v2sf) =	vpush v59, $0xF  }
0x537: {  	p0 =	sge.f32 s17, s4;
	[smem:$0x7F6] =	sst s0;
	s0 =	simm.s32 @!p3 $0x0  }
0x538: {  	s13 =	smov.u32 @p3 s16;
	s0 =	simm.s32 @p3 $0x1;
	s15 =	spop (v2sf)  }
0x539: {  	p2 =	por !p0, !p2;
	p4 =	por p4, p0;
	s16 =	sadd.f32 s15, s17  }
0x53a: {  	[smem:$0x7F7] =	sst s0;
	p1 =	por !p2, !p2;
	s28 =	spop (v2sf)  }
0x53b: {  	s13 =	smov.u32 @p1 s14;
	p3 =	sge.f32 s16, s4;
	s14 =	spop (v2sf)  }
0x53c: {  	s0 =	simm.s32 @!p1 $0x0;
	s20 =	sadd.f32 s14, s16;
	s21 =	spop (v2sf)  }
0x53d: {  	p6 =	por !p4, !p4;
	s0 =	simm.s32 @p1 $0x1;
	s24 =	spop (v2sf)  }
0x53e: {  	p2 =	por !p3, !p6;
	p5 =	sge.f32 s20, s4;
	s26 =	sadd.f32 s24, s20  }
0x53f: {  	[smem:$0x7F8] =	sst s0;
	v60, _, _ =	vpop (xrf2);
	p3 =	por p4, p3;
	p1 =	por !p2, !p2  }
0x540: {  	(v2sf) =	vpush v60, $0xF;
	s0 =	simm.s32 @!p1 $0x0;
	p6 =	por p3, p5;
	p0 =	sge.f32 s26, s4  }
0x541: {  	s13 =	smov.u32 @p1 s15;
	s0 =	simm.s32 @p1 $0x1;
	p1 =	por !p6, !p6  }
0x542: {  	p1 =	por !p0, !p1  }
0x543: {  	[smem:$0x7F9] =	sst s0;
	s15 =	simm.s32 @!p1 $0x0  }
0x544: {  	s29 =	spop (v2sf);
	p0 =	por p6, p0;
	s15 =	simm.s32 @p1 $0x1  }
0x545: {  	s31 =	spop (v2sf);
	[smem:$0x7F5] =	sst s15;
	s15 =	simm.s32 @!p0 $0x0  }
0x546: {  	s0 =	sadd.f32 s31, s26;
	s15 =	simm.s32 @p0 $0x1  }
0x547: {  	p2 =	por !p3, !p3;
	[smem:$0x7FA] =	sst s15  }
0x548: {  	p2 =	por !p5, !p2;
	p1 =	sge.f32 s0, s4;
	s15 =	sld [smem:$0x7F5]  }
0x549: {  	p5 =	por !p2, !p2  }
0x54a: {  	s13 =	smov.u32 @p5 s14;
	p2 =	por !p0, !p0;
	s0 =	simm.s32 @!p1 $0x0  }
0x54b: {  	s0 =	simm.s32 @p1 $0x1;
	p0 =	seq.s32 s15, $0x1;
	s15 =	sld [smem:$0x7F6]  }
0x54c: {  	p2 =	por !p1, !p2;
	[smem:$0x7FB] =	sst s0;
	p0 =	por !p0, !p0  }
0x54d: {  	p2 =	por !p2, !p2;
	s0 =	sadd.f32 s30, s12;
	s13 =	smov.u32 @p0 s24  }
0x54e: {  	p1 =	seq.s32 s15, $0x1;
	s13 =	smov.u32 @p2 s31  }
0x54f: {  	s31 =	sld [smem:$0x7F7];
	s0 =	smov.u32 @p1 s12;
	v61 =	vmov s13;
	s13 =	spop (v2sf)  }
0x550: {  	s12 =	sadd.f32 s8, s0;
	_ =	strace $0x90000053  }
0x551: {  	s14 =	sld [smem:$0x7F8]  }
0x552: {  	s15 =	sld [smem:$0x7F9]  }
0x553: {  	p1 =	seq.s32 s31, $0x1;
	s24 =	sld [smem:$0x7FB]  }
0x554: {  	s12 =	smov.u32 @p4 s0;
	s2 =	smov.u32 @p1 s6;
	s6 =	ssub.f32 s4, s10  }
0x555: {  	v26 =	vmax.f32 v61, $1.000000000e+00;
	s5 =	smov.u32 @p1 s30;
	s0 =	sadd.f32 s28, s12;
	p1 =	seq.s32 s14, $0x1  }
0x556: {  	v26 =	vbroadcast v26, $0x0;
	s2 =	smov.u32 @p1 s6;
	s6 =	ssub.f32 s4, s17  }
0x557: {  	s0 =	smov.u32 @p3 s12;
	s17 =	sld [smem:$0x7FA]  }
0x558: {  	(erf) = vrcp.f32 v26;
	s5 =	smov.u32 @p1 s8;
	p1 =	seq.s32 s15, $0x1;
	s8 =	sadd.f32 s21, s0  }
0x559: {  	s5 =	smov.u32 @p1 s28;
	s2 =	smov.u32 @p1 s6;
	s6 =	ssub.f32 s4, s16  }
0x55a: {  	v24 =	vbroadcast v24, $0xF;
	s5 =	smov.u32 @p5 s21;
	s21 =	rddreg [dreg:$0xe];
	s8 =	smov.u32 @p6 s0  }
0x55b: {  	s0 =	sadd.f32 s29, s8  }
0x55c: {  	vm0 =	vgt.f32 v24, $0.0e+00;
	s2 =	smov.u32 @p5 s6;
	s6 =	ssub.f32 s4, s20  }
0x55d: {  	v24 =	vnsel vm0, $0x3F800000, v24;
	s4 =	ssub.f32 s4, s26  }
0x55e: {  	(erf) = vrcp.f32 v24;
	s20 =	rddreg [dreg:$0xd]  }
0x55f: {  	p1 =	seq.s32 s17, $0x1;
	s26 =	rddreg [dreg:$0xf]  }
0x560: {  	s5 =	smov.u32 @p0 s29;
	s0 =	smov.u32 @p1 s8;
	s8 =	sadd.f32 s21, s20  }
0x561: {  	p6 =	seq.s32 s24, $0x1;
	s5 =	smov.u32 @p2 s13;
	v62 =	vpop (erf);
	s10 =	sadd.f32 s13, s0  }
0x562: {  	s2 =	smov.u32 @p0 s6;
	p1 =	por p1, p6;
	v24 =	vmul.f32 s5, v62;
	s5 =	sadd.f32 s26, s8  }
0x563: {  	s31 =	sld [smem:$0x7FC];
	s2 =	smov.u32 @p2 s4;
	s10 =	smov.u32 @p1 s0  }
0x564: {  	s0 =	sadd.f32 s10, s5;
	v24 =	vmul.f32 s2, v24;
	_ =	sdelay $0x1  }
0x565: {  	s28 =	sld [smem:$0x7FD];
	p1 =	seq.s32 s31, $0x1;
	v24 =	vadd.f32 s0, v24  }
.Ltmp18:
0x566: {  	v63 =	vpop (erf);
	(pc) =	sbr.rel @p1 .LBB2_2-.Ltmp18, $4  }
0x567: {  	s30 =	simm.s32 $0xE000;
	v24 =	vmul.f32 v24, v63  }
0x568: {  	v25 =	vbroadcast v25, $0xF;
	s15 =	rddreg [dreg:$0x0];
	s24 =	simm.s32 $0xA000;
	p5 =	seq.s32 s28, $0x1  }
0x569: {  	s29 =	simm.s32 $0x6000;
	p0 =	por $0x0, $0x0;
	s20 =	rddreg [dreg:$0x5];
	v24 =	vnsel vm0, $0x0, v24  }
0x56a: {  	v22 =	vadd.f32 v25, v22;
	s21 =	rddreg [dreg:$0x6];
	s26 =	simm.s32 $0xC000;
	s2 =	simm.s32 $0x1;
	v21 =	vadd.f32 v24, v21  }
0x56b: {  	vm0 =	vcmask @!p5 $0x3F08  }
0x56c: {  	v22 =	vsel @!p5 vm0, $0x0, v22;
	vm0 =	vmmov @!p5 $0x1  }
0x56d: {  	[bflag:$0x0] =	sbarrier.arrive $0xFFFF;
	v21 =	vsel @!p5 vm0, v21, v22  }
0x56e: {  	s0 =	simm.s32 @!p5 $0x0;
	s2 =	simm.s32 @!p5 $0x1A010;
	s4 =	rddreg [dreg:$0xa];
	[tilespmem:$0x1A010] =	vst @!p5 v21  }
0x56f: {  	[hbm4b:s4+s0] =	stream.linear.scatter @!p5 [tilespmem:s2], [sflag:$0x5], $0x10, $0x38;
	[tilespmem:$0x1A320] =	vst v63  }
0x570: {  	s0 =	simm.s32 @!p5 $0x5  }
0x571: {  	_ =	swait.ge @!p5 [sflag:s0], $0x10  }
0x572: {  	s28 =	rddreg [dreg:$0xc]  }
0x573: {  	s31 =	rddreg [dreg:$0xb];
	s4 =	sadd.s32 $0x1, s28  }
0x574: {  	p0 =	sne.s32 s4, s31  }
.Ltmp19:
0x575: {  	_ = 	snop;
	(pc) =	sbr.rel @p0 .LBB2_1-.Ltmp19, $3  }
0x576: {  	_ =	sdelay $0x1  }
0x577: {  	[sflag:s0] =	ssyncset.done @!p5 $0x0  }
0x578: {  	[sflag:s0] =	ssyncadd.s32 @!p5 $0xFFFFFFF0  }
0x579: {  	_ =	sfence.sel $0x180000  }
0x57a: {  	[bflag:$0x0] =	sbarrier.arrive $0xFFFF  }
0x57b: {  	_ =	strace $0x90000047  }
0x57c: {  	[bflag:$0x2] =	sbarrier.arrive $0xFFFF  }
0x57d: {  	s0 =	rddreg [dreg:$0x7]  }
0x57e: {  	s0 =	sadd.s32 @!p5 $0x100000, s0  }
0x57f: {  	[sflag:s0] =	ssyncadd.tile.s32 @!p5 $0x1;
	_ =	shalt  }
.Lfunc_end2:
_tile_overlayer_lowered:
.L_overlay_start_2:
0x580: {  	(tag) =	ssettag $0x2  }
0x581: {  	s0 =	rddreg [dreg:$0x0];
	s2 =	stileid.u32  }
0x582: {  	s1 =	rddreg [dreg:$0x1];
	p0 =	sne.s32 s2, $0x0  }
0x583: {  	s3 =	rddreg [dreg:$0x2];
	[bflag:$0x3] =	sbarrier.arrive $0xFFFF;
	s2 =	simm.s32 @!p0 $0x1C05  }
0x584: {  	[timem:s3], [sflag:s2] =	dma.local @!p0 [hbm:s0], s1  }
0x585: {  	s0 =	simm.s32 @!p0 $0x5  }
0x586: {  	_ =	swait.ge @!p0 [sflag:s0], s1  }
0x587: {  	s1 =	ssub.s32 @!p0 $0x0, s1;
	[sflag:s0] =	ssyncset.done @!p0 $0x0  }
0x588: {  	[sflag:s0] =	ssyncadd.s32 @!p0 s1  }
0x589: {  	[bflag:$0x3] =	sbarrier.arrive $0xFFFF  }
0x58a: {  	_ =	shalt  }

</sc_bundles>
